<compile_context>
chip_gen: v7x
topology: tpu7x:2x2x1
jax: 0.10.2.dev20260603
libtpu: 0.0.44.dev20260713+nightly
codegen_flags: <defaults>
</compile_context>

<pallas_src>
import functools

import jax
import jax.numpy as jnp
from jax import lax
from jax.experimental import pallas as pl
from jax.experimental.pallas import tpu as pltpu
from jax.experimental.pallas import tpu_sc as plsc

B, L = 16384, 200
VOCAB, DIM = 10, 3
NC, NS = 2, 16
NW = NC * NS
RPW = B // NW
CH = 64
NCHUNK = RPW // CH
LT = 192

_mesh = plsc.VectorSubcoreMesh(core_axis_name="c", subcore_axis_name="s")


@functools.partial(
    pl.kernel,
    mesh=_mesh,
    out_type=jax.ShapeDtypeStruct((B * DIM,), jnp.float32),
    scratch_types=[
        pltpu.VMEM((2, 2, CH, L), jnp.int32),
        pltpu.VMEM((2 * CH * 16,), jnp.float32),
        pltpu.VMEM((2 * VOCAB * DIM, 16), jnp.float32),
        pltpu.VMEM((CH * DIM,), jnp.float32),
        pltpu.SemaphoreType.DMA,
        pltpu.SemaphoreType.DMA,
        pltpu.SemaphoreType.DMA,
        pltpu.SemaphoreType.DMA,
    ],
    compiler_params=pltpu.CompilerParams(needs_layout_passes=False),
)
def _sc_merge(
    f1_hbm, f2_hbm, tb_hbm, out_hbm, fb, hist, tbv, ob,
    sem_s0f1, sem_s0f2, sem_s1f1, sem_s1f2,
):
    sem_in = ((sem_s0f1, sem_s0f2), (sem_s1f1, sem_s1f2))
    f_hbm = (f1_hbm, f2_hbm)
    wid = lax.axis_index("s") * NC + lax.axis_index("c")
    pltpu.sync_copy(tb_hbm, tbv)
    iota = lax.iota(jnp.int32, 16)
    ones = jnp.ones((16,), jnp.float32)
    zeros = jnp.zeros((16,), jnp.float32)
    def start_in(c, slot):
        row0 = pl.multiple_of(wid * RPW + c * CH, CH)
        for f in (0, 1):
            pltpu.async_copy(
                f_hbm[f].at[pl.ds(row0, CH)], fb.at[slot, f], sem_in[slot][f]
            )

    def wait_in(slot):
        for f in (0, 1):
            pltpu.make_async_copy(
                f_hbm[f].at[pl.ds(0, CH)], fb.at[slot, f], sem_in[slot][f]
            ).wait()

    start_in(0, 0)
    start_in(1, 1)

    def chunk2(c2, _):
        for sl in (0, 1):
            c = c2 * 2 + sl
            wait_in(sl)

            @plsc.parallel_loop(0, 2 * CH, unroll=8)
            def _zero(i):
                hist[pl.ds(i * 16, 16)] = zeros

            @plsc.parallel_loop(0, CH)
            def _p1row(r, sl=sl):
                bvec = jnp.full((16,), 0, jnp.int32) + r * 32
                for blk in range(0, 12, 4):
                    idx = []
                    for k in range(blk, blk + 4):
                        v1 = fb[sl, 0, r, pl.ds(k * 16, 16)]
                        v2 = fb[sl, 1, r, pl.ds(k * 16, 16)]
                        idx.append((bvec + v1, bvec + 16 + v2))
                    for i1, i2 in idx:
                        plsc.addupdate_scatter(hist, [i1], ones)
                        plsc.addupdate_scatter(hist, [i2], ones)

            @pl.when(c2 < (NCHUNK // 2 - 1))
            def _():
                start_in(c + 2, sl)

            @plsc.parallel_loop(0, CH // 16)
            def _p2(g):
                rows = g * 16 + iota
                rbins = rows * 32
                acc = [zeros, zeros, zeros]
                for v in range(VOCAB):
                    c1 = plsc.load_gather(hist, [rbins + v])
                    c2v = plsc.load_gather(hist, [rbins + (16 + v)])
                    for d in range(DIM):
                        acc[d] = acc[d] + c1 * tbv[v * DIM + d] + c2v * tbv[(VOCAB + v) * DIM + d]
                rows3 = rows * 3
                for d in range(DIM):
                    plsc.store_scatter(ob, [rows3 + d], acc[d])

            pltpu.sync_copy(
                ob, out_hbm.at[pl.ds((wid * RPW + c * CH) * DIM, CH * DIM)]
            )
        return 0

    lax.fori_loop(0, NCHUNK // 2, chunk2, 0)


TROWS = 2048


def _tc_tail_body(f1_ref, f2_ref, t1_ref, t2_ref, o_ref):
    f1 = f1_ref[...]
    f2 = f2_ref[...]
    h1 = jnp.stack(
        [jnp.sum((f1 == v).astype(jnp.float32), axis=1) for v in range(VOCAB)],
        axis=1,
    )
    h2 = jnp.stack(
        [jnp.sum((f2 == v).astype(jnp.float32), axis=1) for v in range(VOCAB)],
        axis=1,
    )
    acc = jnp.dot(h1, t1_ref[...], preferred_element_type=jnp.float32)
    acc += jnp.dot(h2, t2_ref[...], preferred_element_type=jnp.float32)
    o_ref[...] = acc * jnp.float32(1.0 / L)


def _tc_tail(feature_1, feature_2, table_1, table_2):
    return pl.pallas_call(
        _tc_tail_body,
        grid=(B // TROWS,),
        in_specs=[
            pl.BlockSpec((TROWS, L - LT), lambda i: (i, 0)),
            pl.BlockSpec((TROWS, L - LT), lambda i: (i, 0)),
            pl.BlockSpec((VOCAB, DIM), lambda i: (0, 0)),
            pl.BlockSpec((VOCAB, DIM), lambda i: (0, 0)),
        ],
        out_specs=pl.BlockSpec((TROWS, DIM), lambda i: (i, 0)),
        out_shape=jax.ShapeDtypeStruct((B, DIM), jnp.float32),
    )(feature_1, feature_2, table_1, table_2)


def kernel(feature_1, feature_2, table_1, table_2):
    tb = jnp.concatenate([table_1.reshape(-1), table_2.reshape(-1)])
    tb = jnp.broadcast_to((tb * jnp.float32(1.0 / L))[:, None], (2 * VOCAB * DIM, 16))
    main = _sc_merge(feature_1, feature_2, tb).reshape(B, DIM)
    tail = _tc_tail(feature_1[:, LT:], feature_2[:, LT:], table_1, table_2)
    return main + tail

# --- scband reference (transcript-rebuilt; emitter-appended) ---
"""Pipeline reference for scband-embedding-merger-11879879542286 (READ-ONLY COPY).

The authoritative reference and input builder live on the scoring server;
editing this copy changes nothing except your own understanding.
"""

import jax, jax.numpy as jnp
import numpy as np

B, L = 16384, 200
VOCAB, DIM = 10, 3


def setup_inputs(seed: int = 0) -> dict:
    key = jax.random.key(seed)
    k1, k2, k3, k4 = jax.random.split(key, 4)
    feature_1 = jax.random.randint(k1, (B, L), 0, VOCAB, dtype=jnp.int32)
    feature_2 = jax.random.randint(k2, (B, L), 0, VOCAB, dtype=jnp.int32)
    # Embedding tables, one per feature (keras Embedding(10, 3) default uniform init)
    table_1 = jax.random.uniform(k3, (VOCAB, DIM), dtype=jnp.float32, minval=-0.05, maxval=0.05)
    table_2 = jax.random.uniform(k4, (VOCAB, DIM), dtype=jnp.float32, minval=-0.05, maxval=0.05)
    return {
        "feature_1": feature_1,
        "feature_2": feature_2,
        "table_1": table_1,
        "table_2": table_2,
    }


def reference(feature_1, feature_2, table_1, table_2):
    # Per-feature embedding lookup: [B, L] -> [B, L, D]
    e1 = jnp.take(table_1, feature_1, axis=0)
    e2 = jnp.take(table_2, feature_2, axis=0)
    # Mean-pool over the sequence axis (tf.reduce_mean, axis=1): [B, D]
    m1 = jnp.mean(e1, axis=1)
    m2 = jnp.mean(e2, axis=1)
    # Add() merge across features
    return m1 + m2

if __name__ == "__main__":
    import jax
    _d = setup_inputs()
    print(jax.jit(kernel)(*tuple(_d.values())))

</pallas_src>

<mosaic_0001>
#map = affine_map<(d0, d1) -> (0, 0)>
#map1 = affine_map<(d0, d1) -> (0)>
module attributes {stable_mosaic.version = 14 : i64} {
  func.func @_sc_merge(%arg0: i32, %arg1: i32, %arg2: memref<16384x200xi32, #tpu.memory_space<hbm>>, %arg3: memref<16384x200xi32, #tpu.memory_space<hbm>>, %arg4: memref<60x16xf32, #tpu.memory_space<hbm>>, %arg5: memref<49152xf32, #tpu.memory_space<hbm>>, %arg6: memref<2x2x64x200xi32, #tpu.memory_space<vmem>>, %arg7: memref<2048xf32, #tpu.memory_space<vmem>>, %arg8: memref<60x16xf32, #tpu.memory_space<vmem>>, %arg9: memref<192xf32, #tpu.memory_space<vmem>>, %arg10: memref<!tpu.dma_semaphore, #tpu.memory_space<semaphore_mem>>, %arg11: memref<!tpu.dma_semaphore, #tpu.memory_space<semaphore_mem>>, %arg12: memref<!tpu.dma_semaphore, #tpu.memory_space<semaphore_mem>>, %arg13: memref<!tpu.dma_semaphore, #tpu.memory_space<semaphore_mem>>) attributes {dimension_semantics = [#tpu.dimension_semantics<core_parallel>, #tpu.dimension_semantics<subcore_parallel>], iteration_bounds = array<i64: 2, 16>, scalar_prefetch = 0 : i64, scratch_operands = 8 : i64, tpu.core_type = #tpu.core_type<sc_vector_subcore>, window_params = [{transform_indices = #map}, {transform_indices = #map}, {transform_indices = #map}, {transform_indices = #map1}]} {
    %mul3A = arith.constant 2 : i32
    %mul3A_0 = arith.muli %arg1, %mul3A : i32
    %add3A = arith.addi %mul3A_0, %arg0 : i32
    "tpu.region"() ({
      %run_scoped3A = tpu.sem_alloc : memref<!tpu.dma_semaphore, #tpu.memory_space<semaphore_mem>>
      tpu.enqueue_dma source(%arg4 : memref<60x16xf32, #tpu.memory_space<hbm>>) target(%arg8 : memref<60x16xf32, #tpu.memory_space<vmem>>) target_semaphore(%run_scoped3A : memref<!tpu.dma_semaphore, #tpu.memory_space<semaphore_mem>>)
      tpu.wait_dma2 semaphore(%run_scoped3A : memref<!tpu.dma_semaphore, #tpu.memory_space<semaphore_mem>>) src(%arg4 : memref<60x16xf32, #tpu.memory_space<hbm>>) dst(%arg8 : memref<60x16xf32, #tpu.memory_space<vmem>>)
      tpu.yield
    }) : () -> ()
    %iota3A = tpu.iota {dimensions = array<i32: 0>} : vector<16xi32>
    %broadcast_in_dim3A = arith.constant 1.000000e+00 : f32
    %broadcast_in_dim3A_1 = vector.broadcast %broadcast_in_dim3A : f32 to vector<16xf32>
    %broadcast_in_dim3A_2 = arith.constant 0.000000e+00 : f32
    %broadcast_in_dim3A_3 = vector.broadcast %broadcast_in_dim3A_2 : f32 to vector<16xf32>
    %mul3A_4 = arith.constant 512 : i32
    %mul3A_5 = arith.muli %add3A, %mul3A_4 : i32
    %add3A_6 = arith.constant 0 : i32
    %add3A_7 = arith.addi %mul3A_5, %add3A_6 : i32
    %multiple_of3A = tpu.assume_multiple %add3A_7, 64 : i32
    %dma_start3A = arith.constant 0 : i32
    %dma_start3A_8 = arith.constant 0 : i32
    %dma_start3A_9 = arith.constant 0 : i32
    %dma_start3A_10 = arith.constant 0 : i32
    %dma_start3A_11 = tpu.memref_slice %arg6[%dma_start3A, %dma_start3A_8, %dma_start3A_9, %dma_start3A_10] : memref<2x2x64x200xi32, #tpu.memory_space<vmem>> -> memref<1x1x64x200xi32, #tpu.memory_space<vmem>>
    %dma_start3A_12 = tpu.memref_squeeze %dma_start3A_11 : memref<1x1x64x200xi32, #tpu.memory_space<vmem>> -> memref<64x200xi32, #tpu.memory_space<vmem>>
    %dma_start3A_13 = arith.constant 0 : i32
    %dma_start3A_14 = tpu.memref_slice %arg2[%multiple_of3A, %dma_start3A_13] : memref<16384x200xi32, #tpu.memory_space<hbm>> -> memref<64x200xi32, #tpu.memory_space<hbm>>
    %dma_start3A_15 = arith.constant 0 : i32
    %dma_start3A_16 = arith.constant 0 : i32
    %dma_start3A_17 = tpu.memref_slice %arg6[%dma_start3A, %dma_start3A_8, %dma_start3A_15, %dma_start3A_16] : memref<2x2x64x200xi32, #tpu.memory_space<vmem>> -> memref<1x1x64x200xi32, #tpu.memory_space<vmem>>
    %dma_start3A_18 = tpu.memref_squeeze %dma_start3A_17 : memref<1x1x64x200xi32, #tpu.memory_space<vmem>> -> memref<64x200xi32, #tpu.memory_space<vmem>>
    %dma_start3A_19 = arith.constant 0 : i32
    %dma_start3A_20 = tpu.memref_slice %arg2[%multiple_of3A, %dma_start3A_19] : memref<16384x200xi32, #tpu.memory_space<hbm>> -> memref<64x200xi32, #tpu.memory_space<hbm>>
    tpu.enqueue_dma source(%dma_start3A_20 : memref<64x200xi32, #tpu.memory_space<hbm>>) target(%dma_start3A_18 : memref<64x200xi32, #tpu.memory_space<vmem>>) target_semaphore(%arg10 : memref<!tpu.dma_semaphore, #tpu.memory_space<semaphore_mem>>)
    %dma_start3A_21 = arith.constant 0 : i32
    %dma_start3A_22 = arith.constant 1 : i32
    %dma_start3A_23 = arith.constant 0 : i32
    %dma_start3A_24 = arith.constant 0 : i32
    %dma_start3A_25 = tpu.memref_slice %arg6[%dma_start3A_21, %dma_start3A_22, %dma_start3A_23, %dma_start3A_24] : memref<2x2x64x200xi32, #tpu.memory_space<vmem>> -> memref<1x1x64x200xi32, #tpu.memory_space<vmem>>
    %dma_start3A_26 = tpu.memref_squeeze %dma_start3A_25 : memref<1x1x64x200xi32, #tpu.memory_space<vmem>> -> memref<64x200xi32, #tpu.memory_space<vmem>>
    %dma_start3A_27 = arith.constant 0 : i32
    %dma_start3A_28 = tpu.memref_slice %arg3[%multiple_of3A, %dma_start3A_27] : memref<16384x200xi32, #tpu.memory_space<hbm>> -> memref<64x200xi32, #tpu.memory_space<hbm>>
    %dma_start3A_29 = arith.constant 0 : i32
    %dma_start3A_30 = arith.constant 0 : i32
    %dma_start3A_31 = tpu.memref_slice %arg6[%dma_start3A_21, %dma_start3A_22, %dma_start3A_29, %dma_start3A_30] : memref<2x2x64x200xi32, #tpu.memory_space<vmem>> -> memref<1x1x64x200xi32, #tpu.memory_space<vmem>>
    %dma_start3A_32 = tpu.memref_squeeze %dma_start3A_31 : memref<1x1x64x200xi32, #tpu.memory_space<vmem>> -> memref<64x200xi32, #tpu.memory_space<vmem>>
    %dma_start3A_33 = arith.constant 0 : i32
    %dma_start3A_34 = tpu.memref_slice %arg3[%multiple_of3A, %dma_start3A_33] : memref<16384x200xi32, #tpu.memory_space<hbm>> -> memref<64x200xi32, #tpu.memory_space<hbm>>
    tpu.enqueue_dma source(%dma_start3A_34 : memref<64x200xi32, #tpu.memory_space<hbm>>) target(%dma_start3A_32 : memref<64x200xi32, #tpu.memory_space<vmem>>) target_semaphore(%arg11 : memref<!tpu.dma_semaphore, #tpu.memory_space<semaphore_mem>>)
    %mul3A_35 = arith.constant 512 : i32
    %mul3A_36 = arith.muli %add3A, %mul3A_35 : i32
    %add3A_37 = arith.constant 64 : i32
    %add3A_38 = arith.addi %mul3A_36, %add3A_37 : i32
    %multiple_of3A_39 = tpu.assume_multiple %add3A_38, 64 : i32
    %dma_start3A_40 = arith.constant 1 : i32
    %dma_start3A_41 = arith.constant 0 : i32
    %dma_start3A_42 = arith.constant 0 : i32
    %dma_start3A_43 = arith.constant 0 : i32
    %dma_start3A_44 = tpu.memref_slice %arg6[%dma_start3A_40, %dma_start3A_41, %dma_start3A_42, %dma_start3A_43] : memref<2x2x64x200xi32, #tpu.memory_space<vmem>> -> memref<1x1x64x200xi32, #tpu.memory_space<vmem>>
    %dma_start3A_45 = tpu.memref_squeeze %dma_start3A_44 : memref<1x1x64x200xi32, #tpu.memory_space<vmem>> -> memref<64x200xi32, #tpu.memory_space<vmem>>
    %dma_start3A_46 = arith.constant 0 : i32
    %dma_start3A_47 = tpu.memref_slice %arg2[%multiple_of3A_39, %dma_start3A_46] : memref<16384x200xi32, #tpu.memory_space<hbm>> -> memref<64x200xi32, #tpu.memory_space<hbm>>
    %dma_start3A_48 = arith.constant 0 : i32
    %dma_start3A_49 = arith.constant 0 : i32
    %dma_start3A_50 = tpu.memref_slice %arg6[%dma_start3A_40, %dma_start3A_41, %dma_start3A_48, %dma_start3A_49] : memref<2x2x64x200xi32, #tpu.memory_space<vmem>> -> memref<1x1x64x200xi32, #tpu.memory_space<vmem>>
    %dma_start3A_51 = tpu.memref_squeeze %dma_start3A_50 : memref<1x1x64x200xi32, #tpu.memory_space<vmem>> -> memref<64x200xi32, #tpu.memory_space<vmem>>
    %dma_start3A_52 = arith.constant 0 : i32
    %dma_start3A_53 = tpu.memref_slice %arg2[%multiple_of3A_39, %dma_start3A_52] : memref<16384x200xi32, #tpu.memory_space<hbm>> -> memref<64x200xi32, #tpu.memory_space<hbm>>
    tpu.enqueue_dma source(%dma_start3A_53 : memref<64x200xi32, #tpu.memory_space<hbm>>) target(%dma_start3A_51 : memref<64x200xi32, #tpu.memory_space<vmem>>) target_semaphore(%arg12 : memref<!tpu.dma_semaphore, #tpu.memory_space<semaphore_mem>>)
    %dma_start3A_54 = arith.constant 1 : i32
    %dma_start3A_55 = arith.constant 1 : i32
    %dma_start3A_56 = arith.constant 0 : i32
    %dma_start3A_57 = arith.constant 0 : i32
    %dma_start3A_58 = tpu.memref_slice %arg6[%dma_start3A_54, %dma_start3A_55, %dma_start3A_56, %dma_start3A_57] : memref<2x2x64x200xi32, #tpu.memory_space<vmem>> -> memref<1x1x64x200xi32, #tpu.memory_space<vmem>>
    %dma_start3A_59 = tpu.memref_squeeze %dma_start3A_58 : memref<1x1x64x200xi32, #tpu.memory_space<vmem>> -> memref<64x200xi32, #tpu.memory_space<vmem>>
    %dma_start3A_60 = arith.constant 0 : i32
    %dma_start3A_61 = tpu.memref_slice %arg3[%multiple_of3A_39, %dma_start3A_60] : memref<16384x200xi32, #tpu.memory_space<hbm>> -> memref<64x200xi32, #tpu.memory_space<hbm>>
    %dma_start3A_62 = arith.constant 0 : i32
    %dma_start3A_63 = arith.constant 0 : i32
    %dma_start3A_64 = tpu.memref_slice %arg6[%dma_start3A_54, %dma_start3A_55, %dma_start3A_62, %dma_start3A_63] : memref<2x2x64x200xi32, #tpu.memory_space<vmem>> -> memref<1x1x64x200xi32, #tpu.memory_space<vmem>>
    %dma_start3A_65 = tpu.memref_squeeze %dma_start3A_64 : memref<1x1x64x200xi32, #tpu.memory_space<vmem>> -> memref<64x200xi32, #tpu.memory_space<vmem>>
    %dma_start3A_66 = arith.constant 0 : i32
    %dma_start3A_67 = tpu.memref_slice %arg3[%multiple_of3A_39, %dma_start3A_66] : memref<16384x200xi32, #tpu.memory_space<hbm>> -> memref<64x200xi32, #tpu.memory_space<hbm>>
    tpu.enqueue_dma source(%dma_start3A_67 : memref<64x200xi32, #tpu.memory_space<hbm>>) target(%dma_start3A_65 : memref<64x200xi32, #tpu.memory_space<vmem>>) target_semaphore(%arg13 : memref<!tpu.dma_semaphore, #tpu.memory_space<semaphore_mem>>)
    %scan3A = arith.constant 0 : i32
    %scan3A_68 = arith.constant 0 : i32
    %scan3A_69 = arith.constant 4 : i32
    %scan3A_70 = arith.addi %scan3A_68, %scan3A_69 : i32
    %scan3A_71 = arith.constant 1 : i32
    %scan3A_72 = scf.for %scan3A_74 = %scan3A_68 to %scan3A_70 step %scan3A_71 iter_args(%scan3A_75 = %scan3A) -> (i32)  : i32 {
      %mul3A_76 = arith.constant 2 : i32
      %mul3A_77 = arith.muli %scan3A_74, %mul3A_76 : i32
      %add3A_78 = arith.constant 0 : i32
      %add3A_79 = arith.addi %mul3A_77, %add3A_78 : i32
      %dma_wait3A = arith.constant 0 : i32
      %dma_wait3A_80 = arith.constant 0 : i32
      %dma_wait3A_81 = arith.constant 0 : i32
      %dma_wait3A_82 = arith.constant 0 : i32
      %dma_wait3A_83 = tpu.memref_slice %arg6[%dma_wait3A, %dma_wait3A_80, %dma_wait3A_81, %dma_wait3A_82] : memref<2x2x64x200xi32, #tpu.memory_space<vmem>> -> memref<1x1x64x200xi32, #tpu.memory_space<vmem>>
      %dma_wait3A_84 = tpu.memref_squeeze %dma_wait3A_83 : memref<1x1x64x200xi32, #tpu.memory_space<vmem>> -> memref<64x200xi32, #tpu.memory_space<vmem>>
      %dma_wait3A_85 = arith.constant 0 : i32
      %dma_wait3A_86 = arith.constant 0 : i32
      %dma_wait3A_87 = tpu.memref_slice %arg2[%dma_wait3A_85, %dma_wait3A_86] : memref<16384x200xi32, #tpu.memory_space<hbm>> -> memref<64x200xi32, #tpu.memory_space<hbm>>
      %dma_wait3A_88 = arith.constant 0 : i32
      %dma_wait3A_89 = arith.constant 0 : i32
      %dma_wait3A_90 = tpu.memref_slice %arg6[%dma_wait3A, %dma_wait3A_80, %dma_wait3A_88, %dma_wait3A_89] : memref<2x2x64x200xi32, #tpu.memory_space<vmem>> -> memref<1x1x64x200xi32, #tpu.memory_space<vmem>>
      %dma_wait3A_91 = tpu.memref_squeeze %dma_wait3A_90 : memref<1x1x64x200xi32, #tpu.memory_space<vmem>> -> memref<64x200xi32, #tpu.memory_space<vmem>>
      %dma_wait3A_92 = arith.constant 0 : i32
      %dma_wait3A_93 = arith.constant 0 : i32
      %dma_wait3A_94 = tpu.memref_slice %arg2[%dma_wait3A_92, %dma_wait3A_93] : memref<16384x200xi32, #tpu.memory_space<hbm>> -> memref<64x200xi32, #tpu.memory_space<hbm>>
      tpu.wait_dma2 semaphore(%arg10 : memref<!tpu.dma_semaphore, #tpu.memory_space<semaphore_mem>>) src(%dma_wait3A_94 : memref<64x200xi32, #tpu.memory_space<hbm>>) dst(%dma_wait3A_91 : memref<64x200xi32, #tpu.memory_space<vmem>>)
      %dma_wait3A_95 = arith.constant 0 : i32
      %dma_wait3A_96 = arith.constant 1 : i32
      %dma_wait3A_97 = arith.constant 0 : i32
      %dma_wait3A_98 = arith.constant 0 : i32
      %dma_wait3A_99 = tpu.memref_slice %arg6[%dma_wait3A_95, %dma_wait3A_96, %dma_wait3A_97, %dma_wait3A_98] : memref<2x2x64x200xi32, #tpu.memory_space<vmem>> -> memref<1x1x64x200xi32, #tpu.memory_space<vmem>>
      %dma_wait3A_100 = tpu.memref_squeeze %dma_wait3A_99 : memref<1x1x64x200xi32, #tpu.memory_space<vmem>> -> memref<64x200xi32, #tpu.memory_space<vmem>>
      %dma_wait3A_101 = arith.constant 0 : i32
      %dma_wait3A_102 = arith.constant 0 : i32
      %dma_wait3A_103 = tpu.memref_slice %arg3[%dma_wait3A_101, %dma_wait3A_102] : memref<16384x200xi32, #tpu.memory_space<hbm>> -> memref<64x200xi32, #tpu.memory_space<hbm>>
      %dma_wait3A_104 = arith.constant 0 : i32
      %dma_wait3A_105 = arith.constant 0 : i32
      %dma_wait3A_106 = tpu.memref_slice %arg6[%dma_wait3A_95, %dma_wait3A_96, %dma_wait3A_104, %dma_wait3A_105] : memref<2x2x64x200xi32, #tpu.memory_space<vmem>> -> memref<1x1x64x200xi32, #tpu.memory_space<vmem>>
      %dma_wait3A_107 = tpu.memref_squeeze %dma_wait3A_106 : memref<1x1x64x200xi32, #tpu.memory_space<vmem>> -> memref<64x200xi32, #tpu.memory_space<vmem>>
      %dma_wait3A_108 = arith.constant 0 : i32
      %dma_wait3A_109 = arith.constant 0 : i32
      %dma_wait3A_110 = tpu.memref_slice %arg3[%dma_wait3A_108, %dma_wait3A_109] : memref<16384x200xi32, #tpu.memory_space<hbm>> -> memref<64x200xi32, #tpu.memory_space<hbm>>
      tpu.wait_dma2 semaphore(%arg11 : memref<!tpu.dma_semaphore, #tpu.memory_space<semaphore_mem>>) src(%dma_wait3A_110 : memref<64x200xi32, #tpu.memory_space<hbm>>) dst(%dma_wait3A_107 : memref<64x200xi32, #tpu.memory_space<vmem>>)
      %parallel_loop3A = arith.constant 0 : i32
      %parallel_loop3A_111 = arith.constant 128 : i32
      %parallel_loop3A_112 = arith.constant 1 : i32
      scf.for %parallel_loop3A_186 = %parallel_loop3A to %parallel_loop3A_111 step %parallel_loop3A_112  : i32 {
        %parallel_loop3A_187 = arith.constant 16 : i32
        %parallel_loop3A_188 = arith.muli %parallel_loop3A_186, %parallel_loop3A_187 : i32
        %parallel_loop3A_189 = arith.index_cast %parallel_loop3A_188 : i32 to index
        %parallel_loop3A_190 = tpu.vector_load %arg7[%parallel_loop3A_189] {strides = array<i32>} : memref<2048xf32, #tpu.memory_space<vmem>>, vector<16xf32>,
        tpu.vector_store %arg7[%parallel_loop3A_189], %broadcast_in_dim3A_3 {strides = array<i32>} : memref<2048xf32, #tpu.memory_space<vmem>>, vector<16xf32>,
      } {sc.loop_unroll_factor = 8 : i64, sc.parallel_access}
      %parallel_loop3A_113 = arith.constant 0 : i32
      %parallel_loop3A_114 = arith.constant 64 : i32
      %parallel_loop3A_115 = arith.constant 1 : i32
      scf.for %parallel_loop3A_186 = %parallel_loop3A_113 to %parallel_loop3A_114 step %parallel_loop3A_115  : i32 {
        %parallel_loop3A_187 = arith.constant 0 : i32
        %parallel_loop3A_188 = vector.broadcast %parallel_loop3A_187 : i32 to vector<16xi32>
        %parallel_loop3A_189 = arith.constant 32 : i32
        %parallel_loop3A_190 = arith.muli %parallel_loop3A_186, %parallel_loop3A_189 : i32
        %parallel_loop3A_191 = vector.broadcast %parallel_loop3A_190 : i32 to vector<16xi32>
        %parallel_loop3A_192 = arith.addi %parallel_loop3A_188, %parallel_loop3A_191 : vector<16xi32>
        %parallel_loop3A_193 = arith.constant 0 : i32
        %parallel_loop3A_194 = arith.constant 0 : i32
        %parallel_loop3A_195 = arith.index_cast %parallel_loop3A_193 : i32 to index
        %parallel_loop3A_196 = arith.index_cast %parallel_loop3A_194 : i32 to index
        %parallel_loop3A_197 = arith.index_cast %parallel_loop3A_186 : i32 to index
        %parallel_loop3A_198 = arith.constant 0 : index
        %parallel_loop3A_199 = tpu.vector_load %arg6[%parallel_loop3A_195, %parallel_loop3A_196, %parallel_loop3A_197, %parallel_loop3A_198] {strides = array<i32>} : memref<2x2x64x200xi32, #tpu.memory_space<vmem>>, vector<16xi32>,
        %parallel_loop3A_200 = arith.constant 0 : i32
        %parallel_loop3A_201 = arith.constant 1 : i32
        %parallel_loop3A_202 = arith.index_cast %parallel_loop3A_200 : i32 to index
        %parallel_loop3A_203 = arith.index_cast %parallel_loop3A_201 : i32 to index
        %parallel_loop3A_204 = arith.index_cast %parallel_loop3A_186 : i32 to index
        %parallel_loop3A_205 = arith.constant 0 : index
        %parallel_loop3A_206 = tpu.vector_load %arg6[%parallel_loop3A_202, %parallel_loop3A_203, %parallel_loop3A_204, %parallel_loop3A_205] {strides = array<i32>} : memref<2x2x64x200xi32, #tpu.memory_space<vmem>>, vector<16xi32>,
        %parallel_loop3A_207 = arith.addi %parallel_loop3A_192, %parallel_loop3A_199 : vector<16xi32>
        %parallel_loop3A_208 = arith.constant 16 : i32
        %parallel_loop3A_209 = vector.broadcast %parallel_loop3A_208 : i32 to vector<16xi32>
        %parallel_loop3A_210 = arith.addi %parallel_loop3A_192, %parallel_loop3A_209 : vector<16xi32>
        %parallel_loop3A_211 = arith.addi %parallel_loop3A_210, %parallel_loop3A_206 : vector<16xi32>
        %parallel_loop3A_212 = arith.constant 0 : i32
        %parallel_loop3A_213 = arith.constant 0 : i32
        %parallel_loop3A_214 = arith.index_cast %parallel_loop3A_212 : i32 to index
        %parallel_loop3A_215 = arith.index_cast %parallel_loop3A_213 : i32 to index
        %parallel_loop3A_216 = arith.index_cast %parallel_loop3A_186 : i32 to index
        %parallel_loop3A_217 = arith.constant 16 : index
        %parallel_loop3A_218 = tpu.vector_load %arg6[%parallel_loop3A_214, %parallel_loop3A_215, %parallel_loop3A_216, %parallel_loop3A_217] {strides = array<i32>} : memref<2x2x64x200xi32, #tpu.memory_space<vmem>>, vector<16xi32>,
        %parallel_loop3A_219 = arith.constant 0 : i32
        %parallel_loop3A_220 = arith.constant 1 : i32
        %parallel_loop3A_221 = arith.index_cast %parallel_loop3A_219 : i32 to index
        %parallel_loop3A_222 = arith.index_cast %parallel_loop3A_220 : i32 to index
        %parallel_loop3A_223 = arith.index_cast %parallel_loop3A_186 : i32 to index
        %parallel_loop3A_224 = arith.constant 16 : index
        %parallel_loop3A_225 = tpu.vector_load %arg6[%parallel_loop3A_221, %parallel_loop3A_222, %parallel_loop3A_223, %parallel_loop3A_224] {strides = array<i32>} : memref<2x2x64x200xi32, #tpu.memory_space<vmem>>, vector<16xi32>,
        %parallel_loop3A_226 = arith.addi %parallel_loop3A_192, %parallel_loop3A_218 : vector<16xi32>
        %parallel_loop3A_227 = arith.constant 16 : i32
        %parallel_loop3A_228 = vector.broadcast %parallel_loop3A_227 : i32 to vector<16xi32>
        %parallel_loop3A_229 = arith.addi %parallel_loop3A_192, %parallel_loop3A_228 : vector<16xi32>
        %parallel_loop3A_230 = arith.addi %parallel_loop3A_229, %parallel_loop3A_225 : vector<16xi32>
        %parallel_loop3A_231 = arith.constant 0 : i32
        %parallel_loop3A_232 = arith.constant 0 : i32
        %parallel_loop3A_233 = arith.index_cast %parallel_loop3A_231 : i32 to index
        %parallel_loop3A_234 = arith.index_cast %parallel_loop3A_232 : i32 to index
        %parallel_loop3A_235 = arith.index_cast %parallel_loop3A_186 : i32 to index
        %parallel_loop3A_236 = arith.constant 32 : index
        %parallel_loop3A_237 = tpu.vector_load %arg6[%parallel_loop3A_233, %parallel_loop3A_234, %parallel_loop3A_235, %parallel_loop3A_236] {strides = array<i32>} : memref<2x2x64x200xi32, #tpu.memory_space<vmem>>, vector<16xi32>,
        %parallel_loop3A_238 = arith.constant 0 : i32
        %parallel_loop3A_239 = arith.constant 1 : i32
        %parallel_loop3A_240 = arith.index_cast %parallel_loop3A_238 : i32 to index
        %parallel_loop3A_241 = arith.index_cast %parallel_loop3A_239 : i32 to index
        %parallel_loop3A_242 = arith.index_cast %parallel_loop3A_186 : i32 to index
        %parallel_loop3A_243 = arith.constant 32 : index
        %parallel_loop3A_244 = tpu.vector_load %arg6[%parallel_loop3A_240, %parallel_loop3A_241, %parallel_loop3A_242, %parallel_loop3A_243] {strides = array<i32>} : memref<2x2x64x200xi32, #tpu.memory_space<vmem>>, vector<16xi32>,
        %parallel_loop3A_245 = arith.addi %parallel_loop3A_192, %parallel_loop3A_237 : vector<16xi32>
        %parallel_loop3A_246 = arith.constant 16 : i32
        %parallel_loop3A_247 = vector.broadcast %parallel_loop3A_246 : i32 to vector<16xi32>
        %parallel_loop3A_248 = arith.addi %parallel_loop3A_192, %parallel_loop3A_247 : vector<16xi32>
        %parallel_loop3A_249 = arith.addi %parallel_loop3A_248, %parallel_loop3A_244 : vector<16xi32>
        %parallel_loop3A_250 = arith.constant 0 : i32
        %parallel_loop3A_251 = arith.constant 0 : i32
        %parallel_loop3A_252 = arith.index_cast %parallel_loop3A_250 : i32 to index
        %parallel_loop3A_253 = arith.index_cast %parallel_loop3A_251 : i32 to index
        %parallel_loop3A_254 = arith.index_cast %parallel_loop3A_186 : i32 to index
        %parallel_loop3A_255 = arith.constant 48 : index
        %parallel_loop3A_256 = tpu.vector_load %arg6[%parallel_loop3A_252, %parallel_loop3A_253, %parallel_loop3A_254, %parallel_loop3A_255] {strides = array<i32>} : memref<2x2x64x200xi32, #tpu.memory_space<vmem>>, vector<16xi32>,
        %parallel_loop3A_257 = arith.constant 0 : i32
        %parallel_loop3A_258 = arith.constant 1 : i32
        %parallel_loop3A_259 = arith.index_cast %parallel_loop3A_257 : i32 to index
        %parallel_loop3A_260 = arith.index_cast %parallel_loop3A_258 : i32 to index
        %parallel_loop3A_261 = arith.index_cast %parallel_loop3A_186 : i32 to index
        %parallel_loop3A_262 = arith.constant 48 : index
        %parallel_loop3A_263 = tpu.vector_load %arg6[%parallel_loop3A_259, %parallel_loop3A_260, %parallel_loop3A_261, %parallel_loop3A_262] {strides = array<i32>} : memref<2x2x64x200xi32, #tpu.memory_space<vmem>>, vector<16xi32>,
        %parallel_loop3A_264 = arith.addi %parallel_loop3A_192, %parallel_loop3A_256 : vector<16xi32>
        %parallel_loop3A_265 = arith.constant 16 : i32
        %parallel_loop3A_266 = vector.broadcast %parallel_loop3A_265 : i32 to vector<16xi32>
        %parallel_loop3A_267 = arith.addi %parallel_loop3A_192, %parallel_loop3A_266 : vector<16xi32>
        %parallel_loop3A_268 = arith.addi %parallel_loop3A_267, %parallel_loop3A_263 : vector<16xi32>
        tpu.vector_store_idx %arg7[%parallel_loop3A_207], %broadcast_in_dim3A_1 {add = true} : memref<2048xf32, #tpu.memory_space<vmem>>[vector<16xi32>], vector<16xf32>,
        tpu.vector_store_idx %arg7[%parallel_loop3A_211], %broadcast_in_dim3A_1 {add = true} : memref<2048xf32, #tpu.memory_space<vmem>>[vector<16xi32>], vector<16xf32>,
        tpu.vector_store_idx %arg7[%parallel_loop3A_226], %broadcast_in_dim3A_1 {add = true} : memref<2048xf32, #tpu.memory_space<vmem>>[vector<16xi32>], vector<16xf32>,
        tpu.vector_store_idx %arg7[%parallel_loop3A_230], %broadcast_in_dim3A_1 {add = true} : memref<2048xf32, #tpu.memory_space<vmem>>[vector<16xi32>], vector<16xf32>,
        tpu.vector_store_idx %arg7[%parallel_loop3A_245], %broadcast_in_dim3A_1 {add = true} : memref<2048xf32, #tpu.memory_space<vmem>>[vector<16xi32>], vector<16xf32>,
        tpu.vector_store_idx %arg7[%parallel_loop3A_249], %broadcast_in_dim3A_1 {add = true} : memref<2048xf32, #tpu.memory_space<vmem>>[vector<16xi32>], vector<16xf32>,
        tpu.vector_store_idx %arg7[%parallel_loop3A_264], %broadcast_in_dim3A_1 {add = true} : memref<2048xf32, #tpu.memory_space<vmem>>[vector<16xi32>], vector<16xf32>,
        tpu.vector_store_idx %arg7[%parallel_loop3A_268], %broadcast_in_dim3A_1 {add = true} : memref<2048xf32, #tpu.memory_space<vmem>>[vector<16xi32>], vector<16xf32>,
        %parallel_loop3A_269 = arith.constant 0 : i32
        %parallel_loop3A_270 = arith.constant 0 : i32
        %parallel_loop3A_271 = arith.index_cast %parallel_loop3A_269 : i32 to index
        %parallel_loop3A_272 = arith.index_cast %parallel_loop3A_270 : i32 to index
        %parallel_loop3A_273 = arith.index_cast %parallel_loop3A_186 : i32 to index
        %parallel_loop3A_274 = arith.constant 64 : index
        %parallel_loop3A_275 = tpu.vector_load %arg6[%parallel_loop3A_271, %parallel_loop3A_272, %parallel_loop3A_273, %parallel_loop3A_274] {strides = array<i32>} : memref<2x2x64x200xi32, #tpu.memory_space<vmem>>, vector<16xi32>,
        %parallel_loop3A_276 = arith.constant 0 : i32
        %parallel_loop3A_277 = arith.constant 1 : i32
        %parallel_loop3A_278 = arith.index_cast %parallel_loop3A_276 : i32 to index
        %parallel_loop3A_279 = arith.index_cast %parallel_loop3A_277 : i32 to index
        %parallel_loop3A_280 = arith.index_cast %parallel_loop3A_186 : i32 to index
        %parallel_loop3A_281 = arith.constant 64 : index
        %parallel_loop3A_282 = tpu.vector_load %arg6[%parallel_loop3A_278, %parallel_loop3A_279, %parallel_loop3A_280, %parallel_loop3A_281] {strides = array<i32>} : memref<2x2x64x200xi32, #tpu.memory_space<vmem>>, vector<16xi32>,
        %parallel_loop3A_283 = arith.addi %parallel_loop3A_192, %parallel_loop3A_275 : vector<16xi32>
        %parallel_loop3A_284 = arith.constant 16 : i32
        %parallel_loop3A_285 = vector.broadcast %parallel_loop3A_284 : i32 to vector<16xi32>
        %parallel_loop3A_286 = arith.addi %parallel_loop3A_192, %parallel_loop3A_285 : vector<16xi32>
        %parallel_loop3A_287 = arith.addi %parallel_loop3A_286, %parallel_loop3A_282 : vector<16xi32>
        %parallel_loop3A_288 = arith.constant 0 : i32
        %parallel_loop3A_289 = arith.constant 0 : i32
        %parallel_loop3A_290 = arith.index_cast %parallel_loop3A_288 : i32 to index
        %parallel_loop3A_291 = arith.index_cast %parallel_loop3A_289 : i32 to index
        %parallel_loop3A_292 = arith.index_cast %parallel_loop3A_186 : i32 to index
        %parallel_loop3A_293 = arith.constant 80 : index
        %parallel_loop3A_294 = tpu.vector_load %arg6[%parallel_loop3A_290, %parallel_loop3A_291, %parallel_loop3A_292, %parallel_loop3A_293] {strides = array<i32>} : memref<2x2x64x200xi32, #tpu.memory_space<vmem>>, vector<16xi32>,
        %parallel_loop3A_295 = arith.constant 0 : i32
        %parallel_loop3A_296 = arith.constant 1 : i32
        %parallel_loop3A_297 = arith.index_cast %parallel_loop3A_295 : i32 to index
        %parallel_loop3A_298 = arith.index_cast %parallel_loop3A_296 : i32 to index
        %parallel_loop3A_299 = arith.index_cast %parallel_loop3A_186 : i32 to index
        %parallel_loop3A_300 = arith.constant 80 : index
        %parallel_loop3A_301 = tpu.vector_load %arg6[%parallel_loop3A_297, %parallel_loop3A_298, %parallel_loop3A_299, %parallel_loop3A_300] {strides = array<i32>} : memref<2x2x64x200xi32, #tpu.memory_space<vmem>>, vector<16xi32>,
        %parallel_loop3A_302 = arith.addi %parallel_loop3A_192, %parallel_loop3A_294 : vector<16xi32>
        %parallel_loop3A_303 = arith.constant 16 : i32
        %parallel_loop3A_304 = vector.broadcast %parallel_loop3A_303 : i32 to vector<16xi32>
        %parallel_loop3A_305 = arith.addi %parallel_loop3A_192, %parallel_loop3A_304 : vector<16xi32>
        %parallel_loop3A_306 = arith.addi %parallel_loop3A_305, %parallel_loop3A_301 : vector<16xi32>
        %parallel_loop3A_307 = arith.constant 0 : i32
        %parallel_loop3A_308 = arith.constant 0 : i32
        %parallel_loop3A_309 = arith.index_cast %parallel_loop3A_307 : i32 to index
        %parallel_loop3A_310 = arith.index_cast %parallel_loop3A_308 : i32 to index
        %parallel_loop3A_311 = arith.index_cast %parallel_loop3A_186 : i32 to index
        %parallel_loop3A_312 = arith.constant 96 : index
        %parallel_loop3A_313 = tpu.vector_load %arg6[%parallel_loop3A_309, %parallel_loop3A_310, %parallel_loop3A_311, %parallel_loop3A_312] {strides = array<i32>} : memref<2x2x64x200xi32, #tpu.memory_space<vmem>>, vector<16xi32>,
        %parallel_loop3A_314 = arith.constant 0 : i32
        %parallel_loop3A_315 = arith.constant 1 : i32
        %parallel_loop3A_316 = arith.index_cast %parallel_loop3A_314 : i32 to index
        %parallel_loop3A_317 = arith.index_cast %parallel_loop3A_315 : i32 to index
        %parallel_loop3A_318 = arith.index_cast %parallel_loop3A_186 : i32 to index
        %parallel_loop3A_319 = arith.constant 96 : index
        %parallel_loop3A_320 = tpu.vector_load %arg6[%parallel_loop3A_316, %parallel_loop3A_317, %parallel_loop3A_318, %parallel_loop3A_319] {strides = array<i32>} : memref<2x2x64x200xi32, #tpu.memory_space<vmem>>, vector<16xi32>,
        %parallel_loop3A_321 = arith.addi %parallel_loop3A_192, %parallel_loop3A_313 : vector<16xi32>
        %parallel_loop3A_322 = arith.constant 16 : i32
        %parallel_loop3A_323 = vector.broadcast %parallel_loop3A_322 : i32 to vector<16xi32>
        %parallel_loop3A_324 = arith.addi %parallel_loop3A_192, %parallel_loop3A_323 : vector<16xi32>
        %parallel_loop3A_325 = arith.addi %parallel_loop3A_324, %parallel_loop3A_320 : vector<16xi32>
        %parallel_loop3A_326 = arith.constant 0 : i32
        %parallel_loop3A_327 = arith.constant 0 : i32
        %parallel_loop3A_328 = arith.index_cast %parallel_loop3A_326 : i32 to index
        %parallel_loop3A_329 = arith.index_cast %parallel_loop3A_327 : i32 to index
        %parallel_loop3A_330 = arith.index_cast %parallel_loop3A_186 : i32 to index
        %parallel_loop3A_331 = arith.constant 112 : index
        %parallel_loop3A_332 = tpu.vector_load %arg6[%parallel_loop3A_328, %parallel_loop3A_329, %parallel_loop3A_330, %parallel_loop3A_331] {strides = array<i32>} : memref<2x2x64x200xi32, #tpu.memory_space<vmem>>, vector<16xi32>,
        %parallel_loop3A_333 = arith.constant 0 : i32
        %parallel_loop3A_334 = arith.constant 1 : i32
        %parallel_loop3A_335 = arith.index_cast %parallel_loop3A_333 : i32 to index
        %parallel_loop3A_336 = arith.index_cast %parallel_loop3A_334 : i32 to index
        %parallel_loop3A_337 = arith.index_cast %parallel_loop3A_186 : i32 to index
        %parallel_loop3A_338 = arith.constant 112 : index
        %parallel_loop3A_339 = tpu.vector_load %arg6[%parallel_loop3A_335, %parallel_loop3A_336, %parallel_loop3A_337, %parallel_loop3A_338] {strides = array<i32>} : memref<2x2x64x200xi32, #tpu.memory_space<vmem>>, vector<16xi32>,
        %parallel_loop3A_340 = arith.addi %parallel_loop3A_192, %parallel_loop3A_332 : vector<16xi32>
        %parallel_loop3A_341 = arith.constant 16 : i32
        %parallel_loop3A_342 = vector.broadcast %parallel_loop3A_341 : i32 to vector<16xi32>
        %parallel_loop3A_343 = arith.addi %parallel_loop3A_192, %parallel_loop3A_342 : vector<16xi32>
        %parallel_loop3A_344 = arith.addi %parallel_loop3A_343, %parallel_loop3A_339 : vector<16xi32>
        tpu.vector_store_idx %arg7[%parallel_loop3A_283], %broadcast_in_dim3A_1 {add = true} : memref<2048xf32, #tpu.memory_space<vmem>>[vector<16xi32>], vector<16xf32>,
        tpu.vector_store_idx %arg7[%parallel_loop3A_287], %broadcast_in_dim3A_1 {add = true} : memref<2048xf32, #tpu.memory_space<vmem>>[vector<16xi32>], vector<16xf32>,
        tpu.vector_store_idx %arg7[%parallel_loop3A_302], %broadcast_in_dim3A_1 {add = true} : memref<2048xf32, #tpu.memory_space<vmem>>[vector<16xi32>], vector<16xf32>,
        tpu.vector_store_idx %arg7[%parallel_loop3A_306], %broadcast_in_dim3A_1 {add = true} : memref<2048xf32, #tpu.memory_space<vmem>>[vector<16xi32>], vector<16xf32>,
        tpu.vector_store_idx %arg7[%parallel_loop3A_321], %broadcast_in_dim3A_1 {add = true} : memref<2048xf32, #tpu.memory_space<vmem>>[vector<16xi32>], vector<16xf32>,
        tpu.vector_store_idx %arg7[%parallel_loop3A_325], %broadcast_in_dim3A_1 {add = true} : memref<2048xf32, #tpu.memory_space<vmem>>[vector<16xi32>], vector<16xf32>,
        tpu.vector_store_idx %arg7[%parallel_loop3A_340], %broadcast_in_dim3A_1 {add = true} : memref<2048xf32, #tpu.memory_space<vmem>>[vector<16xi32>], vector<16xf32>,
        tpu.vector_store_idx %arg7[%parallel_loop3A_344], %broadcast_in_dim3A_1 {add = true} : memref<2048xf32, #tpu.memory_space<vmem>>[vector<16xi32>], vector<16xf32>,
        %parallel_loop3A_345 = arith.constant 0 : i32
        %parallel_loop3A_346 = arith.constant 0 : i32
        %parallel_loop3A_347 = arith.index_cast %parallel_loop3A_345 : i32 to index
        %parallel_loop3A_348 = arith.index_cast %parallel_loop3A_346 : i32 to index
        %parallel_loop3A_349 = arith.index_cast %parallel_loop3A_186 : i32 to index
        %parallel_loop3A_350 = arith.constant 128 : index
        %parallel_loop3A_351 = tpu.vector_load %arg6[%parallel_loop3A_347, %parallel_loop3A_348, %parallel_loop3A_349, %parallel_loop3A_350] {strides = array<i32>} : memref<2x2x64x200xi32, #tpu.memory_space<vmem>>, vector<16xi32>,
        %parallel_loop3A_352 = arith.constant 0 : i32
        %parallel_loop3A_353 = arith.constant 1 : i32
        %parallel_loop3A_354 = arith.index_cast %parallel_loop3A_352 : i32 to index
        %parallel_loop3A_355 = arith.index_cast %parallel_loop3A_353 : i32 to index
        %parallel_loop3A_356 = arith.index_cast %parallel_loop3A_186 : i32 to index
        %parallel_loop3A_357 = arith.constant 128 : index
        %parallel_loop3A_358 = tpu.vector_load %arg6[%parallel_loop3A_354, %parallel_loop3A_355, %parallel_loop3A_356, %parallel_loop3A_357] {strides = array<i32>} : memref<2x2x64x200xi32, #tpu.memory_space<vmem>>, vector<16xi32>,
        %parallel_loop3A_359 = arith.addi %parallel_loop3A_192, %parallel_loop3A_351 : vector<16xi32>
        %parallel_loop3A_360 = arith.constant 16 : i32
        %parallel_loop3A_361 = vector.broadcast %parallel_loop3A_360 : i32 to vector<16xi32>
        %parallel_loop3A_362 = arith.addi %parallel_loop3A_192, %parallel_loop3A_361 : vector<16xi32>
        %parallel_loop3A_363 = arith.addi %parallel_loop3A_362, %parallel_loop3A_358 : vector<16xi32>
        %parallel_loop3A_364 = arith.constant 0 : i32
        %parallel_loop3A_365 = arith.constant 0 : i32
        %parallel_loop3A_366 = arith.index_cast %parallel_loop3A_364 : i32 to index
        %parallel_loop3A_367 = arith.index_cast %parallel_loop3A_365 : i32 to index
        %parallel_loop3A_368 = arith.index_cast %parallel_loop3A_186 : i32 to index
        %parallel_loop3A_369 = arith.constant 144 : index
        %parallel_loop3A_370 = tpu.vector_load %arg6[%parallel_loop3A_366, %parallel_loop3A_367, %parallel_loop3A_368, %parallel_loop3A_369] {strides = array<i32>} : memref<2x2x64x200xi32, #tpu.memory_space<vmem>>, vector<16xi32>,
        %parallel_loop3A_371 = arith.constant 0 : i32
        %parallel_loop3A_372 = arith.constant 1 : i32
        %parallel_loop3A_373 = arith.index_cast %parallel_loop3A_371 : i32 to index
        %parallel_loop3A_374 = arith.index_cast %parallel_loop3A_372 : i32 to index
        %parallel_loop3A_375 = arith.index_cast %parallel_loop3A_186 : i32 to index
        %parallel_loop3A_376 = arith.constant 144 : index
        %parallel_loop3A_377 = tpu.vector_load %arg6[%parallel_loop3A_373, %parallel_loop3A_374, %parallel_loop3A_375, %parallel_loop3A_376] {strides = array<i32>} : memref<2x2x64x200xi32, #tpu.memory_space<vmem>>, vector<16xi32>,
        %parallel_loop3A_378 = arith.addi %parallel_loop3A_192, %parallel_loop3A_370 : vector<16xi32>
        %parallel_loop3A_379 = arith.constant 16 : i32
        %parallel_loop3A_380 = vector.broadcast %parallel_loop3A_379 : i32 to vector<16xi32>
        %parallel_loop3A_381 = arith.addi %parallel_loop3A_192, %parallel_loop3A_380 : vector<16xi32>
        %parallel_loop3A_382 = arith.addi %parallel_loop3A_381, %parallel_loop3A_377 : vector<16xi32>
        %parallel_loop3A_383 = arith.constant 0 : i32
        %parallel_loop3A_384 = arith.constant 0 : i32
        %parallel_loop3A_385 = arith.index_cast %parallel_loop3A_383 : i32 to index
        %parallel_loop3A_386 = arith.index_cast %parallel_loop3A_384 : i32 to index
        %parallel_loop3A_387 = arith.index_cast %parallel_loop3A_186 : i32 to index
        %parallel_loop3A_388 = arith.constant 160 : index
        %parallel_loop3A_389 = tpu.vector_load %arg6[%parallel_loop3A_385, %parallel_loop3A_386, %parallel_loop3A_387, %parallel_loop3A_388] {strides = array<i32>} : memref<2x2x64x200xi32, #tpu.memory_space<vmem>>, vector<16xi32>,
        %parallel_loop3A_390 = arith.constant 0 : i32
        %parallel_loop3A_391 = arith.constant 1 : i32
        %parallel_loop3A_392 = arith.index_cast %parallel_loop3A_390 : i32 to index
        %parallel_loop3A_393 = arith.index_cast %parallel_loop3A_391 : i32 to index
        %parallel_loop3A_394 = arith.index_cast %parallel_loop3A_186 : i32 to index
        %parallel_loop3A_395 = arith.constant 160 : index
        %parallel_loop3A_396 = tpu.vector_load %arg6[%parallel_loop3A_392, %parallel_loop3A_393, %parallel_loop3A_394, %parallel_loop3A_395] {strides = array<i32>} : memref<2x2x64x200xi32, #tpu.memory_space<vmem>>, vector<16xi32>,
        %parallel_loop3A_397 = arith.addi %parallel_loop3A_192, %parallel_loop3A_389 : vector<16xi32>
        %parallel_loop3A_398 = arith.constant 16 : i32
        %parallel_loop3A_399 = vector.broadcast %parallel_loop3A_398 : i32 to vector<16xi32>
        %parallel_loop3A_400 = arith.addi %parallel_loop3A_192, %parallel_loop3A_399 : vector<16xi32>
        %parallel_loop3A_401 = arith.addi %parallel_loop3A_400, %parallel_loop3A_396 : vector<16xi32>
        %parallel_loop3A_402 = arith.constant 0 : i32
        %parallel_loop3A_403 = arith.constant 0 : i32
        %parallel_loop3A_404 = arith.index_cast %parallel_loop3A_402 : i32 to index
        %parallel_loop3A_405 = arith.index_cast %parallel_loop3A_403 : i32 to index
        %parallel_loop3A_406 = arith.index_cast %parallel_loop3A_186 : i32 to index
        %parallel_loop3A_407 = arith.constant 176 : index
        %parallel_loop3A_408 = tpu.vector_load %arg6[%parallel_loop3A_404, %parallel_loop3A_405, %parallel_loop3A_406, %parallel_loop3A_407] {strides = array<i32>} : memref<2x2x64x200xi32, #tpu.memory_space<vmem>>, vector<16xi32>,
        %parallel_loop3A_409 = arith.constant 0 : i32
        %parallel_loop3A_410 = arith.constant 1 : i32
        %parallel_loop3A_411 = arith.index_cast %parallel_loop3A_409 : i32 to index
        %parallel_loop3A_412 = arith.index_cast %parallel_loop3A_410 : i32 to index
        %parallel_loop3A_413 = arith.index_cast %parallel_loop3A_186 : i32 to index
        %parallel_loop3A_414 = arith.constant 176 : index
        %parallel_loop3A_415 = tpu.vector_load %arg6[%parallel_loop3A_411, %parallel_loop3A_412, %parallel_loop3A_413, %parallel_loop3A_414] {strides = array<i32>} : memref<2x2x64x200xi32, #tpu.memory_space<vmem>>, vector<16xi32>,
        %parallel_loop3A_416 = arith.addi %parallel_loop3A_192, %parallel_loop3A_408 : vector<16xi32>
        %parallel_loop3A_417 = arith.constant 16 : i32
        %parallel_loop3A_418 = vector.broadcast %parallel_loop3A_417 : i32 to vector<16xi32>
        %parallel_loop3A_419 = arith.addi %parallel_loop3A_192, %parallel_loop3A_418 : vector<16xi32>
        %parallel_loop3A_420 = arith.addi %parallel_loop3A_419, %parallel_loop3A_415 : vector<16xi32>
        tpu.vector_store_idx %arg7[%parallel_loop3A_359], %broadcast_in_dim3A_1 {add = true} : memref<2048xf32, #tpu.memory_space<vmem>>[vector<16xi32>], vector<16xf32>,
        tpu.vector_store_idx %arg7[%parallel_loop3A_363], %broadcast_in_dim3A_1 {add = true} : memref<2048xf32, #tpu.memory_space<vmem>>[vector<16xi32>], vector<16xf32>,
        tpu.vector_store_idx %arg7[%parallel_loop3A_378], %broadcast_in_dim3A_1 {add = true} : memref<2048xf32, #tpu.memory_space<vmem>>[vector<16xi32>], vector<16xf32>,
        tpu.vector_store_idx %arg7[%parallel_loop3A_382], %broadcast_in_dim3A_1 {add = true} : memref<2048xf32, #tpu.memory_space<vmem>>[vector<16xi32>], vector<16xf32>,
        tpu.vector_store_idx %arg7[%parallel_loop3A_397], %broadcast_in_dim3A_1 {add = true} : memref<2048xf32, #tpu.memory_space<vmem>>[vector<16xi32>], vector<16xf32>,
        tpu.vector_store_idx %arg7[%parallel_loop3A_401], %broadcast_in_dim3A_1 {add = true} : memref<2048xf32, #tpu.memory_space<vmem>>[vector<16xi32>], vector<16xf32>,
        tpu.vector_store_idx %arg7[%parallel_loop3A_416], %broadcast_in_dim3A_1 {add = true} : memref<2048xf32, #tpu.memory_space<vmem>>[vector<16xi32>], vector<16xf32>,
        tpu.vector_store_idx %arg7[%parallel_loop3A_420], %broadcast_in_dim3A_1 {add = true} : memref<2048xf32, #tpu.memory_space<vmem>>[vector<16xi32>], vector<16xf32>,
      } {sc.loop_unroll_factor = 1 : i64, sc.parallel_access}
      %lt3A = arith.constant 3 : i32
      %lt3A_116 = arith.cmpi slt, %scan3A_74, %lt3A : i32
      %convert_element_type3A = arith.extui %lt3A_116 : i1 to i32
      %cond3A = arith.constant 0 : i32
      %cond3A_117 = arith.cmpi ne, %convert_element_type3A, %cond3A : i32
      scf.if %cond3A_117 {
        %add3A_186 = arith.constant 2 : i32
        %add3A_187 = arith.addi %add3A_79, %add3A_186 : i32
        %mul3A_188 = arith.constant 512 : i32
        %mul3A_189 = arith.muli %add3A, %mul3A_188 : i32
        %mul3A_190 = arith.constant 64 : i32
        %mul3A_191 = arith.muli %add3A_187, %mul3A_190 : i32
        %add3A_192 = arith.addi %mul3A_189, %mul3A_191 : i32
        %multiple_of3A_193 = tpu.assume_multiple %add3A_192, 64 : i32
        %dma_start3A_194 = arith.constant 0 : i32
        %dma_start3A_195 = arith.constant 0 : i32
        %dma_start3A_196 = arith.constant 0 : i32
        %dma_start3A_197 = arith.constant 0 : i32
        %dma_start3A_198 = tpu.memref_slice %arg6[%dma_start3A_194, %dma_start3A_195, %dma_start3A_196, %dma_start3A_197] : memref<2x2x64x200xi32, #tpu.memory_space<vmem>> -> memref<1x1x64x200xi32, #tpu.memory_space<vmem>>
        %dma_start3A_199 = tpu.memref_squeeze %dma_start3A_198 : memref<1x1x64x200xi32, #tpu.memory_space<vmem>> -> memref<64x200xi32, #tpu.memory_space<vmem>>
        %dma_start3A_200 = arith.constant 0 : i32
        %dma_start3A_201 = tpu.memref_slice %arg2[%multiple_of3A_193, %dma_start3A_200] : memref<16384x200xi32, #tpu.memory_space<hbm>> -> memref<64x200xi32, #tpu.memory_space<hbm>>
        %dma_start3A_202 = arith.constant 0 : i32
        %dma_start3A_203 = arith.constant 0 : i32
        %dma_start3A_204 = tpu.memref_slice %arg6[%dma_start3A_194, %dma_start3A_195, %dma_start3A_202, %dma_start3A_203] : memref<2x2x64x200xi32, #tpu.memory_space<vmem>> -> memref<1x1x64x200xi32, #tpu.memory_space<vmem>>
        %dma_start3A_205 = tpu.memref_squeeze %dma_start3A_204 : memref<1x1x64x200xi32, #tpu.memory_space<vmem>> -> memref<64x200xi32, #tpu.memory_space<vmem>>
        %dma_start3A_206 = arith.constant 0 : i32
        %dma_start3A_207 = tpu.memref_slice %arg2[%multiple_of3A_193, %dma_start3A_206] : memref<16384x200xi32, #tpu.memory_space<hbm>> -> memref<64x200xi32, #tpu.memory_space<hbm>>
        tpu.enqueue_dma source(%dma_start3A_207 : memref<64x200xi32, #tpu.memory_space<hbm>>) target(%dma_start3A_205 : memref<64x200xi32, #tpu.memory_space<vmem>>) target_semaphore(%arg10 : memref<!tpu.dma_semaphore, #tpu.memory_space<semaphore_mem>>)
        %dma_start3A_208 = arith.constant 0 : i32
        %dma_start3A_209 = arith.constant 1 : i32
        %dma_start3A_210 = arith.constant 0 : i32
        %dma_start3A_211 = arith.constant 0 : i32
        %dma_start3A_212 = tpu.memref_slice %arg6[%dma_start3A_208, %dma_start3A_209, %dma_start3A_210, %dma_start3A_211] : memref<2x2x64x200xi32, #tpu.memory_space<vmem>> -> memref<1x1x64x200xi32, #tpu.memory_space<vmem>>
        %dma_start3A_213 = tpu.memref_squeeze %dma_start3A_212 : memref<1x1x64x200xi32, #tpu.memory_space<vmem>> -> memref<64x200xi32, #tpu.memory_space<vmem>>
        %dma_start3A_214 = arith.constant 0 : i32
        %dma_start3A_215 = tpu.memref_slice %arg3[%multiple_of3A_193, %dma_start3A_214] : memref<16384x200xi32, #tpu.memory_space<hbm>> -> memref<64x200xi32, #tpu.memory_space<hbm>>
        %dma_start3A_216 = arith.constant 0 : i32
        %dma_start3A_217 = arith.constant 0 : i32
        %dma_start3A_218 = tpu.memref_slice %arg6[%dma_start3A_208, %dma_start3A_209, %dma_start3A_216, %dma_start3A_217] : memref<2x2x64x200xi32, #tpu.memory_space<vmem>> -> memref<1x1x64x200xi32, #tpu.memory_space<vmem>>
        %dma_start3A_219 = tpu.memref_squeeze %dma_start3A_218 : memref<1x1x64x200xi32, #tpu.memory_space<vmem>> -> memref<64x200xi32, #tpu.memory_space<vmem>>
        %dma_start3A_220 = arith.constant 0 : i32
        %dma_start3A_221 = tpu.memref_slice %arg3[%multiple_of3A_193, %dma_start3A_220] : memref<16384x200xi32, #tpu.memory_space<hbm>> -> memref<64x200xi32, #tpu.memory_space<hbm>>
        tpu.enqueue_dma source(%dma_start3A_221 : memref<64x200xi32, #tpu.memory_space<hbm>>) target(%dma_start3A_219 : memref<64x200xi32, #tpu.memory_space<vmem>>) target_semaphore(%arg11 : memref<!tpu.dma_semaphore, #tpu.memory_space<semaphore_mem>>)
      } else {
      }
      %parallel_loop3A_118 = arith.constant 0 : i32
      %parallel_loop3A_119 = arith.constant 4 : i32
      %parallel_loop3A_120 = arith.constant 1 : i32
      scf.for %parallel_loop3A_186 = %parallel_loop3A_118 to %parallel_loop3A_119 step %parallel_loop3A_120  : i32 {
        %parallel_loop3A_187 = arith.constant 16 : i32
        %parallel_loop3A_188 = arith.muli %parallel_loop3A_186, %parallel_loop3A_187 : i32
        %parallel_loop3A_189 = vector.broadcast %parallel_loop3A_188 : i32 to vector<16xi32>
        %parallel_loop3A_190 = arith.addi %parallel_loop3A_189, %iota3A : vector<16xi32>
        %parallel_loop3A_191 = arith.constant 32 : i32
        %parallel_loop3A_192 = vector.broadcast %parallel_loop3A_191 : i32 to vector<16xi32>
        %parallel_loop3A_193 = arith.muli %parallel_loop3A_190, %parallel_loop3A_192 : vector<16xi32>
        %parallel_loop3A_194 = arith.constant 0 : i32
        %parallel_loop3A_195 = vector.broadcast %parallel_loop3A_194 : i32 to vector<16xi32>
        %parallel_loop3A_196 = arith.addi %parallel_loop3A_193, %parallel_loop3A_195 : vector<16xi32>
        %parallel_loop3A_197 = tpu.vector_load_idx %arg7[%parallel_loop3A_196] : memref<2048xf32, #tpu.memory_space<vmem>>[vector<16xi32>], vector<16xf32>,
        %parallel_loop3A_198 = arith.constant 16 : i32
        %parallel_loop3A_199 = vector.broadcast %parallel_loop3A_198 : i32 to vector<16xi32>
        %parallel_loop3A_200 = arith.addi %parallel_loop3A_193, %parallel_loop3A_199 : vector<16xi32>
        %parallel_loop3A_201 = tpu.vector_load_idx %arg7[%parallel_loop3A_200] : memref<2048xf32, #tpu.memory_space<vmem>>[vector<16xi32>], vector<16xf32>,
        %parallel_loop3A_202 = arith.constant 0 : i32
        %parallel_loop3A_203 = arith.index_cast %parallel_loop3A_202 : i32 to index
        %parallel_loop3A_204 = arith.constant 0 : index
        %parallel_loop3A_205 = tpu.vector_load %arg8[%parallel_loop3A_203, %parallel_loop3A_204] {strides = array<i32>} : memref<60x16xf32, #tpu.memory_space<vmem>>, vector<16xf32>,
        %parallel_loop3A_206 = arith.mulf %parallel_loop3A_197, %parallel_loop3A_205 : vector<16xf32>
        %parallel_loop3A_207 = arith.addf %broadcast_in_dim3A_3, %parallel_loop3A_206 : vector<16xf32>
        %parallel_loop3A_208 = arith.constant 30 : i32
        %parallel_loop3A_209 = arith.index_cast %parallel_loop3A_208 : i32 to index
        %parallel_loop3A_210 = arith.constant 0 : index
        %parallel_loop3A_211 = tpu.vector_load %arg8[%parallel_loop3A_209, %parallel_loop3A_210] {strides = array<i32>} : memref<60x16xf32, #tpu.memory_space<vmem>>, vector<16xf32>,
        %parallel_loop3A_212 = arith.mulf %parallel_loop3A_201, %parallel_loop3A_211 : vector<16xf32>
        %parallel_loop3A_213 = arith.addf %parallel_loop3A_207, %parallel_loop3A_212 : vector<16xf32>
        %parallel_loop3A_214 = arith.constant 1 : i32
        %parallel_loop3A_215 = arith.index_cast %parallel_loop3A_214 : i32 to index
        %parallel_loop3A_216 = arith.constant 0 : index
        %parallel_loop3A_217 = tpu.vector_load %arg8[%parallel_loop3A_215, %parallel_loop3A_216] {strides = array<i32>} : memref<60x16xf32, #tpu.memory_space<vmem>>, vector<16xf32>,
        %parallel_loop3A_218 = arith.mulf %parallel_loop3A_197, %parallel_loop3A_217 : vector<16xf32>
        %parallel_loop3A_219 = arith.addf %broadcast_in_dim3A_3, %parallel_loop3A_218 : vector<16xf32>
        %parallel_loop3A_220 = arith.constant 31 : i32
        %parallel_loop3A_221 = arith.index_cast %parallel_loop3A_220 : i32 to index
        %parallel_loop3A_222 = arith.constant 0 : index
        %parallel_loop3A_223 = tpu.vector_load %arg8[%parallel_loop3A_221, %parallel_loop3A_222] {strides = array<i32>} : memref<60x16xf32, #tpu.memory_space<vmem>>, vector<16xf32>,
        %parallel_loop3A_224 = arith.mulf %parallel_loop3A_201, %parallel_loop3A_223 : vector<16xf32>
        %parallel_loop3A_225 = arith.addf %parallel_loop3A_219, %parallel_loop3A_224 : vector<16xf32>
        %parallel_loop3A_226 = arith.constant 2 : i32
        %parallel_loop3A_227 = arith.index_cast %parallel_loop3A_226 : i32 to index
        %parallel_loop3A_228 = arith.constant 0 : index
        %parallel_loop3A_229 = tpu.vector_load %arg8[%parallel_loop3A_227, %parallel_loop3A_228] {strides = array<i32>} : memref<60x16xf32, #tpu.memory_space<vmem>>, vector<16xf32>,
        %parallel_loop3A_230 = arith.mulf %parallel_loop3A_197, %parallel_loop3A_229 : vector<16xf32>
        %parallel_loop3A_231 = arith.addf %broadcast_in_dim3A_3, %parallel_loop3A_230 : vector<16xf32>
        %parallel_loop3A_232 = arith.constant 32 : i32
        %parallel_loop3A_233 = arith.index_cast %parallel_loop3A_232 : i32 to index
        %parallel_loop3A_234 = arith.constant 0 : index
        %parallel_loop3A_235 = tpu.vector_load %arg8[%parallel_loop3A_233, %parallel_loop3A_234] {strides = array<i32>} : memref<60x16xf32, #tpu.memory_space<vmem>>, vector<16xf32>,
        %parallel_loop3A_236 = arith.mulf %parallel_loop3A_201, %parallel_loop3A_235 : vector<16xf32>
        %parallel_loop3A_237 = arith.addf %parallel_loop3A_231, %parallel_loop3A_236 : vector<16xf32>
        %parallel_loop3A_238 = arith.constant 1 : i32
        %parallel_loop3A_239 = vector.broadcast %parallel_loop3A_238 : i32 to vector<16xi32>
        %parallel_loop3A_240 = arith.addi %parallel_loop3A_193, %parallel_loop3A_239 : vector<16xi32>
        %parallel_loop3A_241 = tpu.vector_load_idx %arg7[%parallel_loop3A_240] : memref<2048xf32, #tpu.memory_space<vmem>>[vector<16xi32>], vector<16xf32>,
        %parallel_loop3A_242 = arith.constant 17 : i32
        %parallel_loop3A_243 = vector.broadcast %parallel_loop3A_242 : i32 to vector<16xi32>
        %parallel_loop3A_244 = arith.addi %parallel_loop3A_193, %parallel_loop3A_243 : vector<16xi32>
        %parallel_loop3A_245 = tpu.vector_load_idx %arg7[%parallel_loop3A_244] : memref<2048xf32, #tpu.memory_space<vmem>>[vector<16xi32>], vector<16xf32>,
        %parallel_loop3A_246 = arith.constant 3 : i32
        %parallel_loop3A_247 = arith.index_cast %parallel_loop3A_246 : i32 to index
        %parallel_loop3A_248 = arith.constant 0 : index
        %parallel_loop3A_249 = tpu.vector_load %arg8[%parallel_loop3A_247, %parallel_loop3A_248] {strides = array<i32>} : memref<60x16xf32, #tpu.memory_space<vmem>>, vector<16xf32>,
        %parallel_loop3A_250 = arith.mulf %parallel_loop3A_241, %parallel_loop3A_249 : vector<16xf32>
        %parallel_loop3A_251 = arith.addf %parallel_loop3A_213, %parallel_loop3A_250 : vector<16xf32>
        %parallel_loop3A_252 = arith.constant 33 : i32
        %parallel_loop3A_253 = arith.index_cast %parallel_loop3A_252 : i32 to index
        %parallel_loop3A_254 = arith.constant 0 : index
        %parallel_loop3A_255 = tpu.vector_load %arg8[%parallel_loop3A_253, %parallel_loop3A_254] {strides = array<i32>} : memref<60x16xf32, #tpu.memory_space<vmem>>, vector<16xf32>,
        %parallel_loop3A_256 = arith.mulf %parallel_loop3A_245, %parallel_loop3A_255 : vector<16xf32>
        %parallel_loop3A_257 = arith.addf %parallel_loop3A_251, %parallel_loop3A_256 : vector<16xf32>
        %parallel_loop3A_258 = arith.constant 4 : i32
        %parallel_loop3A_259 = arith.index_cast %parallel_loop3A_258 : i32 to index
        %parallel_loop3A_260 = arith.constant 0 : index
        %parallel_loop3A_261 = tpu.vector_load %arg8[%parallel_loop3A_259, %parallel_loop3A_260] {strides = array<i32>} : memref<60x16xf32, #tpu.memory_space<vmem>>, vector<16xf32>,
        %parallel_loop3A_262 = arith.mulf %parallel_loop3A_241, %parallel_loop3A_261 : vector<16xf32>
        %parallel_loop3A_263 = arith.addf %parallel_loop3A_225, %parallel_loop3A_262 : vector<16xf32>
        %parallel_loop3A_264 = arith.constant 34 : i32
        %parallel_loop3A_265 = arith.index_cast %parallel_loop3A_264 : i32 to index
        %parallel_loop3A_266 = arith.constant 0 : index
        %parallel_loop3A_267 = tpu.vector_load %arg8[%parallel_loop3A_265, %parallel_loop3A_266] {strides = array<i32>} : memref<60x16xf32, #tpu.memory_space<vmem>>, vector<16xf32>,
        %parallel_loop3A_268 = arith.mulf %parallel_loop3A_245, %parallel_loop3A_267 : vector<16xf32>
        %parallel_loop3A_269 = arith.addf %parallel_loop3A_263, %parallel_loop3A_268 : vector<16xf32>
        %parallel_loop3A_270 = arith.constant 5 : i32
        %parallel_loop3A_271 = arith.index_cast %parallel_loop3A_270 : i32 to index
        %parallel_loop3A_272 = arith.constant 0 : index
        %parallel_loop3A_273 = tpu.vector_load %arg8[%parallel_loop3A_271, %parallel_loop3A_272] {strides = array<i32>} : memref<60x16xf32, #tpu.memory_space<vmem>>, vector<16xf32>,
        %parallel_loop3A_274 = arith.mulf %parallel_loop3A_241, %parallel_loop3A_273 : vector<16xf32>
        %parallel_loop3A_275 = arith.addf %parallel_loop3A_237, %parallel_loop3A_274 : vector<16xf32>
        %parallel_loop3A_276 = arith.constant 35 : i32
        %parallel_loop3A_277 = arith.index_cast %parallel_loop3A_276 : i32 to index
        %parallel_loop3A_278 = arith.constant 0 : index
        %parallel_loop3A_279 = tpu.vector_load %arg8[%parallel_loop3A_277, %parallel_loop3A_278] {strides = array<i32>} : memref<60x16xf32, #tpu.memory_space<vmem>>, vector<16xf32>,
        %parallel_loop3A_280 = arith.mulf %parallel_loop3A_245, %parallel_loop3A_279 : vector<16xf32>
        %parallel_loop3A_281 = arith.addf %parallel_loop3A_275, %parallel_loop3A_280 : vector<16xf32>
        %parallel_loop3A_282 = arith.constant 2 : i32
        %parallel_loop3A_283 = vector.broadcast %parallel_loop3A_282 : i32 to vector<16xi32>
        %parallel_loop3A_284 = arith.addi %parallel_loop3A_193, %parallel_loop3A_283 : vector<16xi32>
        %parallel_loop3A_285 = tpu.vector_load_idx %arg7[%parallel_loop3A_284] : memref<2048xf32, #tpu.memory_space<vmem>>[vector<16xi32>], vector<16xf32>,
        %parallel_loop3A_286 = arith.constant 18 : i32
        %parallel_loop3A_287 = vector.broadcast %parallel_loop3A_286 : i32 to vector<16xi32>
        %parallel_loop3A_288 = arith.addi %parallel_loop3A_193, %parallel_loop3A_287 : vector<16xi32>
        %parallel_loop3A_289 = tpu.vector_load_idx %arg7[%parallel_loop3A_288] : memref<2048xf32, #tpu.memory_space<vmem>>[vector<16xi32>], vector<16xf32>,
        %parallel_loop3A_290 = arith.constant 6 : i32
        %parallel_loop3A_291 = arith.index_cast %parallel_loop3A_290 : i32 to index
        %parallel_loop3A_292 = arith.constant 0 : index
        %parallel_loop3A_293 = tpu.vector_load %arg8[%parallel_loop3A_291, %parallel_loop3A_292] {strides = array<i32>} : memref<60x16xf32, #tpu.memory_space<vmem>>, vector<16xf32>,
        %parallel_loop3A_294 = arith.mulf %parallel_loop3A_285, %parallel_loop3A_293 : vector<16xf32>
        %parallel_loop3A_295 = arith.addf %parallel_loop3A_257, %parallel_loop3A_294 : vector<16xf32>
        %parallel_loop3A_296 = arith.constant 36 : i32
        %parallel_loop3A_297 = arith.index_cast %parallel_loop3A_296 : i32 to index
        %parallel_loop3A_298 = arith.constant 0 : index
        %parallel_loop3A_299 = tpu.vector_load %arg8[%parallel_loop3A_297, %parallel_loop3A_298] {strides = array<i32>} : memref<60x16xf32, #tpu.memory_space<vmem>>, vector<16xf32>,
        %parallel_loop3A_300 = arith.mulf %parallel_loop3A_289, %parallel_loop3A_299 : vector<16xf32>
        %parallel_loop3A_301 = arith.addf %parallel_loop3A_295, %parallel_loop3A_300 : vector<16xf32>
        %parallel_loop3A_302 = arith.constant 7 : i32
        %parallel_loop3A_303 = arith.index_cast %parallel_loop3A_302 : i32 to index
        %parallel_loop3A_304 = arith.constant 0 : index
        %parallel_loop3A_305 = tpu.vector_load %arg8[%parallel_loop3A_303, %parallel_loop3A_304] {strides = array<i32>} : memref<60x16xf32, #tpu.memory_space<vmem>>, vector<16xf32>,
        %parallel_loop3A_306 = arith.mulf %parallel_loop3A_285, %parallel_loop3A_305 : vector<16xf32>
        %parallel_loop3A_307 = arith.addf %parallel_loop3A_269, %parallel_loop3A_306 : vector<16xf32>
        %parallel_loop3A_308 = arith.constant 37 : i32
        %parallel_loop3A_309 = arith.index_cast %parallel_loop3A_308 : i32 to index
        %parallel_loop3A_310 = arith.constant 0 : index
        %parallel_loop3A_311 = tpu.vector_load %arg8[%parallel_loop3A_309, %parallel_loop3A_310] {strides = array<i32>} : memref<60x16xf32, #tpu.memory_space<vmem>>, vector<16xf32>,
        %parallel_loop3A_312 = arith.mulf %parallel_loop3A_289, %parallel_loop3A_311 : vector<16xf32>
        %parallel_loop3A_313 = arith.addf %parallel_loop3A_307, %parallel_loop3A_312 : vector<16xf32>
        %parallel_loop3A_314 = arith.constant 8 : i32
        %parallel_loop3A_315 = arith.index_cast %parallel_loop3A_314 : i32 to index
        %parallel_loop3A_316 = arith.constant 0 : index
        %parallel_loop3A_317 = tpu.vector_load %arg8[%parallel_loop3A_315, %parallel_loop3A_316] {strides = array<i32>} : memref<60x16xf32, #tpu.memory_space<vmem>>, vector<16xf32>,
        %parallel_loop3A_318 = arith.mulf %parallel_loop3A_285, %parallel_loop3A_317 : vector<16xf32>
        %parallel_loop3A_319 = arith.addf %parallel_loop3A_281, %parallel_loop3A_318 : vector<16xf32>
        %parallel_loop3A_320 = arith.constant 38 : i32
        %parallel_loop3A_321 = arith.index_cast %parallel_loop3A_320 : i32 to index
        %parallel_loop3A_322 = arith.constant 0 : index
        %parallel_loop3A_323 = tpu.vector_load %arg8[%parallel_loop3A_321, %parallel_loop3A_322] {strides = array<i32>} : memref<60x16xf32, #tpu.memory_space<vmem>>, vector<16xf32>,
        %parallel_loop3A_324 = arith.mulf %parallel_loop3A_289, %parallel_loop3A_323 : vector<16xf32>
        %parallel_loop3A_325 = arith.addf %parallel_loop3A_319, %parallel_loop3A_324 : vector<16xf32>
        %parallel_loop3A_326 = arith.constant 3 : i32
        %parallel_loop3A_327 = vector.broadcast %parallel_loop3A_326 : i32 to vector<16xi32>
        %parallel_loop3A_328 = arith.addi %parallel_loop3A_193, %parallel_loop3A_327 : vector<16xi32>
        %parallel_loop3A_329 = tpu.vector_load_idx %arg7[%parallel_loop3A_328] : memref<2048xf32, #tpu.memory_space<vmem>>[vector<16xi32>], vector<16xf32>,
        %parallel_loop3A_330 = arith.constant 19 : i32
        %parallel_loop3A_331 = vector.broadcast %parallel_loop3A_330 : i32 to vector<16xi32>
        %parallel_loop3A_332 = arith.addi %parallel_loop3A_193, %parallel_loop3A_331 : vector<16xi32>
        %parallel_loop3A_333 = tpu.vector_load_idx %arg7[%parallel_loop3A_332] : memref<2048xf32, #tpu.memory_space<vmem>>[vector<16xi32>], vector<16xf32>,
        %parallel_loop3A_334 = arith.constant 9 : i32
        %parallel_loop3A_335 = arith.index_cast %parallel_loop3A_334 : i32 to index
        %parallel_loop3A_336 = arith.constant 0 : index
        %parallel_loop3A_337 = tpu.vector_load %arg8[%parallel_loop3A_335, %parallel_loop3A_336] {strides = array<i32>} : memref<60x16xf32, #tpu.memory_space<vmem>>, vector<16xf32>,
        %parallel_loop3A_338 = arith.mulf %parallel_loop3A_329, %parallel_loop3A_337 : vector<16xf32>
        %parallel_loop3A_339 = arith.addf %parallel_loop3A_301, %parallel_loop3A_338 : vector<16xf32>
        %parallel_loop3A_340 = arith.constant 39 : i32
        %parallel_loop3A_341 = arith.index_cast %parallel_loop3A_340 : i32 to index
        %parallel_loop3A_342 = arith.constant 0 : index
        %parallel_loop3A_343 = tpu.vector_load %arg8[%parallel_loop3A_341, %parallel_loop3A_342] {strides = array<i32>} : memref<60x16xf32, #tpu.memory_space<vmem>>, vector<16xf32>,
        %parallel_loop3A_344 = arith.mulf %parallel_loop3A_333, %parallel_loop3A_343 : vector<16xf32>
        %parallel_loop3A_345 = arith.addf %parallel_loop3A_339, %parallel_loop3A_344 : vector<16xf32>
        %parallel_loop3A_346 = arith.constant 10 : i32
        %parallel_loop3A_347 = arith.index_cast %parallel_loop3A_346 : i32 to index
        %parallel_loop3A_348 = arith.constant 0 : index
        %parallel_loop3A_349 = tpu.vector_load %arg8[%parallel_loop3A_347, %parallel_loop3A_348] {strides = array<i32>} : memref<60x16xf32, #tpu.memory_space<vmem>>, vector<16xf32>,
        %parallel_loop3A_350 = arith.mulf %parallel_loop3A_329, %parallel_loop3A_349 : vector<16xf32>
        %parallel_loop3A_351 = arith.addf %parallel_loop3A_313, %parallel_loop3A_350 : vector<16xf32>
        %parallel_loop3A_352 = arith.constant 40 : i32
        %parallel_loop3A_353 = arith.index_cast %parallel_loop3A_352 : i32 to index
        %parallel_loop3A_354 = arith.constant 0 : index
        %parallel_loop3A_355 = tpu.vector_load %arg8[%parallel_loop3A_353, %parallel_loop3A_354] {strides = array<i32>} : memref<60x16xf32, #tpu.memory_space<vmem>>, vector<16xf32>,
        %parallel_loop3A_356 = arith.mulf %parallel_loop3A_333, %parallel_loop3A_355 : vector<16xf32>
        %parallel_loop3A_357 = arith.addf %parallel_loop3A_351, %parallel_loop3A_356 : vector<16xf32>
        %parallel_loop3A_358 = arith.constant 11 : i32
        %parallel_loop3A_359 = arith.index_cast %parallel_loop3A_358 : i32 to index
        %parallel_loop3A_360 = arith.constant 0 : index
        %parallel_loop3A_361 = tpu.vector_load %arg8[%parallel_loop3A_359, %parallel_loop3A_360] {strides = array<i32>} : memref<60x16xf32, #tpu.memory_space<vmem>>, vector<16xf32>,
        %parallel_loop3A_362 = arith.mulf %parallel_loop3A_329, %parallel_loop3A_361 : vector<16xf32>
        %parallel_loop3A_363 = arith.addf %parallel_loop3A_325, %parallel_loop3A_362 : vector<16xf32>
        %parallel_loop3A_364 = arith.constant 41 : i32
        %parallel_loop3A_365 = arith.index_cast %parallel_loop3A_364 : i32 to index
        %parallel_loop3A_366 = arith.constant 0 : index
        %parallel_loop3A_367 = tpu.vector_load %arg8[%parallel_loop3A_365, %parallel_loop3A_366] {strides = array<i32>} : memref<60x16xf32, #tpu.memory_space<vmem>>, vector<16xf32>,
        %parallel_loop3A_368 = arith.mulf %parallel_loop3A_333, %parallel_loop3A_367 : vector<16xf32>
        %parallel_loop3A_369 = arith.addf %parallel_loop3A_363, %parallel_loop3A_368 : vector<16xf32>
        %parallel_loop3A_370 = arith.constant 4 : i32
        %parallel_loop3A_371 = vector.broadcast %parallel_loop3A_370 : i32 to vector<16xi32>
        %parallel_loop3A_372 = arith.addi %parallel_loop3A_193, %parallel_loop3A_371 : vector<16xi32>
        %parallel_loop3A_373 = tpu.vector_load_idx %arg7[%parallel_loop3A_372] : memref<2048xf32, #tpu.memory_space<vmem>>[vector<16xi32>], vector<16xf32>,
        %parallel_loop3A_374 = arith.constant 20 : i32
        %parallel_loop3A_375 = vector.broadcast %parallel_loop3A_374 : i32 to vector<16xi32>
        %parallel_loop3A_376 = arith.addi %parallel_loop3A_193, %parallel_loop3A_375 : vector<16xi32>
        %parallel_loop3A_377 = tpu.vector_load_idx %arg7[%parallel_loop3A_376] : memref<2048xf32, #tpu.memory_space<vmem>>[vector<16xi32>], vector<16xf32>,
        %parallel_loop3A_378 = arith.constant 12 : i32
        %parallel_loop3A_379 = arith.index_cast %parallel_loop3A_378 : i32 to index
        %parallel_loop3A_380 = arith.constant 0 : index
        %parallel_loop3A_381 = tpu.vector_load %arg8[%parallel_loop3A_379, %parallel_loop3A_380] {strides = array<i32>} : memref<60x16xf32, #tpu.memory_space<vmem>>, vector<16xf32>,
        %parallel_loop3A_382 = arith.mulf %parallel_loop3A_373, %parallel_loop3A_381 : vector<16xf32>
        %parallel_loop3A_383 = arith.addf %parallel_loop3A_345, %parallel_loop3A_382 : vector<16xf32>
        %parallel_loop3A_384 = arith.constant 42 : i32
        %parallel_loop3A_385 = arith.index_cast %parallel_loop3A_384 : i32 to index
        %parallel_loop3A_386 = arith.constant 0 : index
        %parallel_loop3A_387 = tpu.vector_load %arg8[%parallel_loop3A_385, %parallel_loop3A_386] {strides = array<i32>} : memref<60x16xf32, #tpu.memory_space<vmem>>, vector<16xf32>,
        %parallel_loop3A_388 = arith.mulf %parallel_loop3A_377, %parallel_loop3A_387 : vector<16xf32>
        %parallel_loop3A_389 = arith.addf %parallel_loop3A_383, %parallel_loop3A_388 : vector<16xf32>
        %parallel_loop3A_390 = arith.constant 13 : i32
        %parallel_loop3A_391 = arith.index_cast %parallel_loop3A_390 : i32 to index
        %parallel_loop3A_392 = arith.constant 0 : index
        %parallel_loop3A_393 = tpu.vector_load %arg8[%parallel_loop3A_391, %parallel_loop3A_392] {strides = array<i32>} : memref<60x16xf32, #tpu.memory_space<vmem>>, vector<16xf32>,
        %parallel_loop3A_394 = arith.mulf %parallel_loop3A_373, %parallel_loop3A_393 : vector<16xf32>
        %parallel_loop3A_395 = arith.addf %parallel_loop3A_357, %parallel_loop3A_394 : vector<16xf32>
        %parallel_loop3A_396 = arith.constant 43 : i32
        %parallel_loop3A_397 = arith.index_cast %parallel_loop3A_396 : i32 to index
        %parallel_loop3A_398 = arith.constant 0 : index
        %parallel_loop3A_399 = tpu.vector_load %arg8[%parallel_loop3A_397, %parallel_loop3A_398] {strides = array<i32>} : memref<60x16xf32, #tpu.memory_space<vmem>>, vector<16xf32>,
        %parallel_loop3A_400 = arith.mulf %parallel_loop3A_377, %parallel_loop3A_399 : vector<16xf32>
        %parallel_loop3A_401 = arith.addf %parallel_loop3A_395, %parallel_loop3A_400 : vector<16xf32>
        %parallel_loop3A_402 = arith.constant 14 : i32
        %parallel_loop3A_403 = arith.index_cast %parallel_loop3A_402 : i32 to index
        %parallel_loop3A_404 = arith.constant 0 : index
        %parallel_loop3A_405 = tpu.vector_load %arg8[%parallel_loop3A_403, %parallel_loop3A_404] {strides = array<i32>} : memref<60x16xf32, #tpu.memory_space<vmem>>, vector<16xf32>,
        %parallel_loop3A_406 = arith.mulf %parallel_loop3A_373, %parallel_loop3A_405 : vector<16xf32>
        %parallel_loop3A_407 = arith.addf %parallel_loop3A_369, %parallel_loop3A_406 : vector<16xf32>
        %parallel_loop3A_408 = arith.constant 44 : i32
        %parallel_loop3A_409 = arith.index_cast %parallel_loop3A_408 : i32 to index
        %parallel_loop3A_410 = arith.constant 0 : index
        %parallel_loop3A_411 = tpu.vector_load %arg8[%parallel_loop3A_409, %parallel_loop3A_410] {strides = array<i32>} : memref<60x16xf32, #tpu.memory_space<vmem>>, vector<16xf32>,
        %parallel_loop3A_412 = arith.mulf %parallel_loop3A_377, %parallel_loop3A_411 : vector<16xf32>
        %parallel_loop3A_413 = arith.addf %parallel_loop3A_407, %parallel_loop3A_412 : vector<16xf32>
        %parallel_loop3A_414 = arith.constant 5 : i32
        %parallel_loop3A_415 = vector.broadcast %parallel_loop3A_414 : i32 to vector<16xi32>
        %parallel_loop3A_416 = arith.addi %parallel_loop3A_193, %parallel_loop3A_415 : vector<16xi32>
        %parallel_loop3A_417 = tpu.vector_load_idx %arg7[%parallel_loop3A_416] : memref<2048xf32, #tpu.memory_space<vmem>>[vector<16xi32>], vector<16xf32>,
        %parallel_loop3A_418 = arith.constant 21 : i32
        %parallel_loop3A_419 = vector.broadcast %parallel_loop3A_418 : i32 to vector<16xi32>
        %parallel_loop3A_420 = arith.addi %parallel_loop3A_193, %parallel_loop3A_419 : vector<16xi32>
        %parallel_loop3A_421 = tpu.vector_load_idx %arg7[%parallel_loop3A_420] : memref<2048xf32, #tpu.memory_space<vmem>>[vector<16xi32>], vector<16xf32>,
        %parallel_loop3A_422 = arith.constant 15 : i32
        %parallel_loop3A_423 = arith.index_cast %parallel_loop3A_422 : i32 to index
        %parallel_loop3A_424 = arith.constant 0 : index
        %parallel_loop3A_425 = tpu.vector_load %arg8[%parallel_loop3A_423, %parallel_loop3A_424] {strides = array<i32>} : memref<60x16xf32, #tpu.memory_space<vmem>>, vector<16xf32>,
        %parallel_loop3A_426 = arith.mulf %parallel_loop3A_417, %parallel_loop3A_425 : vector<16xf32>
        %parallel_loop3A_427 = arith.addf %parallel_loop3A_389, %parallel_loop3A_426 : vector<16xf32>
        %parallel_loop3A_428 = arith.constant 45 : i32
        %parallel_loop3A_429 = arith.index_cast %parallel_loop3A_428 : i32 to index
        %parallel_loop3A_430 = arith.constant 0 : index
        %parallel_loop3A_431 = tpu.vector_load %arg8[%parallel_loop3A_429, %parallel_loop3A_430] {strides = array<i32>} : memref<60x16xf32, #tpu.memory_space<vmem>>, vector<16xf32>,
        %parallel_loop3A_432 = arith.mulf %parallel_loop3A_421, %parallel_loop3A_431 : vector<16xf32>
        %parallel_loop3A_433 = arith.addf %parallel_loop3A_427, %parallel_loop3A_432 : vector<16xf32>
        %parallel_loop3A_434 = arith.constant 16 : i32
        %parallel_loop3A_435 = arith.index_cast %parallel_loop3A_434 : i32 to index
        %parallel_loop3A_436 = arith.constant 0 : index
        %parallel_loop3A_437 = tpu.vector_load %arg8[%parallel_loop3A_435, %parallel_loop3A_436] {strides = array<i32>} : memref<60x16xf32, #tpu.memory_space<vmem>>, vector<16xf32>,
        %parallel_loop3A_438 = arith.mulf %parallel_loop3A_417, %parallel_loop3A_437 : vector<16xf32>
        %parallel_loop3A_439 = arith.addf %parallel_loop3A_401, %parallel_loop3A_438 : vector<16xf32>
        %parallel_loop3A_440 = arith.constant 46 : i32
        %parallel_loop3A_441 = arith.index_cast %parallel_loop3A_440 : i32 to index
        %parallel_loop3A_442 = arith.constant 0 : index
        %parallel_loop3A_443 = tpu.vector_load %arg8[%parallel_loop3A_441, %parallel_loop3A_442] {strides = array<i32>} : memref<60x16xf32, #tpu.memory_space<vmem>>, vector<16xf32>,
        %parallel_loop3A_444 = arith.mulf %parallel_loop3A_421, %parallel_loop3A_443 : vector<16xf32>
        %parallel_loop3A_445 = arith.addf %parallel_loop3A_439, %parallel_loop3A_444 : vector<16xf32>
        %parallel_loop3A_446 = arith.constant 17 : i32
        %parallel_loop3A_447 = arith.index_cast %parallel_loop3A_446 : i32 to index
        %parallel_loop3A_448 = arith.constant 0 : index
        %parallel_loop3A_449 = tpu.vector_load %arg8[%parallel_loop3A_447, %parallel_loop3A_448] {strides = array<i32>} : memref<60x16xf32, #tpu.memory_space<vmem>>, vector<16xf32>,
        %parallel_loop3A_450 = arith.mulf %parallel_loop3A_417, %parallel_loop3A_449 : vector<16xf32>
        %parallel_loop3A_451 = arith.addf %parallel_loop3A_413, %parallel_loop3A_450 : vector<16xf32>
        %parallel_loop3A_452 = arith.constant 47 : i32
        %parallel_loop3A_453 = arith.index_cast %parallel_loop3A_452 : i32 to index
        %parallel_loop3A_454 = arith.constant 0 : index
        %parallel_loop3A_455 = tpu.vector_load %arg8[%parallel_loop3A_453, %parallel_loop3A_454] {strides = array<i32>} : memref<60x16xf32, #tpu.memory_space<vmem>>, vector<16xf32>,
        %parallel_loop3A_456 = arith.mulf %parallel_loop3A_421, %parallel_loop3A_455 : vector<16xf32>
        %parallel_loop3A_457 = arith.addf %parallel_loop3A_451, %parallel_loop3A_456 : vector<16xf32>
        %parallel_loop3A_458 = arith.constant 6 : i32
        %parallel_loop3A_459 = vector.broadcast %parallel_loop3A_458 : i32 to vector<16xi32>
        %parallel_loop3A_460 = arith.addi %parallel_loop3A_193, %parallel_loop3A_459 : vector<16xi32>
        %parallel_loop3A_461 = tpu.vector_load_idx %arg7[%parallel_loop3A_460] : memref<2048xf32, #tpu.memory_space<vmem>>[vector<16xi32>], vector<16xf32>,
        %parallel_loop3A_462 = arith.constant 22 : i32
        %parallel_loop3A_463 = vector.broadcast %parallel_loop3A_462 : i32 to vector<16xi32>
        %parallel_loop3A_464 = arith.addi %parallel_loop3A_193, %parallel_loop3A_463 : vector<16xi32>
        %parallel_loop3A_465 = tpu.vector_load_idx %arg7[%parallel_loop3A_464] : memref<2048xf32, #tpu.memory_space<vmem>>[vector<16xi32>], vector<16xf32>,
        %parallel_loop3A_466 = arith.constant 18 : i32
        %parallel_loop3A_467 = arith.index_cast %parallel_loop3A_466 : i32 to index
        %parallel_loop3A_468 = arith.constant 0 : index
        %parallel_loop3A_469 = tpu.vector_load %arg8[%parallel_loop3A_467, %parallel_loop3A_468] {strides = array<i32>} : memref<60x16xf32, #tpu.memory_space<vmem>>, vector<16xf32>,
        %parallel_loop3A_470 = arith.mulf %parallel_loop3A_461, %parallel_loop3A_469 : vector<16xf32>
        %parallel_loop3A_471 = arith.addf %parallel_loop3A_433, %parallel_loop3A_470 : vector<16xf32>
        %parallel_loop3A_472 = arith.constant 48 : i32
        %parallel_loop3A_473 = arith.index_cast %parallel_loop3A_472 : i32 to index
        %parallel_loop3A_474 = arith.constant 0 : index
        %parallel_loop3A_475 = tpu.vector_load %arg8[%parallel_loop3A_473, %parallel_loop3A_474] {strides = array<i32>} : memref<60x16xf32, #tpu.memory_space<vmem>>, vector<16xf32>,
        %parallel_loop3A_476 = arith.mulf %parallel_loop3A_465, %parallel_loop3A_475 : vector<16xf32>
        %parallel_loop3A_477 = arith.addf %parallel_loop3A_471, %parallel_loop3A_476 : vector<16xf32>
        %parallel_loop3A_478 = arith.constant 19 : i32
        %parallel_loop3A_479 = arith.index_cast %parallel_loop3A_478 : i32 to index
        %parallel_loop3A_480 = arith.constant 0 : index
        %parallel_loop3A_481 = tpu.vector_load %arg8[%parallel_loop3A_479, %parallel_loop3A_480] {strides = array<i32>} : memref<60x16xf32, #tpu.memory_space<vmem>>, vector<16xf32>,
        %parallel_loop3A_482 = arith.mulf %parallel_loop3A_461, %parallel_loop3A_481 : vector<16xf32>
        %parallel_loop3A_483 = arith.addf %parallel_loop3A_445, %parallel_loop3A_482 : vector<16xf32>
        %parallel_loop3A_484 = arith.constant 49 : i32
        %parallel_loop3A_485 = arith.index_cast %parallel_loop3A_484 : i32 to index
        %parallel_loop3A_486 = arith.constant 0 : index
        %parallel_loop3A_487 = tpu.vector_load %arg8[%parallel_loop3A_485, %parallel_loop3A_486] {strides = array<i32>} : memref<60x16xf32, #tpu.memory_space<vmem>>, vector<16xf32>,
        %parallel_loop3A_488 = arith.mulf %parallel_loop3A_465, %parallel_loop3A_487 : vector<16xf32>
        %parallel_loop3A_489 = arith.addf %parallel_loop3A_483, %parallel_loop3A_488 : vector<16xf32>
        %parallel_loop3A_490 = arith.constant 20 : i32
        %parallel_loop3A_491 = arith.index_cast %parallel_loop3A_490 : i32 to index
        %parallel_loop3A_492 = arith.constant 0 : index
        %parallel_loop3A_493 = tpu.vector_load %arg8[%parallel_loop3A_491, %parallel_loop3A_492] {strides = array<i32>} : memref<60x16xf32, #tpu.memory_space<vmem>>, vector<16xf32>,
        %parallel_loop3A_494 = arith.mulf %parallel_loop3A_461, %parallel_loop3A_493 : vector<16xf32>
        %parallel_loop3A_495 = arith.addf %parallel_loop3A_457, %parallel_loop3A_494 : vector<16xf32>
        %parallel_loop3A_496 = arith.constant 50 : i32
        %parallel_loop3A_497 = arith.index_cast %parallel_loop3A_496 : i32 to index
        %parallel_loop3A_498 = arith.constant 0 : index
        %parallel_loop3A_499 = tpu.vector_load %arg8[%parallel_loop3A_497, %parallel_loop3A_498] {strides = array<i32>} : memref<60x16xf32, #tpu.memory_space<vmem>>, vector<16xf32>,
        %parallel_loop3A_500 = arith.mulf %parallel_loop3A_465, %parallel_loop3A_499 : vector<16xf32>
        %parallel_loop3A_501 = arith.addf %parallel_loop3A_495, %parallel_loop3A_500 : vector<16xf32>
        %parallel_loop3A_502 = arith.constant 7 : i32
        %parallel_loop3A_503 = vector.broadcast %parallel_loop3A_502 : i32 to vector<16xi32>
        %parallel_loop3A_504 = arith.addi %parallel_loop3A_193, %parallel_loop3A_503 : vector<16xi32>
        %parallel_loop3A_505 = tpu.vector_load_idx %arg7[%parallel_loop3A_504] : memref<2048xf32, #tpu.memory_space<vmem>>[vector<16xi32>], vector<16xf32>,
        %parallel_loop3A_506 = arith.constant 23 : i32
        %parallel_loop3A_507 = vector.broadcast %parallel_loop3A_506 : i32 to vector<16xi32>
        %parallel_loop3A_508 = arith.addi %parallel_loop3A_193, %parallel_loop3A_507 : vector<16xi32>
        %parallel_loop3A_509 = tpu.vector_load_idx %arg7[%parallel_loop3A_508] : memref<2048xf32, #tpu.memory_space<vmem>>[vector<16xi32>], vector<16xf32>,
        %parallel_loop3A_510 = arith.constant 21 : i32
        %parallel_loop3A_511 = arith.index_cast %parallel_loop3A_510 : i32 to index
        %parallel_loop3A_512 = arith.constant 0 : index
        %parallel_loop3A_513 = tpu.vector_load %arg8[%parallel_loop3A_511, %parallel_loop3A_512] {strides = array<i32>} : memref<60x16xf32, #tpu.memory_space<vmem>>, vector<16xf32>,
        %parallel_loop3A_514 = arith.mulf %parallel_loop3A_505, %parallel_loop3A_513 : vector<16xf32>
        %parallel_loop3A_515 = arith.addf %parallel_loop3A_477, %parallel_loop3A_514 : vector<16xf32>
        %parallel_loop3A_516 = arith.constant 51 : i32
        %parallel_loop3A_517 = arith.index_cast %parallel_loop3A_516 : i32 to index
        %parallel_loop3A_518 = arith.constant 0 : index
        %parallel_loop3A_519 = tpu.vector_load %arg8[%parallel_loop3A_517, %parallel_loop3A_518] {strides = array<i32>} : memref<60x16xf32, #tpu.memory_space<vmem>>, vector<16xf32>,
        %parallel_loop3A_520 = arith.mulf %parallel_loop3A_509, %parallel_loop3A_519 : vector<16xf32>
        %parallel_loop3A_521 = arith.addf %parallel_loop3A_515, %parallel_loop3A_520 : vector<16xf32>
        %parallel_loop3A_522 = arith.constant 22 : i32
        %parallel_loop3A_523 = arith.index_cast %parallel_loop3A_522 : i32 to index
        %parallel_loop3A_524 = arith.constant 0 : index
        %parallel_loop3A_525 = tpu.vector_load %arg8[%parallel_loop3A_523, %parallel_loop3A_524] {strides = array<i32>} : memref<60x16xf32, #tpu.memory_space<vmem>>, vector<16xf32>,
        %parallel_loop3A_526 = arith.mulf %parallel_loop3A_505, %parallel_loop3A_525 : vector<16xf32>
        %parallel_loop3A_527 = arith.addf %parallel_loop3A_489, %parallel_loop3A_526 : vector<16xf32>
        %parallel_loop3A_528 = arith.constant 52 : i32
        %parallel_loop3A_529 = arith.index_cast %parallel_loop3A_528 : i32 to index
        %parallel_loop3A_530 = arith.constant 0 : index
        %parallel_loop3A_531 = tpu.vector_load %arg8[%parallel_loop3A_529, %parallel_loop3A_530] {strides = array<i32>} : memref<60x16xf32, #tpu.memory_space<vmem>>, vector<16xf32>,
        %parallel_loop3A_532 = arith.mulf %parallel_loop3A_509, %parallel_loop3A_531 : vector<16xf32>
        %parallel_loop3A_533 = arith.addf %parallel_loop3A_527, %parallel_loop3A_532 : vector<16xf32>
        %parallel_loop3A_534 = arith.constant 23 : i32
        %parallel_loop3A_535 = arith.index_cast %parallel_loop3A_534 : i32 to index
        %parallel_loop3A_536 = arith.constant 0 : index
        %parallel_loop3A_537 = tpu.vector_load %arg8[%parallel_loop3A_535, %parallel_loop3A_536] {strides = array<i32>} : memref<60x16xf32, #tpu.memory_space<vmem>>, vector<16xf32>,
        %parallel_loop3A_538 = arith.mulf %parallel_loop3A_505, %parallel_loop3A_537 : vector<16xf32>
        %parallel_loop3A_539 = arith.addf %parallel_loop3A_501, %parallel_loop3A_538 : vector<16xf32>
        %parallel_loop3A_540 = arith.constant 53 : i32
        %parallel_loop3A_541 = arith.index_cast %parallel_loop3A_540 : i32 to index
        %parallel_loop3A_542 = arith.constant 0 : index
        %parallel_loop3A_543 = tpu.vector_load %arg8[%parallel_loop3A_541, %parallel_loop3A_542] {strides = array<i32>} : memref<60x16xf32, #tpu.memory_space<vmem>>, vector<16xf32>,
        %parallel_loop3A_544 = arith.mulf %parallel_loop3A_509, %parallel_loop3A_543 : vector<16xf32>
        %parallel_loop3A_545 = arith.addf %parallel_loop3A_539, %parallel_loop3A_544 : vector<16xf32>
        %parallel_loop3A_546 = arith.constant 8 : i32
        %parallel_loop3A_547 = vector.broadcast %parallel_loop3A_546 : i32 to vector<16xi32>
        %parallel_loop3A_548 = arith.addi %parallel_loop3A_193, %parallel_loop3A_547 : vector<16xi32>
        %parallel_loop3A_549 = tpu.vector_load_idx %arg7[%parallel_loop3A_548] : memref<2048xf32, #tpu.memory_space<vmem>>[vector<16xi32>], vector<16xf32>,
        %parallel_loop3A_550 = arith.constant 24 : i32
        %parallel_loop3A_551 = vector.broadcast %parallel_loop3A_550 : i32 to vector<16xi32>
        %parallel_loop3A_552 = arith.addi %parallel_loop3A_193, %parallel_loop3A_551 : vector<16xi32>
        %parallel_loop3A_553 = tpu.vector_load_idx %arg7[%parallel_loop3A_552] : memref<2048xf32, #tpu.memory_space<vmem>>[vector<16xi32>], vector<16xf32>,
        %parallel_loop3A_554 = arith.constant 24 : i32
        %parallel_loop3A_555 = arith.index_cast %parallel_loop3A_554 : i32 to index
        %parallel_loop3A_556 = arith.constant 0 : index
        %parallel_loop3A_557 = tpu.vector_load %arg8[%parallel_loop3A_555, %parallel_loop3A_556] {strides = array<i32>} : memref<60x16xf32, #tpu.memory_space<vmem>>, vector<16xf32>,
        %parallel_loop3A_558 = arith.mulf %parallel_loop3A_549, %parallel_loop3A_557 : vector<16xf32>
        %parallel_loop3A_559 = arith.addf %parallel_loop3A_521, %parallel_loop3A_558 : vector<16xf32>
        %parallel_loop3A_560 = arith.constant 54 : i32
        %parallel_loop3A_561 = arith.index_cast %parallel_loop3A_560 : i32 to index
        %parallel_loop3A_562 = arith.constant 0 : index
        %parallel_loop3A_563 = tpu.vector_load %arg8[%parallel_loop3A_561, %parallel_loop3A_562] {strides = array<i32>} : memref<60x16xf32, #tpu.memory_space<vmem>>, vector<16xf32>,
        %parallel_loop3A_564 = arith.mulf %parallel_loop3A_553, %parallel_loop3A_563 : vector<16xf32>
        %parallel_loop3A_565 = arith.addf %parallel_loop3A_559, %parallel_loop3A_564 : vector<16xf32>
        %parallel_loop3A_566 = arith.constant 25 : i32
        %parallel_loop3A_567 = arith.index_cast %parallel_loop3A_566 : i32 to index
        %parallel_loop3A_568 = arith.constant 0 : index
        %parallel_loop3A_569 = tpu.vector_load %arg8[%parallel_loop3A_567, %parallel_loop3A_568] {strides = array<i32>} : memref<60x16xf32, #tpu.memory_space<vmem>>, vector<16xf32>,
        %parallel_loop3A_570 = arith.mulf %parallel_loop3A_549, %parallel_loop3A_569 : vector<16xf32>
        %parallel_loop3A_571 = arith.addf %parallel_loop3A_533, %parallel_loop3A_570 : vector<16xf32>
        %parallel_loop3A_572 = arith.constant 55 : i32
        %parallel_loop3A_573 = arith.index_cast %parallel_loop3A_572 : i32 to index
        %parallel_loop3A_574 = arith.constant 0 : index
        %parallel_loop3A_575 = tpu.vector_load %arg8[%parallel_loop3A_573, %parallel_loop3A_574] {strides = array<i32>} : memref<60x16xf32, #tpu.memory_space<vmem>>, vector<16xf32>,
        %parallel_loop3A_576 = arith.mulf %parallel_loop3A_553, %parallel_loop3A_575 : vector<16xf32>
        %parallel_loop3A_577 = arith.addf %parallel_loop3A_571, %parallel_loop3A_576 : vector<16xf32>
        %parallel_loop3A_578 = arith.constant 26 : i32
        %parallel_loop3A_579 = arith.index_cast %parallel_loop3A_578 : i32 to index
        %parallel_loop3A_580 = arith.constant 0 : index
        %parallel_loop3A_581 = tpu.vector_load %arg8[%parallel_loop3A_579, %parallel_loop3A_580] {strides = array<i32>} : memref<60x16xf32, #tpu.memory_space<vmem>>, vector<16xf32>,
        %parallel_loop3A_582 = arith.mulf %parallel_loop3A_549, %parallel_loop3A_581 : vector<16xf32>
        %parallel_loop3A_583 = arith.addf %parallel_loop3A_545, %parallel_loop3A_582 : vector<16xf32>
        %parallel_loop3A_584 = arith.constant 56 : i32
        %parallel_loop3A_585 = arith.index_cast %parallel_loop3A_584 : i32 to index
        %parallel_loop3A_586 = arith.constant 0 : index
        %parallel_loop3A_587 = tpu.vector_load %arg8[%parallel_loop3A_585, %parallel_loop3A_586] {strides = array<i32>} : memref<60x16xf32, #tpu.memory_space<vmem>>, vector<16xf32>,
        %parallel_loop3A_588 = arith.mulf %parallel_loop3A_553, %parallel_loop3A_587 : vector<16xf32>
        %parallel_loop3A_589 = arith.addf %parallel_loop3A_583, %parallel_loop3A_588 : vector<16xf32>
        %parallel_loop3A_590 = arith.constant 9 : i32
        %parallel_loop3A_591 = vector.broadcast %parallel_loop3A_590 : i32 to vector<16xi32>
        %parallel_loop3A_592 = arith.addi %parallel_loop3A_193, %parallel_loop3A_591 : vector<16xi32>
        %parallel_loop3A_593 = tpu.vector_load_idx %arg7[%parallel_loop3A_592] : memref<2048xf32, #tpu.memory_space<vmem>>[vector<16xi32>], vector<16xf32>,
        %parallel_loop3A_594 = arith.constant 25 : i32
        %parallel_loop3A_595 = vector.broadcast %parallel_loop3A_594 : i32 to vector<16xi32>
        %parallel_loop3A_596 = arith.addi %parallel_loop3A_193, %parallel_loop3A_595 : vector<16xi32>
        %parallel_loop3A_597 = tpu.vector_load_idx %arg7[%parallel_loop3A_596] : memref<2048xf32, #tpu.memory_space<vmem>>[vector<16xi32>], vector<16xf32>,
        %parallel_loop3A_598 = arith.constant 27 : i32
        %parallel_loop3A_599 = arith.index_cast %parallel_loop3A_598 : i32 to index
        %parallel_loop3A_600 = arith.constant 0 : index
        %parallel_loop3A_601 = tpu.vector_load %arg8[%parallel_loop3A_599, %parallel_loop3A_600] {strides = array<i32>} : memref<60x16xf32, #tpu.memory_space<vmem>>, vector<16xf32>,
        %parallel_loop3A_602 = arith.mulf %parallel_loop3A_593, %parallel_loop3A_601 : vector<16xf32>
        %parallel_loop3A_603 = arith.addf %parallel_loop3A_565, %parallel_loop3A_602 : vector<16xf32>
        %parallel_loop3A_604 = arith.constant 57 : i32
        %parallel_loop3A_605 = arith.index_cast %parallel_loop3A_604 : i32 to index
        %parallel_loop3A_606 = arith.constant 0 : index
        %parallel_loop3A_607 = tpu.vector_load %arg8[%parallel_loop3A_605, %parallel_loop3A_606] {strides = array<i32>} : memref<60x16xf32, #tpu.memory_space<vmem>>, vector<16xf32>,
        %parallel_loop3A_608 = arith.mulf %parallel_loop3A_597, %parallel_loop3A_607 : vector<16xf32>
        %parallel_loop3A_609 = arith.addf %parallel_loop3A_603, %parallel_loop3A_608 : vector<16xf32>
        %parallel_loop3A_610 = arith.constant 28 : i32
        %parallel_loop3A_611 = arith.index_cast %parallel_loop3A_610 : i32 to index
        %parallel_loop3A_612 = arith.constant 0 : index
        %parallel_loop3A_613 = tpu.vector_load %arg8[%parallel_loop3A_611, %parallel_loop3A_612] {strides = array<i32>} : memref<60x16xf32, #tpu.memory_space<vmem>>, vector<16xf32>,
        %parallel_loop3A_614 = arith.mulf %parallel_loop3A_593, %parallel_loop3A_613 : vector<16xf32>
        %parallel_loop3A_615 = arith.addf %parallel_loop3A_577, %parallel_loop3A_614 : vector<16xf32>
        %parallel_loop3A_616 = arith.constant 58 : i32
        %parallel_loop3A_617 = arith.index_cast %parallel_loop3A_616 : i32 to index
        %parallel_loop3A_618 = arith.constant 0 : index
        %parallel_loop3A_619 = tpu.vector_load %arg8[%parallel_loop3A_617, %parallel_loop3A_618] {strides = array<i32>} : memref<60x16xf32, #tpu.memory_space<vmem>>, vector<16xf32>,
        %parallel_loop3A_620 = arith.mulf %parallel_loop3A_597, %parallel_loop3A_619 : vector<16xf32>
        %parallel_loop3A_621 = arith.addf %parallel_loop3A_615, %parallel_loop3A_620 : vector<16xf32>
        %parallel_loop3A_622 = arith.constant 29 : i32
        %parallel_loop3A_623 = arith.index_cast %parallel_loop3A_622 : i32 to index
        %parallel_loop3A_624 = arith.constant 0 : index
        %parallel_loop3A_625 = tpu.vector_load %arg8[%parallel_loop3A_623, %parallel_loop3A_624] {strides = array<i32>} : memref<60x16xf32, #tpu.memory_space<vmem>>, vector<16xf32>,
        %parallel_loop3A_626 = arith.mulf %parallel_loop3A_593, %parallel_loop3A_625 : vector<16xf32>
        %parallel_loop3A_627 = arith.addf %parallel_loop3A_589, %parallel_loop3A_626 : vector<16xf32>
        %parallel_loop3A_628 = arith.constant 59 : i32
        %parallel_loop3A_629 = arith.index_cast %parallel_loop3A_628 : i32 to index
        %parallel_loop3A_630 = arith.constant 0 : index
        %parallel_loop3A_631 = tpu.vector_load %arg8[%parallel_loop3A_629, %parallel_loop3A_630] {strides = array<i32>} : memref<60x16xf32, #tpu.memory_space<vmem>>, vector<16xf32>,
        %parallel_loop3A_632 = arith.mulf %parallel_loop3A_597, %parallel_loop3A_631 : vector<16xf32>
        %parallel_loop3A_633 = arith.addf %parallel_loop3A_627, %parallel_loop3A_632 : vector<16xf32>
        %parallel_loop3A_634 = arith.constant 3 : i32
        %parallel_loop3A_635 = vector.broadcast %parallel_loop3A_634 : i32 to vector<16xi32>
        %parallel_loop3A_636 = arith.muli %parallel_loop3A_190, %parallel_loop3A_635 : vector<16xi32>
        %parallel_loop3A_637 = arith.constant 0 : i32
        %parallel_loop3A_638 = vector.broadcast %parallel_loop3A_637 : i32 to vector<16xi32>
        %parallel_loop3A_639 = arith.addi %parallel_loop3A_636, %parallel_loop3A_638 : vector<16xi32>
        tpu.vector_store_idx %arg9[%parallel_loop3A_639], %parallel_loop3A_609 : memref<192xf32, #tpu.memory_space<vmem>>[vector<16xi32>], vector<16xf32>,
        %parallel_loop3A_640 = arith.constant 1 : i32
        %parallel_loop3A_641 = vector.broadcast %parallel_loop3A_640 : i32 to vector<16xi32>
        %parallel_loop3A_642 = arith.addi %parallel_loop3A_636, %parallel_loop3A_641 : vector<16xi32>
        tpu.vector_store_idx %arg9[%parallel_loop3A_642], %parallel_loop3A_621 : memref<192xf32, #tpu.memory_space<vmem>>[vector<16xi32>], vector<16xf32>,
        %parallel_loop3A_643 = arith.constant 2 : i32
        %parallel_loop3A_644 = vector.broadcast %parallel_loop3A_643 : i32 to vector<16xi32>
        %parallel_loop3A_645 = arith.addi %parallel_loop3A_636, %parallel_loop3A_644 : vector<16xi32>
        tpu.vector_store_idx %arg9[%parallel_loop3A_645], %parallel_loop3A_633 : memref<192xf32, #tpu.memory_space<vmem>>[vector<16xi32>], vector<16xf32>,
      } {sc.loop_unroll_factor = 1 : i64, sc.parallel_access}
      %mul3A_121 = arith.constant 512 : i32
      %mul3A_122 = arith.muli %add3A, %mul3A_121 : i32
      %mul3A_123 = arith.constant 64 : i32
      %mul3A_124 = arith.muli %add3A_79, %mul3A_123 : i32
      %add3A_125 = arith.addi %mul3A_122, %mul3A_124 : i32
      %mul3A_126 = arith.constant 3 : i32
      %mul3A_127 = arith.muli %add3A_125, %mul3A_126 : i32
      "tpu.region"() ({
        %run_scoped3A = tpu.sem_alloc : memref<!tpu.dma_semaphore, #tpu.memory_space<semaphore_mem>>
        %dma_start3A_186 = tpu.memref_slice %arg5[%mul3A_127] : memref<49152xf32, #tpu.memory_space<hbm>> -> memref<192xf32, #tpu.memory_space<hbm>>
        %dma_start3A_187 = tpu.memref_slice %arg5[%mul3A_127] : memref<49152xf32, #tpu.memory_space<hbm>> -> memref<192xf32, #tpu.memory_space<hbm>>
        tpu.enqueue_dma source(%arg9 : memref<192xf32, #tpu.memory_space<vmem>>) target(%dma_start3A_187 : memref<192xf32, #tpu.memory_space<hbm>>) target_semaphore(%run_scoped3A : memref<!tpu.dma_semaphore, #tpu.memory_space<semaphore_mem>>)
        %dma_wait3A_188 = tpu.memref_slice %arg5[%mul3A_127] : memref<49152xf32, #tpu.memory_space<hbm>> -> memref<192xf32, #tpu.memory_space<hbm>>
        %dma_wait3A_189 = tpu.memref_slice %arg5[%mul3A_127] : memref<49152xf32, #tpu.memory_space<hbm>> -> memref<192xf32, #tpu.memory_space<hbm>>
        tpu.wait_dma2 semaphore(%run_scoped3A : memref<!tpu.dma_semaphore, #tpu.memory_space<semaphore_mem>>) src(%arg9 : memref<192xf32, #tpu.memory_space<vmem>>) dst(%dma_wait3A_189 : memref<192xf32, #tpu.memory_space<hbm>>)
        tpu.yield
      }) : () -> ()
      %mul3A_128 = arith.constant 2 : i32
      %mul3A_129 = arith.muli %scan3A_74, %mul3A_128 : i32
      %add3A_130 = arith.constant 1 : i32
      %add3A_131 = arith.addi %mul3A_129, %add3A_130 : i32
      %dma_wait3A_132 = arith.constant 1 : i32
      %dma_wait3A_133 = arith.constant 0 : i32
      %dma_wait3A_134 = arith.constant 0 : i32
      %dma_wait3A_135 = arith.constant 0 : i32
      %dma_wait3A_136 = tpu.memref_slice %arg6[%dma_wait3A_132, %dma_wait3A_133, %dma_wait3A_134, %dma_wait3A_135] : memref<2x2x64x200xi32, #tpu.memory_space<vmem>> -> memref<1x1x64x200xi32, #tpu.memory_space<vmem>>
      %dma_wait3A_137 = tpu.memref_squeeze %dma_wait3A_136 : memref<1x1x64x200xi32, #tpu.memory_space<vmem>> -> memref<64x200xi32, #tpu.memory_space<vmem>>
      %dma_wait3A_138 = arith.constant 0 : i32
      %dma_wait3A_139 = arith.constant 0 : i32
      %dma_wait3A_140 = tpu.memref_slice %arg2[%dma_wait3A_138, %dma_wait3A_139] : memref<16384x200xi32, #tpu.memory_space<hbm>> -> memref<64x200xi32, #tpu.memory_space<hbm>>
      %dma_wait3A_141 = arith.constant 0 : i32
      %dma_wait3A_142 = arith.constant 0 : i32
      %dma_wait3A_143 = tpu.memref_slice %arg6[%dma_wait3A_132, %dma_wait3A_133, %dma_wait3A_141, %dma_wait3A_142] : memref<2x2x64x200xi32, #tpu.memory_space<vmem>> -> memref<1x1x64x200xi32, #tpu.memory_space<vmem>>
      %dma_wait3A_144 = tpu.memref_squeeze %dma_wait3A_143 : memref<1x1x64x200xi32, #tpu.memory_space<vmem>> -> memref<64x200xi32, #tpu.memory_space<vmem>>
      %dma_wait3A_145 = arith.constant 0 : i32
      %dma_wait3A_146 = arith.constant 0 : i32
      %dma_wait3A_147 = tpu.memref_slice %arg2[%dma_wait3A_145, %dma_wait3A_146] : memref<16384x200xi32, #tpu.memory_space<hbm>> -> memref<64x200xi32, #tpu.memory_space<hbm>>
      tpu.wait_dma2 semaphore(%arg12 : memref<!tpu.dma_semaphore, #tpu.memory_space<semaphore_mem>>) src(%dma_wait3A_147 : memref<64x200xi32, #tpu.memory_space<hbm>>) dst(%dma_wait3A_144 : memref<64x200xi32, #tpu.memory_space<vmem>>)
      %dma_wait3A_148 = arith.constant 1 : i32
      %dma_wait3A_149 = arith.constant 1 : i32
      %dma_wait3A_150 = arith.constant 0 : i32
      %dma_wait3A_151 = arith.constant 0 : i32
      %dma_wait3A_152 = tpu.memref_slice %arg6[%dma_wait3A_148, %dma_wait3A_149, %dma_wait3A_150, %dma_wait3A_151] : memref<2x2x64x200xi32, #tpu.memory_space<vmem>> -> memref<1x1x64x200xi32, #tpu.memory_space<vmem>>
      %dma_wait3A_153 = tpu.memref_squeeze %dma_wait3A_152 : memref<1x1x64x200xi32, #tpu.memory_space<vmem>> -> memref<64x200xi32, #tpu.memory_space<vmem>>
      %dma_wait3A_154 = arith.constant 0 : i32
      %dma_wait3A_155 = arith.constant 0 : i32
      %dma_wait3A_156 = tpu.memref_slice %arg3[%dma_wait3A_154, %dma_wait3A_155] : memref<16384x200xi32, #tpu.memory_space<hbm>> -> memref<64x200xi32, #tpu.memory_space<hbm>>
      %dma_wait3A_157 = arith.constant 0 : i32
      %dma_wait3A_158 = arith.constant 0 : i32
      %dma_wait3A_159 = tpu.memref_slice %arg6[%dma_wait3A_148, %dma_wait3A_149, %dma_wait3A_157, %dma_wait3A_158] : memref<2x2x64x200xi32, #tpu.memory_space<vmem>> -> memref<1x1x64x200xi32, #tpu.memory_space<vmem>>
      %dma_wait3A_160 = tpu.memref_squeeze %dma_wait3A_159 : memref<1x1x64x200xi32, #tpu.memory_space<vmem>> -> memref<64x200xi32, #tpu.memory_space<vmem>>
      %dma_wait3A_161 = arith.constant 0 : i32
      %dma_wait3A_162 = arith.constant 0 : i32
      %dma_wait3A_163 = tpu.memref_slice %arg3[%dma_wait3A_161, %dma_wait3A_162] : memref<16384x200xi32, #tpu.memory_space<hbm>> -> memref<64x200xi32, #tpu.memory_space<hbm>>
      tpu.wait_dma2 semaphore(%arg13 : memref<!tpu.dma_semaphore, #tpu.memory_space<semaphore_mem>>) src(%dma_wait3A_163 : memref<64x200xi32, #tpu.memory_space<hbm>>) dst(%dma_wait3A_160 : memref<64x200xi32, #tpu.memory_space<vmem>>)
      %parallel_loop3A_164 = arith.constant 0 : i32
      %parallel_loop3A_165 = arith.constant 128 : i32
      %parallel_loop3A_166 = arith.constant 1 : i32
      scf.for %parallel_loop3A_186 = %parallel_loop3A_164 to %parallel_loop3A_165 step %parallel_loop3A_166  : i32 {
        %parallel_loop3A_187 = arith.constant 16 : i32
        %parallel_loop3A_188 = arith.muli %parallel_loop3A_186, %parallel_loop3A_187 : i32
        %parallel_loop3A_189 = arith.index_cast %parallel_loop3A_188 : i32 to index
        %parallel_loop3A_190 = tpu.vector_load %arg7[%parallel_loop3A_189] {strides = array<i32>} : memref<2048xf32, #tpu.memory_space<vmem>>, vector<16xf32>,
        tpu.vector_store %arg7[%parallel_loop3A_189], %broadcast_in_dim3A_3 {strides = array<i32>} : memref<2048xf32, #tpu.memory_space<vmem>>, vector<16xf32>,
      } {sc.loop_unroll_factor = 8 : i64, sc.parallel_access}
      %parallel_loop3A_167 = arith.constant 0 : i32
      %parallel_loop3A_168 = arith.constant 64 : i32
      %parallel_loop3A_169 = arith.constant 1 : i32
      scf.for %parallel_loop3A_186 = %parallel_loop3A_167 to %parallel_loop3A_168 step %parallel_loop3A_169  : i32 {
        %parallel_loop3A_187 = arith.constant 0 : i32
        %parallel_loop3A_188 = vector.broadcast %parallel_loop3A_187 : i32 to vector<16xi32>
        %parallel_loop3A_189 = arith.constant 32 : i32
        %parallel_loop3A_190 = arith.muli %parallel_loop3A_186, %parallel_loop3A_189 : i32
        %parallel_loop3A_191 = vector.broadcast %parallel_loop3A_190 : i32 to vector<16xi32>
        %parallel_loop3A_192 = arith.addi %parallel_loop3A_188, %parallel_loop3A_191 : vector<16xi32>
        %parallel_loop3A_193 = arith.constant 1 : i32
        %parallel_loop3A_194 = arith.constant 0 : i32
        %parallel_loop3A_195 = arith.index_cast %parallel_loop3A_193 : i32 to index
        %parallel_loop3A_196 = arith.index_cast %parallel_loop3A_194 : i32 to index
        %parallel_loop3A_197 = arith.index_cast %parallel_loop3A_186 : i32 to index
        %parallel_loop3A_198 = arith.constant 0 : index
        %parallel_loop3A_199 = tpu.vector_load %arg6[%parallel_loop3A_195, %parallel_loop3A_196, %parallel_loop3A_197, %parallel_loop3A_198] {strides = array<i32>} : memref<2x2x64x200xi32, #tpu.memory_space<vmem>>, vector<16xi32>,
        %parallel_loop3A_200 = arith.constant 1 : i32
        %parallel_loop3A_201 = arith.constant 1 : i32
        %parallel_loop3A_202 = arith.index_cast %parallel_loop3A_200 : i32 to index
        %parallel_loop3A_203 = arith.index_cast %parallel_loop3A_201 : i32 to index
        %parallel_loop3A_204 = arith.index_cast %parallel_loop3A_186 : i32 to index
        %parallel_loop3A_205 = arith.constant 0 : index
        %parallel_loop3A_206 = tpu.vector_load %arg6[%parallel_loop3A_202, %parallel_loop3A_203, %parallel_loop3A_204, %parallel_loop3A_205] {strides = array<i32>} : memref<2x2x64x200xi32, #tpu.memory_space<vmem>>, vector<16xi32>,
        %parallel_loop3A_207 = arith.addi %parallel_loop3A_192, %parallel_loop3A_199 : vector<16xi32>
        %parallel_loop3A_208 = arith.constant 16 : i32
        %parallel_loop3A_209 = vector.broadcast %parallel_loop3A_208 : i32 to vector<16xi32>
        %parallel_loop3A_210 = arith.addi %parallel_loop3A_192, %parallel_loop3A_209 : vector<16xi32>
        %parallel_loop3A_211 = arith.addi %parallel_loop3A_210, %parallel_loop3A_206 : vector<16xi32>
        %parallel_loop3A_212 = arith.constant 1 : i32
        %parallel_loop3A_213 = arith.constant 0 : i32
        %parallel_loop3A_214 = arith.index_cast %parallel_loop3A_212 : i32 to index
        %parallel_loop3A_215 = arith.index_cast %parallel_loop3A_213 : i32 to index
        %parallel_loop3A_216 = arith.index_cast %parallel_loop3A_186 : i32 to index
        %parallel_loop3A_217 = arith.constant 16 : index
        %parallel_loop3A_218 = tpu.vector_load %arg6[%parallel_loop3A_214, %parallel_loop3A_215, %parallel_loop3A_216, %parallel_loop3A_217] {strides = array<i32>} : memref<2x2x64x200xi32, #tpu.memory_space<vmem>>, vector<16xi32>,
        %parallel_loop3A_219 = arith.constant 1 : i32
        %parallel_loop3A_220 = arith.constant 1 : i32
        %parallel_loop3A_221 = arith.index_cast %parallel_loop3A_219 : i32 to index
        %parallel_loop3A_222 = arith.index_cast %parallel_loop3A_220 : i32 to index
        %parallel_loop3A_223 = arith.index_cast %parallel_loop3A_186 : i32 to index
        %parallel_loop3A_224 = arith.constant 16 : index
        %parallel_loop3A_225 = tpu.vector_load %arg6[%parallel_loop3A_221, %parallel_loop3A_222, %parallel_loop3A_223, %parallel_loop3A_224] {strides = array<i32>} : memref<2x2x64x200xi32, #tpu.memory_space<vmem>>, vector<16xi32>,
        %parallel_loop3A_226 = arith.addi %parallel_loop3A_192, %parallel_loop3A_218 : vector<16xi32>
        %parallel_loop3A_227 = arith.constant 16 : i32
        %parallel_loop3A_228 = vector.broadcast %parallel_loop3A_227 : i32 to vector<16xi32>
        %parallel_loop3A_229 = arith.addi %parallel_loop3A_192, %parallel_loop3A_228 : vector<16xi32>
        %parallel_loop3A_230 = arith.addi %parallel_loop3A_229, %parallel_loop3A_225 : vector<16xi32>
        %parallel_loop3A_231 = arith.constant 1 : i32
        %parallel_loop3A_232 = arith.constant 0 : i32
        %parallel_loop3A_233 = arith.index_cast %parallel_loop3A_231 : i32 to index
        %parallel_loop3A_234 = arith.index_cast %parallel_loop3A_232 : i32 to index
        %parallel_loop3A_235 = arith.index_cast %parallel_loop3A_186 : i32 to index
        %parallel_loop3A_236 = arith.constant 32 : index
        %parallel_loop3A_237 = tpu.vector_load %arg6[%parallel_loop3A_233, %parallel_loop3A_234, %parallel_loop3A_235, %parallel_loop3A_236] {strides = array<i32>} : memref<2x2x64x200xi32, #tpu.memory_space<vmem>>, vector<16xi32>,
        %parallel_loop3A_238 = arith.constant 1 : i32
        %parallel_loop3A_239 = arith.constant 1 : i32
        %parallel_loop3A_240 = arith.index_cast %parallel_loop3A_238 : i32 to index
        %parallel_loop3A_241 = arith.index_cast %parallel_loop3A_239 : i32 to index
        %parallel_loop3A_242 = arith.index_cast %parallel_loop3A_186 : i32 to index
        %parallel_loop3A_243 = arith.constant 32 : index
        %parallel_loop3A_244 = tpu.vector_load %arg6[%parallel_loop3A_240, %parallel_loop3A_241, %parallel_loop3A_242, %parallel_loop3A_243] {strides = array<i32>} : memref<2x2x64x200xi32, #tpu.memory_space<vmem>>, vector<16xi32>,
        %parallel_loop3A_245 = arith.addi %parallel_loop3A_192, %parallel_loop3A_237 : vector<16xi32>
        %parallel_loop3A_246 = arith.constant 16 : i32
        %parallel_loop3A_247 = vector.broadcast %parallel_loop3A_246 : i32 to vector<16xi32>
        %parallel_loop3A_248 = arith.addi %parallel_loop3A_192, %parallel_loop3A_247 : vector<16xi32>
        %parallel_loop3A_249 = arith.addi %parallel_loop3A_248, %parallel_loop3A_244 : vector<16xi32>
        %parallel_loop3A_250 = arith.constant 1 : i32
        %parallel_loop3A_251 = arith.constant 0 : i32
        %parallel_loop3A_252 = arith.index_cast %parallel_loop3A_250 : i32 to index
        %parallel_loop3A_253 = arith.index_cast %parallel_loop3A_251 : i32 to index
        %parallel_loop3A_254 = arith.index_cast %parallel_loop3A_186 : i32 to index
        %parallel_loop3A_255 = arith.constant 48 : index
        %parallel_loop3A_256 = tpu.vector_load %arg6[%parallel_loop3A_252, %parallel_loop3A_253, %parallel_loop3A_254, %parallel_loop3A_255] {strides = array<i32>} : memref<2x2x64x200xi32, #tpu.memory_space<vmem>>, vector<16xi32>,
        %parallel_loop3A_257 = arith.constant 1 : i32
        %parallel_loop3A_258 = arith.constant 1 : i32
        %parallel_loop3A_259 = arith.index_cast %parallel_loop3A_257 : i32 to index
        %parallel_loop3A_260 = arith.index_cast %parallel_loop3A_258 : i32 to index
        %parallel_loop3A_261 = arith.index_cast %parallel_loop3A_186 : i32 to index
        %parallel_loop3A_262 = arith.constant 48 : index
        %parallel_loop3A_263 = tpu.vector_load %arg6[%parallel_loop3A_259, %parallel_loop3A_260, %parallel_loop3A_261, %parallel_loop3A_262] {strides = array<i32>} : memref<2x2x64x200xi32, #tpu.memory_space<vmem>>, vector<16xi32>,
        %parallel_loop3A_264 = arith.addi %parallel_loop3A_192, %parallel_loop3A_256 : vector<16xi32>
        %parallel_loop3A_265 = arith.constant 16 : i32
        %parallel_loop3A_266 = vector.broadcast %parallel_loop3A_265 : i32 to vector<16xi32>
        %parallel_loop3A_267 = arith.addi %parallel_loop3A_192, %parallel_loop3A_266 : vector<16xi32>
        %parallel_loop3A_268 = arith.addi %parallel_loop3A_267, %parallel_loop3A_263 : vector<16xi32>
        tpu.vector_store_idx %arg7[%parallel_loop3A_207], %broadcast_in_dim3A_1 {add = true} : memref<2048xf32, #tpu.memory_space<vmem>>[vector<16xi32>], vector<16xf32>,
        tpu.vector_store_idx %arg7[%parallel_loop3A_211], %broadcast_in_dim3A_1 {add = true} : memref<2048xf32, #tpu.memory_space<vmem>>[vector<16xi32>], vector<16xf32>,
        tpu.vector_store_idx %arg7[%parallel_loop3A_226], %broadcast_in_dim3A_1 {add = true} : memref<2048xf32, #tpu.memory_space<vmem>>[vector<16xi32>], vector<16xf32>,
        tpu.vector_store_idx %arg7[%parallel_loop3A_230], %broadcast_in_dim3A_1 {add = true} : memref<2048xf32, #tpu.memory_space<vmem>>[vector<16xi32>], vector<16xf32>,
        tpu.vector_store_idx %arg7[%parallel_loop3A_245], %broadcast_in_dim3A_1 {add = true} : memref<2048xf32, #tpu.memory_space<vmem>>[vector<16xi32>], vector<16xf32>,
        tpu.vector_store_idx %arg7[%parallel_loop3A_249], %broadcast_in_dim3A_1 {add = true} : memref<2048xf32, #tpu.memory_space<vmem>>[vector<16xi32>], vector<16xf32>,
        tpu.vector_store_idx %arg7[%parallel_loop3A_264], %broadcast_in_dim3A_1 {add = true} : memref<2048xf32, #tpu.memory_space<vmem>>[vector<16xi32>], vector<16xf32>,
        tpu.vector_store_idx %arg7[%parallel_loop3A_268], %broadcast_in_dim3A_1 {add = true} : memref<2048xf32, #tpu.memory_space<vmem>>[vector<16xi32>], vector<16xf32>,
        %parallel_loop3A_269 = arith.constant 1 : i32
        %parallel_loop3A_270 = arith.constant 0 : i32
        %parallel_loop3A_271 = arith.index_cast %parallel_loop3A_269 : i32 to index
        %parallel_loop3A_272 = arith.index_cast %parallel_loop3A_270 : i32 to index
        %parallel_loop3A_273 = arith.index_cast %parallel_loop3A_186 : i32 to index
        %parallel_loop3A_274 = arith.constant 64 : index
        %parallel_loop3A_275 = tpu.vector_load %arg6[%parallel_loop3A_271, %parallel_loop3A_272, %parallel_loop3A_273, %parallel_loop3A_274] {strides = array<i32>} : memref<2x2x64x200xi32, #tpu.memory_space<vmem>>, vector<16xi32>,
        %parallel_loop3A_276 = arith.constant 1 : i32
        %parallel_loop3A_277 = arith.constant 1 : i32
        %parallel_loop3A_278 = arith.index_cast %parallel_loop3A_276 : i32 to index
        %parallel_loop3A_279 = arith.index_cast %parallel_loop3A_277 : i32 to index
        %parallel_loop3A_280 = arith.index_cast %parallel_loop3A_186 : i32 to index
        %parallel_loop3A_281 = arith.constant 64 : index
        %parallel_loop3A_282 = tpu.vector_load %arg6[%parallel_loop3A_278, %parallel_loop3A_279, %parallel_loop3A_280, %parallel_loop3A_281] {strides = array<i32>} : memref<2x2x64x200xi32, #tpu.memory_space<vmem>>, vector<16xi32>,
        %parallel_loop3A_283 = arith.addi %parallel_loop3A_192, %parallel_loop3A_275 : vector<16xi32>
        %parallel_loop3A_284 = arith.constant 16 : i32
        %parallel_loop3A_285 = vector.broadcast %parallel_loop3A_284 : i32 to vector<16xi32>
        %parallel_loop3A_286 = arith.addi %parallel_loop3A_192, %parallel_loop3A_285 : vector<16xi32>
        %parallel_loop3A_287 = arith.addi %parallel_loop3A_286, %parallel_loop3A_282 : vector<16xi32>
        %parallel_loop3A_288 = arith.constant 1 : i32
        %parallel_loop3A_289 = arith.constant 0 : i32
        %parallel_loop3A_290 = arith.index_cast %parallel_loop3A_288 : i32 to index
        %parallel_loop3A_291 = arith.index_cast %parallel_loop3A_289 : i32 to index
        %parallel_loop3A_292 = arith.index_cast %parallel_loop3A_186 : i32 to index
        %parallel_loop3A_293 = arith.constant 80 : index
        %parallel_loop3A_294 = tpu.vector_load %arg6[%parallel_loop3A_290, %parallel_loop3A_291, %parallel_loop3A_292, %parallel_loop3A_293] {strides = array<i32>} : memref<2x2x64x200xi32, #tpu.memory_space<vmem>>, vector<16xi32>,
        %parallel_loop3A_295 = arith.constant 1 : i32
        %parallel_loop3A_296 = arith.constant 1 : i32
        %parallel_loop3A_297 = arith.index_cast %parallel_loop3A_295 : i32 to index
        %parallel_loop3A_298 = arith.index_cast %parallel_loop3A_296 : i32 to index
        %parallel_loop3A_299 = arith.index_cast %parallel_loop3A_186 : i32 to index
        %parallel_loop3A_300 = arith.constant 80 : index
        %parallel_loop3A_301 = tpu.vector_load %arg6[%parallel_loop3A_297, %parallel_loop3A_298, %parallel_loop3A_299, %parallel_loop3A_300] {strides = array<i32>} : memref<2x2x64x200xi32, #tpu.memory_space<vmem>>, vector<16xi32>,
        %parallel_loop3A_302 = arith.addi %parallel_loop3A_192, %parallel_loop3A_294 : vector<16xi32>
        %parallel_loop3A_303 = arith.constant 16 : i32
        %parallel_loop3A_304 = vector.broadcast %parallel_loop3A_303 : i32 to vector<16xi32>
        %parallel_loop3A_305 = arith.addi %parallel_loop3A_192, %parallel_loop3A_304 : vector<16xi32>
        %parallel_loop3A_306 = arith.addi %parallel_loop3A_305, %parallel_loop3A_301 : vector<16xi32>
        %parallel_loop3A_307 = arith.constant 1 : i32
        %parallel_loop3A_308 = arith.constant 0 : i32
        %parallel_loop3A_309 = arith.index_cast %parallel_loop3A_307 : i32 to index
        %parallel_loop3A_310 = arith.index_cast %parallel_loop3A_308 : i32 to index
        %parallel_loop3A_311 = arith.index_cast %parallel_loop3A_186 : i32 to index
        %parallel_loop3A_312 = arith.constant 96 : index
        %parallel_loop3A_313 = tpu.vector_load %arg6[%parallel_loop3A_309, %parallel_loop3A_310, %parallel_loop3A_311, %parallel_loop3A_312] {strides = array<i32>} : memref<2x2x64x200xi32, #tpu.memory_space<vmem>>, vector<16xi32>,
        %parallel_loop3A_314 = arith.constant 1 : i32
        %parallel_loop3A_315 = arith.constant 1 : i32
        %parallel_loop3A_316 = arith.index_cast %parallel_loop3A_314 : i32 to index
        %parallel_loop3A_317 = arith.index_cast %parallel_loop3A_315 : i32 to index
        %parallel_loop3A_318 = arith.index_cast %parallel_loop3A_186 : i32 to index
        %parallel_loop3A_319 = arith.constant 96 : index
        %parallel_loop3A_320 = tpu.vector_load %arg6[%parallel_loop3A_316, %parallel_loop3A_317, %parallel_loop3A_318, %parallel_loop3A_319] {strides = array<i32>} : memref<2x2x64x200xi32, #tpu.memory_space<vmem>>, vector<16xi32>,
        %parallel_loop3A_321 = arith.addi %parallel_loop3A_192, %parallel_loop3A_313 : vector<16xi32>
        %parallel_loop3A_322 = arith.constant 16 : i32
        %parallel_loop3A_323 = vector.broadcast %parallel_loop3A_322 : i32 to vector<16xi32>
        %parallel_loop3A_324 = arith.addi %parallel_loop3A_192, %parallel_loop3A_323 : vector<16xi32>
        %parallel_loop3A_325 = arith.addi %parallel_loop3A_324, %parallel_loop3A_320 : vector<16xi32>
        %parallel_loop3A_326 = arith.constant 1 : i32
        %parallel_loop3A_327 = arith.constant 0 : i32
        %parallel_loop3A_328 = arith.index_cast %parallel_loop3A_326 : i32 to index
        %parallel_loop3A_329 = arith.index_cast %parallel_loop3A_327 : i32 to index
        %parallel_loop3A_330 = arith.index_cast %parallel_loop3A_186 : i32 to index
        %parallel_loop3A_331 = arith.constant 112 : index
        %parallel_loop3A_332 = tpu.vector_load %arg6[%parallel_loop3A_328, %parallel_loop3A_329, %parallel_loop3A_330, %parallel_loop3A_331] {strides = array<i32>} : memref<2x2x64x200xi32, #tpu.memory_space<vmem>>, vector<16xi32>,
        %parallel_loop3A_333 = arith.constant 1 : i32
        %parallel_loop3A_334 = arith.constant 1 : i32
        %parallel_loop3A_335 = arith.index_cast %parallel_loop3A_333 : i32 to index
        %parallel_loop3A_336 = arith.index_cast %parallel_loop3A_334 : i32 to index
        %parallel_loop3A_337 = arith.index_cast %parallel_loop3A_186 : i32 to index
        %parallel_loop3A_338 = arith.constant 112 : index
        %parallel_loop3A_339 = tpu.vector_load %arg6[%parallel_loop3A_335, %parallel_loop3A_336, %parallel_loop3A_337, %parallel_loop3A_338] {strides = array<i32>} : memref<2x2x64x200xi32, #tpu.memory_space<vmem>>, vector<16xi32>,
        %parallel_loop3A_340 = arith.addi %parallel_loop3A_192, %parallel_loop3A_332 : vector<16xi32>
        %parallel_loop3A_341 = arith.constant 16 : i32
        %parallel_loop3A_342 = vector.broadcast %parallel_loop3A_341 : i32 to vector<16xi32>
        %parallel_loop3A_343 = arith.addi %parallel_loop3A_192, %parallel_loop3A_342 : vector<16xi32>
        %parallel_loop3A_344 = arith.addi %parallel_loop3A_343, %parallel_loop3A_339 : vector<16xi32>
        tpu.vector_store_idx %arg7[%parallel_loop3A_283], %broadcast_in_dim3A_1 {add = true} : memref<2048xf32, #tpu.memory_space<vmem>>[vector<16xi32>], vector<16xf32>,
        tpu.vector_store_idx %arg7[%parallel_loop3A_287], %broadcast_in_dim3A_1 {add = true} : memref<2048xf32, #tpu.memory_space<vmem>>[vector<16xi32>], vector<16xf32>,
        tpu.vector_store_idx %arg7[%parallel_loop3A_302], %broadcast_in_dim3A_1 {add = true} : memref<2048xf32, #tpu.memory_space<vmem>>[vector<16xi32>], vector<16xf32>,
        tpu.vector_store_idx %arg7[%parallel_loop3A_306], %broadcast_in_dim3A_1 {add = true} : memref<2048xf32, #tpu.memory_space<vmem>>[vector<16xi32>], vector<16xf32>,
        tpu.vector_store_idx %arg7[%parallel_loop3A_321], %broadcast_in_dim3A_1 {add = true} : memref<2048xf32, #tpu.memory_space<vmem>>[vector<16xi32>], vector<16xf32>,
        tpu.vector_store_idx %arg7[%parallel_loop3A_325], %broadcast_in_dim3A_1 {add = true} : memref<2048xf32, #tpu.memory_space<vmem>>[vector<16xi32>], vector<16xf32>,
        tpu.vector_store_idx %arg7[%parallel_loop3A_340], %broadcast_in_dim3A_1 {add = true} : memref<2048xf32, #tpu.memory_space<vmem>>[vector<16xi32>], vector<16xf32>,
        tpu.vector_store_idx %arg7[%parallel_loop3A_344], %broadcast_in_dim3A_1 {add = true} : memref<2048xf32, #tpu.memory_space<vmem>>[vector<16xi32>], vector<16xf32>,
        %parallel_loop3A_345 = arith.constant 1 : i32
        %parallel_loop3A_346 = arith.constant 0 : i32
        %parallel_loop3A_347 = arith.index_cast %parallel_loop3A_345 : i32 to index
        %parallel_loop3A_348 = arith.index_cast %parallel_loop3A_346 : i32 to index
        %parallel_loop3A_349 = arith.index_cast %parallel_loop3A_186 : i32 to index
        %parallel_loop3A_350 = arith.constant 128 : index
        %parallel_loop3A_351 = tpu.vector_load %arg6[%parallel_loop3A_347, %parallel_loop3A_348, %parallel_loop3A_349, %parallel_loop3A_350] {strides = array<i32>} : memref<2x2x64x200xi32, #tpu.memory_space<vmem>>, vector<16xi32>,
        %parallel_loop3A_352 = arith.constant 1 : i32
        %parallel_loop3A_353 = arith.constant 1 : i32
        %parallel_loop3A_354 = arith.index_cast %parallel_loop3A_352 : i32 to index
        %parallel_loop3A_355 = arith.index_cast %parallel_loop3A_353 : i32 to index
        %parallel_loop3A_356 = arith.index_cast %parallel_loop3A_186 : i32 to index
        %parallel_loop3A_357 = arith.constant 128 : index
        %parallel_loop3A_358 = tpu.vector_load %arg6[%parallel_loop3A_354, %parallel_loop3A_355, %parallel_loop3A_356, %parallel_loop3A_357] {strides = array<i32>} : memref<2x2x64x200xi32, #tpu.memory_space<vmem>>, vector<16xi32>,
        %parallel_loop3A_359 = arith.addi %parallel_loop3A_192, %parallel_loop3A_351 : vector<16xi32>
        %parallel_loop3A_360 = arith.constant 16 : i32
        %parallel_loop3A_361 = vector.broadcast %parallel_loop3A_360 : i32 to vector<16xi32>
        %parallel_loop3A_362 = arith.addi %parallel_loop3A_192, %parallel_loop3A_361 : vector<16xi32>
        %parallel_loop3A_363 = arith.addi %parallel_loop3A_362, %parallel_loop3A_358 : vector<16xi32>
        %parallel_loop3A_364 = arith.constant 1 : i32
        %parallel_loop3A_365 = arith.constant 0 : i32
        %parallel_loop3A_366 = arith.index_cast %parallel_loop3A_364 : i32 to index
        %parallel_loop3A_367 = arith.index_cast %parallel_loop3A_365 : i32 to index
        %parallel_loop3A_368 = arith.index_cast %parallel_loop3A_186 : i32 to index
        %parallel_loop3A_369 = arith.constant 144 : index
        %parallel_loop3A_370 = tpu.vector_load %arg6[%parallel_loop3A_366, %parallel_loop3A_367, %parallel_loop3A_368, %parallel_loop3A_369] {strides = array<i32>} : memref<2x2x64x200xi32, #tpu.memory_space<vmem>>, vector<16xi32>,
        %parallel_loop3A_371 = arith.constant 1 : i32
        %parallel_loop3A_372 = arith.constant 1 : i32
        %parallel_loop3A_373 = arith.index_cast %parallel_loop3A_371 : i32 to index
        %parallel_loop3A_374 = arith.index_cast %parallel_loop3A_372 : i32 to index
        %parallel_loop3A_375 = arith.index_cast %parallel_loop3A_186 : i32 to index
        %parallel_loop3A_376 = arith.constant 144 : index
        %parallel_loop3A_377 = tpu.vector_load %arg6[%parallel_loop3A_373, %parallel_loop3A_374, %parallel_loop3A_375, %parallel_loop3A_376] {strides = array<i32>} : memref<2x2x64x200xi32, #tpu.memory_space<vmem>>, vector<16xi32>,
        %parallel_loop3A_378 = arith.addi %parallel_loop3A_192, %parallel_loop3A_370 : vector<16xi32>
        %parallel_loop3A_379 = arith.constant 16 : i32
        %parallel_loop3A_380 = vector.broadcast %parallel_loop3A_379 : i32 to vector<16xi32>
        %parallel_loop3A_381 = arith.addi %parallel_loop3A_192, %parallel_loop3A_380 : vector<16xi32>
        %parallel_loop3A_382 = arith.addi %parallel_loop3A_381, %parallel_loop3A_377 : vector<16xi32>
        %parallel_loop3A_383 = arith.constant 1 : i32
        %parallel_loop3A_384 = arith.constant 0 : i32
        %parallel_loop3A_385 = arith.index_cast %parallel_loop3A_383 : i32 to index
        %parallel_loop3A_386 = arith.index_cast %parallel_loop3A_384 : i32 to index
        %parallel_loop3A_387 = arith.index_cast %parallel_loop3A_186 : i32 to index
        %parallel_loop3A_388 = arith.constant 160 : index
        %parallel_loop3A_389 = tpu.vector_load %arg6[%parallel_loop3A_385, %parallel_loop3A_386, %parallel_loop3A_387, %parallel_loop3A_388] {strides = array<i32>} : memref<2x2x64x200xi32, #tpu.memory_space<vmem>>, vector<16xi32>,
        %parallel_loop3A_390 = arith.constant 1 : i32
        %parallel_loop3A_391 = arith.constant 1 : i32
        %parallel_loop3A_392 = arith.index_cast %parallel_loop3A_390 : i32 to index
        %parallel_loop3A_393 = arith.index_cast %parallel_loop3A_391 : i32 to index
        %parallel_loop3A_394 = arith.index_cast %parallel_loop3A_186 : i32 to index
        %parallel_loop3A_395 = arith.constant 160 : index
        %parallel_loop3A_396 = tpu.vector_load %arg6[%parallel_loop3A_392, %parallel_loop3A_393, %parallel_loop3A_394, %parallel_loop3A_395] {strides = array<i32>} : memref<2x2x64x200xi32, #tpu.memory_space<vmem>>, vector<16xi32>,
        %parallel_loop3A_397 = arith.addi %parallel_loop3A_192, %parallel_loop3A_389 : vector<16xi32>
        %parallel_loop3A_398 = arith.constant 16 : i32
        %parallel_loop3A_399 = vector.broadcast %parallel_loop3A_398 : i32 to vector<16xi32>
        %parallel_loop3A_400 = arith.addi %parallel_loop3A_192, %parallel_loop3A_399 : vector<16xi32>
        %parallel_loop3A_401 = arith.addi %parallel_loop3A_400, %parallel_loop3A_396 : vector<16xi32>
        %parallel_loop3A_402 = arith.constant 1 : i32
        %parallel_loop3A_403 = arith.constant 0 : i32
        %parallel_loop3A_404 = arith.index_cast %parallel_loop3A_402 : i32 to index
        %parallel_loop3A_405 = arith.index_cast %parallel_loop3A_403 : i32 to index
        %parallel_loop3A_406 = arith.index_cast %parallel_loop3A_186 : i32 to index
        %parallel_loop3A_407 = arith.constant 176 : index
        %parallel_loop3A_408 = tpu.vector_load %arg6[%parallel_loop3A_404, %parallel_loop3A_405, %parallel_loop3A_406, %parallel_loop3A_407] {strides = array<i32>} : memref<2x2x64x200xi32, #tpu.memory_space<vmem>>, vector<16xi32>,
        %parallel_loop3A_409 = arith.constant 1 : i32
        %parallel_loop3A_410 = arith.constant 1 : i32
        %parallel_loop3A_411 = arith.index_cast %parallel_loop3A_409 : i32 to index
        %parallel_loop3A_412 = arith.index_cast %parallel_loop3A_410 : i32 to index
        %parallel_loop3A_413 = arith.index_cast %parallel_loop3A_186 : i32 to index
        %parallel_loop3A_414 = arith.constant 176 : index
        %parallel_loop3A_415 = tpu.vector_load %arg6[%parallel_loop3A_411, %parallel_loop3A_412, %parallel_loop3A_413, %parallel_loop3A_414] {strides = array<i32>} : memref<2x2x64x200xi32, #tpu.memory_space<vmem>>, vector<16xi32>,
        %parallel_loop3A_416 = arith.addi %parallel_loop3A_192, %parallel_loop3A_408 : vector<16xi32>
        %parallel_loop3A_417 = arith.constant 16 : i32
        %parallel_loop3A_418 = vector.broadcast %parallel_loop3A_417 : i32 to vector<16xi32>
        %parallel_loop3A_419 = arith.addi %parallel_loop3A_192, %parallel_loop3A_418 : vector<16xi32>
        %parallel_loop3A_420 = arith.addi %parallel_loop3A_419, %parallel_loop3A_415 : vector<16xi32>
        tpu.vector_store_idx %arg7[%parallel_loop3A_359], %broadcast_in_dim3A_1 {add = true} : memref<2048xf32, #tpu.memory_space<vmem>>[vector<16xi32>], vector<16xf32>,
        tpu.vector_store_idx %arg7[%parallel_loop3A_363], %broadcast_in_dim3A_1 {add = true} : memref<2048xf32, #tpu.memory_space<vmem>>[vector<16xi32>], vector<16xf32>,
        tpu.vector_store_idx %arg7[%parallel_loop3A_378], %broadcast_in_dim3A_1 {add = true} : memref<2048xf32, #tpu.memory_space<vmem>>[vector<16xi32>], vector<16xf32>,
        tpu.vector_store_idx %arg7[%parallel_loop3A_382], %broadcast_in_dim3A_1 {add = true} : memref<2048xf32, #tpu.memory_space<vmem>>[vector<16xi32>], vector<16xf32>,
        tpu.vector_store_idx %arg7[%parallel_loop3A_397], %broadcast_in_dim3A_1 {add = true} : memref<2048xf32, #tpu.memory_space<vmem>>[vector<16xi32>], vector<16xf32>,
        tpu.vector_store_idx %arg7[%parallel_loop3A_401], %broadcast_in_dim3A_1 {add = true} : memref<2048xf32, #tpu.memory_space<vmem>>[vector<16xi32>], vector<16xf32>,
        tpu.vector_store_idx %arg7[%parallel_loop3A_416], %broadcast_in_dim3A_1 {add = true} : memref<2048xf32, #tpu.memory_space<vmem>>[vector<16xi32>], vector<16xf32>,
        tpu.vector_store_idx %arg7[%parallel_loop3A_420], %broadcast_in_dim3A_1 {add = true} : memref<2048xf32, #tpu.memory_space<vmem>>[vector<16xi32>], vector<16xf32>,
      } {sc.loop_unroll_factor = 1 : i64, sc.parallel_access}
      %lt3A_170 = arith.constant 3 : i32
      %lt3A_171 = arith.cmpi slt, %scan3A_74, %lt3A_170 : i32
      %convert_element_type3A_172 = arith.extui %lt3A_171 : i1 to i32
      %cond3A_173 = arith.constant 0 : i32
      %cond3A_174 = arith.cmpi ne, %convert_element_type3A_172, %cond3A_173 : i32
      scf.if %cond3A_174 {
        %add3A_186 = arith.constant 2 : i32
        %add3A_187 = arith.addi %add3A_131, %add3A_186 : i32
        %mul3A_188 = arith.constant 512 : i32
        %mul3A_189 = arith.muli %add3A, %mul3A_188 : i32
        %mul3A_190 = arith.constant 64 : i32
        %mul3A_191 = arith.muli %add3A_187, %mul3A_190 : i32
        %add3A_192 = arith.addi %mul3A_189, %mul3A_191 : i32
        %multiple_of3A_193 = tpu.assume_multiple %add3A_192, 64 : i32
        %dma_start3A_194 = arith.constant 1 : i32
        %dma_start3A_195 = arith.constant 0 : i32
        %dma_start3A_196 = arith.constant 0 : i32
        %dma_start3A_197 = arith.constant 0 : i32
        %dma_start3A_198 = tpu.memref_slice %arg6[%dma_start3A_194, %dma_start3A_195, %dma_start3A_196, %dma_start3A_197] : memref<2x2x64x200xi32, #tpu.memory_space<vmem>> -> memref<1x1x64x200xi32, #tpu.memory_space<vmem>>
        %dma_start3A_199 = tpu.memref_squeeze %dma_start3A_198 : memref<1x1x64x200xi32, #tpu.memory_space<vmem>> -> memref<64x200xi32, #tpu.memory_space<vmem>>
        %dma_start3A_200 = arith.constant 0 : i32
        %dma_start3A_201 = tpu.memref_slice %arg2[%multiple_of3A_193, %dma_start3A_200] : memref<16384x200xi32, #tpu.memory_space<hbm>> -> memref<64x200xi32, #tpu.memory_space<hbm>>
        %dma_start3A_202 = arith.constant 0 : i32
        %dma_start3A_203 = arith.constant 0 : i32
        %dma_start3A_204 = tpu.memref_slice %arg6[%dma_start3A_194, %dma_start3A_195, %dma_start3A_202, %dma_start3A_203] : memref<2x2x64x200xi32, #tpu.memory_space<vmem>> -> memref<1x1x64x200xi32, #tpu.memory_space<vmem>>
        %dma_start3A_205 = tpu.memref_squeeze %dma_start3A_204 : memref<1x1x64x200xi32, #tpu.memory_space<vmem>> -> memref<64x200xi32, #tpu.memory_space<vmem>>
        %dma_start3A_206 = arith.constant 0 : i32
        %dma_start3A_207 = tpu.memref_slice %arg2[%multiple_of3A_193, %dma_start3A_206] : memref<16384x200xi32, #tpu.memory_space<hbm>> -> memref<64x200xi32, #tpu.memory_space<hbm>>
        tpu.enqueue_dma source(%dma_start3A_207 : memref<64x200xi32, #tpu.memory_space<hbm>>) target(%dma_start3A_205 : memref<64x200xi32, #tpu.memory_space<vmem>>) target_semaphore(%arg12 : memref<!tpu.dma_semaphore, #tpu.memory_space<semaphore_mem>>)
        %dma_start3A_208 = arith.constant 1 : i32
        %dma_start3A_209 = arith.constant 1 : i32
        %dma_start3A_210 = arith.constant 0 : i32
        %dma_start3A_211 = arith.constant 0 : i32
        %dma_start3A_212 = tpu.memref_slice %arg6[%dma_start3A_208, %dma_start3A_209, %dma_start3A_210, %dma_start3A_211] : memref<2x2x64x200xi32, #tpu.memory_space<vmem>> -> memref<1x1x64x200xi32, #tpu.memory_space<vmem>>
        %dma_start3A_213 = tpu.memref_squeeze %dma_start3A_212 : memref<1x1x64x200xi32, #tpu.memory_space<vmem>> -> memref<64x200xi32, #tpu.memory_space<vmem>>
        %dma_start3A_214 = arith.constant 0 : i32
        %dma_start3A_215 = tpu.memref_slice %arg3[%multiple_of3A_193, %dma_start3A_214] : memref<16384x200xi32, #tpu.memory_space<hbm>> -> memref<64x200xi32, #tpu.memory_space<hbm>>
        %dma_start3A_216 = arith.constant 0 : i32
        %dma_start3A_217 = arith.constant 0 : i32
        %dma_start3A_218 = tpu.memref_slice %arg6[%dma_start3A_208, %dma_start3A_209, %dma_start3A_216, %dma_start3A_217] : memref<2x2x64x200xi32, #tpu.memory_space<vmem>> -> memref<1x1x64x200xi32, #tpu.memory_space<vmem>>
        %dma_start3A_219 = tpu.memref_squeeze %dma_start3A_218 : memref<1x1x64x200xi32, #tpu.memory_space<vmem>> -> memref<64x200xi32, #tpu.memory_space<vmem>>
        %dma_start3A_220 = arith.constant 0 : i32
        %dma_start3A_221 = tpu.memref_slice %arg3[%multiple_of3A_193, %dma_start3A_220] : memref<16384x200xi32, #tpu.memory_space<hbm>> -> memref<64x200xi32, #tpu.memory_space<hbm>>
        tpu.enqueue_dma source(%dma_start3A_221 : memref<64x200xi32, #tpu.memory_space<hbm>>) target(%dma_start3A_219 : memref<64x200xi32, #tpu.memory_space<vmem>>) target_semaphore(%arg13 : memref<!tpu.dma_semaphore, #tpu.memory_space<semaphore_mem>>)
      } else {
      }
      %parallel_loop3A_175 = arith.constant 0 : i32
      %parallel_loop3A_176 = arith.constant 4 : i32
      %parallel_loop3A_177 = arith.constant 1 : i32
      scf.for %parallel_loop3A_186 = %parallel_loop3A_175 to %parallel_loop3A_176 step %parallel_loop3A_177  : i32 {
        %parallel_loop3A_187 = arith.constant 16 : i32
        %parallel_loop3A_188 = arith.muli %parallel_loop3A_186, %parallel_loop3A_187 : i32
        %parallel_loop3A_189 = vector.broadcast %parallel_loop3A_188 : i32 to vector<16xi32>
        %parallel_loop3A_190 = arith.addi %parallel_loop3A_189, %iota3A : vector<16xi32>
        %parallel_loop3A_191 = arith.constant 32 : i32
        %parallel_loop3A_192 = vector.broadcast %parallel_loop3A_191 : i32 to vector<16xi32>
        %parallel_loop3A_193 = arith.muli %parallel_loop3A_190, %parallel_loop3A_192 : vector<16xi32>
        %parallel_loop3A_194 = arith.constant 0 : i32
        %parallel_loop3A_195 = vector.broadcast %parallel_loop3A_194 : i32 to vector<16xi32>
        %parallel_loop3A_196 = arith.addi %parallel_loop3A_193, %parallel_loop3A_195 : vector<16xi32>
        %parallel_loop3A_197 = tpu.vector_load_idx %arg7[%parallel_loop3A_196] : memref<2048xf32, #tpu.memory_space<vmem>>[vector<16xi32>], vector<16xf32>,
        %parallel_loop3A_198 = arith.constant 16 : i32
        %parallel_loop3A_199 = vector.broadcast %parallel_loop3A_198 : i32 to vector<16xi32>
        %parallel_loop3A_200 = arith.addi %parallel_loop3A_193, %parallel_loop3A_199 : vector<16xi32>
        %parallel_loop3A_201 = tpu.vector_load_idx %arg7[%parallel_loop3A_200] : memref<2048xf32, #tpu.memory_space<vmem>>[vector<16xi32>], vector<16xf32>,
        %parallel_loop3A_202 = arith.constant 0 : i32
        %parallel_loop3A_203 = arith.index_cast %parallel_loop3A_202 : i32 to index
        %parallel_loop3A_204 = arith.constant 0 : index
        %parallel_loop3A_205 = tpu.vector_load %arg8[%parallel_loop3A_203, %parallel_loop3A_204] {strides = array<i32>} : memref<60x16xf32, #tpu.memory_space<vmem>>, vector<16xf32>,
        %parallel_loop3A_206 = arith.mulf %parallel_loop3A_197, %parallel_loop3A_205 : vector<16xf32>
        %parallel_loop3A_207 = arith.addf %broadcast_in_dim3A_3, %parallel_loop3A_206 : vector<16xf32>
        %parallel_loop3A_208 = arith.constant 30 : i32
        %parallel_loop3A_209 = arith.index_cast %parallel_loop3A_208 : i32 to index
        %parallel_loop3A_210 = arith.constant 0 : index
        %parallel_loop3A_211 = tpu.vector_load %arg8[%parallel_loop3A_209, %parallel_loop3A_210] {strides = array<i32>} : memref<60x16xf32, #tpu.memory_space<vmem>>, vector<16xf32>,
        %parallel_loop3A_212 = arith.mulf %parallel_loop3A_201, %parallel_loop3A_211 : vector<16xf32>
        %parallel_loop3A_213 = arith.addf %parallel_loop3A_207, %parallel_loop3A_212 : vector<16xf32>
        %parallel_loop3A_214 = arith.constant 1 : i32
        %parallel_loop3A_215 = arith.index_cast %parallel_loop3A_214 : i32 to index
        %parallel_loop3A_216 = arith.constant 0 : index
        %parallel_loop3A_217 = tpu.vector_load %arg8[%parallel_loop3A_215, %parallel_loop3A_216] {strides = array<i32>} : memref<60x16xf32, #tpu.memory_space<vmem>>, vector<16xf32>,
        %parallel_loop3A_218 = arith.mulf %parallel_loop3A_197, %parallel_loop3A_217 : vector<16xf32>
        %parallel_loop3A_219 = arith.addf %broadcast_in_dim3A_3, %parallel_loop3A_218 : vector<16xf32>
        %parallel_loop3A_220 = arith.constant 31 : i32
        %parallel_loop3A_221 = arith.index_cast %parallel_loop3A_220 : i32 to index
        %parallel_loop3A_222 = arith.constant 0 : index
        %parallel_loop3A_223 = tpu.vector_load %arg8[%parallel_loop3A_221, %parallel_loop3A_222] {strides = array<i32>} : memref<60x16xf32, #tpu.memory_space<vmem>>, vector<16xf32>,
        %parallel_loop3A_224 = arith.mulf %parallel_loop3A_201, %parallel_loop3A_223 : vector<16xf32>
        %parallel_loop3A_225 = arith.addf %parallel_loop3A_219, %parallel_loop3A_224 : vector<16xf32>
        %parallel_loop3A_226 = arith.constant 2 : i32
        %parallel_loop3A_227 = arith.index_cast %parallel_loop3A_226 : i32 to index
        %parallel_loop3A_228 = arith.constant 0 : index
        %parallel_loop3A_229 = tpu.vector_load %arg8[%parallel_loop3A_227, %parallel_loop3A_228] {strides = array<i32>} : memref<60x16xf32, #tpu.memory_space<vmem>>, vector<16xf32>,
        %parallel_loop3A_230 = arith.mulf %parallel_loop3A_197, %parallel_loop3A_229 : vector<16xf32>
        %parallel_loop3A_231 = arith.addf %broadcast_in_dim3A_3, %parallel_loop3A_230 : vector<16xf32>
        %parallel_loop3A_232 = arith.constant 32 : i32
        %parallel_loop3A_233 = arith.index_cast %parallel_loop3A_232 : i32 to index
        %parallel_loop3A_234 = arith.constant 0 : index
        %parallel_loop3A_235 = tpu.vector_load %arg8[%parallel_loop3A_233, %parallel_loop3A_234] {strides = array<i32>} : memref<60x16xf32, #tpu.memory_space<vmem>>, vector<16xf32>,
        %parallel_loop3A_236 = arith.mulf %parallel_loop3A_201, %parallel_loop3A_235 : vector<16xf32>
        %parallel_loop3A_237 = arith.addf %parallel_loop3A_231, %parallel_loop3A_236 : vector<16xf32>
        %parallel_loop3A_238 = arith.constant 1 : i32
        %parallel_loop3A_239 = vector.broadcast %parallel_loop3A_238 : i32 to vector<16xi32>
        %parallel_loop3A_240 = arith.addi %parallel_loop3A_193, %parallel_loop3A_239 : vector<16xi32>
        %parallel_loop3A_241 = tpu.vector_load_idx %arg7[%parallel_loop3A_240] : memref<2048xf32, #tpu.memory_space<vmem>>[vector<16xi32>], vector<16xf32>,
        %parallel_loop3A_242 = arith.constant 17 : i32
        %parallel_loop3A_243 = vector.broadcast %parallel_loop3A_242 : i32 to vector<16xi32>
        %parallel_loop3A_244 = arith.addi %parallel_loop3A_193, %parallel_loop3A_243 : vector<16xi32>
        %parallel_loop3A_245 = tpu.vector_load_idx %arg7[%parallel_loop3A_244] : memref<2048xf32, #tpu.memory_space<vmem>>[vector<16xi32>], vector<16xf32>,
        %parallel_loop3A_246 = arith.constant 3 : i32
        %parallel_loop3A_247 = arith.index_cast %parallel_loop3A_246 : i32 to index
        %parallel_loop3A_248 = arith.constant 0 : index
        %parallel_loop3A_249 = tpu.vector_load %arg8[%parallel_loop3A_247, %parallel_loop3A_248] {strides = array<i32>} : memref<60x16xf32, #tpu.memory_space<vmem>>, vector<16xf32>,
        %parallel_loop3A_250 = arith.mulf %parallel_loop3A_241, %parallel_loop3A_249 : vector<16xf32>
        %parallel_loop3A_251 = arith.addf %parallel_loop3A_213, %parallel_loop3A_250 : vector<16xf32>
        %parallel_loop3A_252 = arith.constant 33 : i32
        %parallel_loop3A_253 = arith.index_cast %parallel_loop3A_252 : i32 to index
        %parallel_loop3A_254 = arith.constant 0 : index
        %parallel_loop3A_255 = tpu.vector_load %arg8[%parallel_loop3A_253, %parallel_loop3A_254] {strides = array<i32>} : memref<60x16xf32, #tpu.memory_space<vmem>>, vector<16xf32>,
        %parallel_loop3A_256 = arith.mulf %parallel_loop3A_245, %parallel_loop3A_255 : vector<16xf32>
        %parallel_loop3A_257 = arith.addf %parallel_loop3A_251, %parallel_loop3A_256 : vector<16xf32>
        %parallel_loop3A_258 = arith.constant 4 : i32
        %parallel_loop3A_259 = arith.index_cast %parallel_loop3A_258 : i32 to index
        %parallel_loop3A_260 = arith.constant 0 : index
        %parallel_loop3A_261 = tpu.vector_load %arg8[%parallel_loop3A_259, %parallel_loop3A_260] {strides = array<i32>} : memref<60x16xf32, #tpu.memory_space<vmem>>, vector<16xf32>,
        %parallel_loop3A_262 = arith.mulf %parallel_loop3A_241, %parallel_loop3A_261 : vector<16xf32>
        %parallel_loop3A_263 = arith.addf %parallel_loop3A_225, %parallel_loop3A_262 : vector<16xf32>
        %parallel_loop3A_264 = arith.constant 34 : i32
        %parallel_loop3A_265 = arith.index_cast %parallel_loop3A_264 : i32 to index
        %parallel_loop3A_266 = arith.constant 0 : index
        %parallel_loop3A_267 = tpu.vector_load %arg8[%parallel_loop3A_265, %parallel_loop3A_266] {strides = array<i32>} : memref<60x16xf32, #tpu.memory_space<vmem>>, vector<16xf32>,
        %parallel_loop3A_268 = arith.mulf %parallel_loop3A_245, %parallel_loop3A_267 : vector<16xf32>
        %parallel_loop3A_269 = arith.addf %parallel_loop3A_263, %parallel_loop3A_268 : vector<16xf32>
        %parallel_loop3A_270 = arith.constant 5 : i32
        %parallel_loop3A_271 = arith.index_cast %parallel_loop3A_270 : i32 to index
        %parallel_loop3A_272 = arith.constant 0 : index
        %parallel_loop3A_273 = tpu.vector_load %arg8[%parallel_loop3A_271, %parallel_loop3A_272] {strides = array<i32>} : memref<60x16xf32, #tpu.memory_space<vmem>>, vector<16xf32>,
        %parallel_loop3A_274 = arith.mulf %parallel_loop3A_241, %parallel_loop3A_273 : vector<16xf32>
        %parallel_loop3A_275 = arith.addf %parallel_loop3A_237, %parallel_loop3A_274 : vector<16xf32>
        %parallel_loop3A_276 = arith.constant 35 : i32
        %parallel_loop3A_277 = arith.index_cast %parallel_loop3A_276 : i32 to index
        %parallel_loop3A_278 = arith.constant 0 : index
        %parallel_loop3A_279 = tpu.vector_load %arg8[%parallel_loop3A_277, %parallel_loop3A_278] {strides = array<i32>} : memref<60x16xf32, #tpu.memory_space<vmem>>, vector<16xf32>,
        %parallel_loop3A_280 = arith.mulf %parallel_loop3A_245, %parallel_loop3A_279 : vector<16xf32>
        %parallel_loop3A_281 = arith.addf %parallel_loop3A_275, %parallel_loop3A_280 : vector<16xf32>
        %parallel_loop3A_282 = arith.constant 2 : i32
        %parallel_loop3A_283 = vector.broadcast %parallel_loop3A_282 : i32 to vector<16xi32>
        %parallel_loop3A_284 = arith.addi %parallel_loop3A_193, %parallel_loop3A_283 : vector<16xi32>
        %parallel_loop3A_285 = tpu.vector_load_idx %arg7[%parallel_loop3A_284] : memref<2048xf32, #tpu.memory_space<vmem>>[vector<16xi32>], vector<16xf32>,
        %parallel_loop3A_286 = arith.constant 18 : i32
        %parallel_loop3A_287 = vector.broadcast %parallel_loop3A_286 : i32 to vector<16xi32>
        %parallel_loop3A_288 = arith.addi %parallel_loop3A_193, %parallel_loop3A_287 : vector<16xi32>
        %parallel_loop3A_289 = tpu.vector_load_idx %arg7[%parallel_loop3A_288] : memref<2048xf32, #tpu.memory_space<vmem>>[vector<16xi32>], vector<16xf32>,
        %parallel_loop3A_290 = arith.constant 6 : i32
        %parallel_loop3A_291 = arith.index_cast %parallel_loop3A_290 : i32 to index
        %parallel_loop3A_292 = arith.constant 0 : index
        %parallel_loop3A_293 = tpu.vector_load %arg8[%parallel_loop3A_291, %parallel_loop3A_292] {strides = array<i32>} : memref<60x16xf32, #tpu.memory_space<vmem>>, vector<16xf32>,
        %parallel_loop3A_294 = arith.mulf %parallel_loop3A_285, %parallel_loop3A_293 : vector<16xf32>
        %parallel_loop3A_295 = arith.addf %parallel_loop3A_257, %parallel_loop3A_294 : vector<16xf32>
        %parallel_loop3A_296 = arith.constant 36 : i32
        %parallel_loop3A_297 = arith.index_cast %parallel_loop3A_296 : i32 to index
        %parallel_loop3A_298 = arith.constant 0 : index
        %parallel_loop3A_299 = tpu.vector_load %arg8[%parallel_loop3A_297, %parallel_loop3A_298] {strides = array<i32>} : memref<60x16xf32, #tpu.memory_space<vmem>>, vector<16xf32>,
        %parallel_loop3A_300 = arith.mulf %parallel_loop3A_289, %parallel_loop3A_299 : vector<16xf32>
        %parallel_loop3A_301 = arith.addf %parallel_loop3A_295, %parallel_loop3A_300 : vector<16xf32>
        %parallel_loop3A_302 = arith.constant 7 : i32
        %parallel_loop3A_303 = arith.index_cast %parallel_loop3A_302 : i32 to index
        %parallel_loop3A_304 = arith.constant 0 : index
        %parallel_loop3A_305 = tpu.vector_load %arg8[%parallel_loop3A_303, %parallel_loop3A_304] {strides = array<i32>} : memref<60x16xf32, #tpu.memory_space<vmem>>, vector<16xf32>,
        %parallel_loop3A_306 = arith.mulf %parallel_loop3A_285, %parallel_loop3A_305 : vector<16xf32>
        %parallel_loop3A_307 = arith.addf %parallel_loop3A_269, %parallel_loop3A_306 : vector<16xf32>
        %parallel_loop3A_308 = arith.constant 37 : i32
        %parallel_loop3A_309 = arith.index_cast %parallel_loop3A_308 : i32 to index
        %parallel_loop3A_310 = arith.constant 0 : index
        %parallel_loop3A_311 = tpu.vector_load %arg8[%parallel_loop3A_309, %parallel_loop3A_310] {strides = array<i32>} : memref<60x16xf32, #tpu.memory_space<vmem>>, vector<16xf32>,
        %parallel_loop3A_312 = arith.mulf %parallel_loop3A_289, %parallel_loop3A_311 : vector<16xf32>
        %parallel_loop3A_313 = arith.addf %parallel_loop3A_307, %parallel_loop3A_312 : vector<16xf32>
        %parallel_loop3A_314 = arith.constant 8 : i32
        %parallel_loop3A_315 = arith.index_cast %parallel_loop3A_314 : i32 to index
        %parallel_loop3A_316 = arith.constant 0 : index
        %parallel_loop3A_317 = tpu.vector_load %arg8[%parallel_loop3A_315, %parallel_loop3A_316] {strides = array<i32>} : memref<60x16xf32, #tpu.memory_space<vmem>>, vector<16xf32>,
        %parallel_loop3A_318 = arith.mulf %parallel_loop3A_285, %parallel_loop3A_317 : vector<16xf32>
        %parallel_loop3A_319 = arith.addf %parallel_loop3A_281, %parallel_loop3A_318 : vector<16xf32>
        %parallel_loop3A_320 = arith.constant 38 : i32
        %parallel_loop3A_321 = arith.index_cast %parallel_loop3A_320 : i32 to index
        %parallel_loop3A_322 = arith.constant 0 : index
        %parallel_loop3A_323 = tpu.vector_load %arg8[%parallel_loop3A_321, %parallel_loop3A_322] {strides = array<i32>} : memref<60x16xf32, #tpu.memory_space<vmem>>, vector<16xf32>,
        %parallel_loop3A_324 = arith.mulf %parallel_loop3A_289, %parallel_loop3A_323 : vector<16xf32>
        %parallel_loop3A_325 = arith.addf %parallel_loop3A_319, %parallel_loop3A_324 : vector<16xf32>
        %parallel_loop3A_326 = arith.constant 3 : i32
        %parallel_loop3A_327 = vector.broadcast %parallel_loop3A_326 : i32 to vector<16xi32>
        %parallel_loop3A_328 = arith.addi %parallel_loop3A_193, %parallel_loop3A_327 : vector<16xi32>
        %parallel_loop3A_329 = tpu.vector_load_idx %arg7[%parallel_loop3A_328] : memref<2048xf32, #tpu.memory_space<vmem>>[vector<16xi32>], vector<16xf32>,
        %parallel_loop3A_330 = arith.constant 19 : i32
        %parallel_loop3A_331 = vector.broadcast %parallel_loop3A_330 : i32 to vector<16xi32>
        %parallel_loop3A_332 = arith.addi %parallel_loop3A_193, %parallel_loop3A_331 : vector<16xi32>
        %parallel_loop3A_333 = tpu.vector_load_idx %arg7[%parallel_loop3A_332] : memref<2048xf32, #tpu.memory_space<vmem>>[vector<16xi32>], vector<16xf32>,
        %parallel_loop3A_334 = arith.constant 9 : i32
        %parallel_loop3A_335 = arith.index_cast %parallel_loop3A_334 : i32 to index
        %parallel_loop3A_336 = arith.constant 0 : index
        %parallel_loop3A_337 = tpu.vector_load %arg8[%parallel_loop3A_335, %parallel_loop3A_336] {strides = array<i32>} : memref<60x16xf32, #tpu.memory_space<vmem>>, vector<16xf32>,
        %parallel_loop3A_338 = arith.mulf %parallel_loop3A_329, %parallel_loop3A_337 : vector<16xf32>
        %parallel_loop3A_339 = arith.addf %parallel_loop3A_301, %parallel_loop3A_338 : vector<16xf32>
        %parallel_loop3A_340 = arith.constant 39 : i32
        %parallel_loop3A_341 = arith.index_cast %parallel_loop3A_340 : i32 to index
        %parallel_loop3A_342 = arith.constant 0 : index
        %parallel_loop3A_343 = tpu.vector_load %arg8[%parallel_loop3A_341, %parallel_loop3A_342] {strides = array<i32>} : memref<60x16xf32, #tpu.memory_space<vmem>>, vector<16xf32>,
        %parallel_loop3A_344 = arith.mulf %parallel_loop3A_333, %parallel_loop3A_343 : vector<16xf32>
        %parallel_loop3A_345 = arith.addf %parallel_loop3A_339, %parallel_loop3A_344 : vector<16xf32>
        %parallel_loop3A_346 = arith.constant 10 : i32
        %parallel_loop3A_347 = arith.index_cast %parallel_loop3A_346 : i32 to index
        %parallel_loop3A_348 = arith.constant 0 : index
        %parallel_loop3A_349 = tpu.vector_load %arg8[%parallel_loop3A_347, %parallel_loop3A_348] {strides = array<i32>} : memref<60x16xf32, #tpu.memory_space<vmem>>, vector<16xf32>,
        %parallel_loop3A_350 = arith.mulf %parallel_loop3A_329, %parallel_loop3A_349 : vector<16xf32>
        %parallel_loop3A_351 = arith.addf %parallel_loop3A_313, %parallel_loop3A_350 : vector<16xf32>
        %parallel_loop3A_352 = arith.constant 40 : i32
        %parallel_loop3A_353 = arith.index_cast %parallel_loop3A_352 : i32 to index
        %parallel_loop3A_354 = arith.constant 0 : index
        %parallel_loop3A_355 = tpu.vector_load %arg8[%parallel_loop3A_353, %parallel_loop3A_354] {strides = array<i32>} : memref<60x16xf32, #tpu.memory_space<vmem>>, vector<16xf32>,
        %parallel_loop3A_356 = arith.mulf %parallel_loop3A_333, %parallel_loop3A_355 : vector<16xf32>
        %parallel_loop3A_357 = arith.addf %parallel_loop3A_351, %parallel_loop3A_356 : vector<16xf32>
        %parallel_loop3A_358 = arith.constant 11 : i32
        %parallel_loop3A_359 = arith.index_cast %parallel_loop3A_358 : i32 to index
        %parallel_loop3A_360 = arith.constant 0 : index
        %parallel_loop3A_361 = tpu.vector_load %arg8[%parallel_loop3A_359, %parallel_loop3A_360] {strides = array<i32>} : memref<60x16xf32, #tpu.memory_space<vmem>>, vector<16xf32>,
        %parallel_loop3A_362 = arith.mulf %parallel_loop3A_329, %parallel_loop3A_361 : vector<16xf32>
        %parallel_loop3A_363 = arith.addf %parallel_loop3A_325, %parallel_loop3A_362 : vector<16xf32>
        %parallel_loop3A_364 = arith.constant 41 : i32
        %parallel_loop3A_365 = arith.index_cast %parallel_loop3A_364 : i32 to index
        %parallel_loop3A_366 = arith.constant 0 : index
        %parallel_loop3A_367 = tpu.vector_load %arg8[%parallel_loop3A_365, %parallel_loop3A_366] {strides = array<i32>} : memref<60x16xf32, #tpu.memory_space<vmem>>, vector<16xf32>,
        %parallel_loop3A_368 = arith.mulf %parallel_loop3A_333, %parallel_loop3A_367 : vector<16xf32>
        %parallel_loop3A_369 = arith.addf %parallel_loop3A_363, %parallel_loop3A_368 : vector<16xf32>
        %parallel_loop3A_370 = arith.constant 4 : i32
        %parallel_loop3A_371 = vector.broadcast %parallel_loop3A_370 : i32 to vector<16xi32>
        %parallel_loop3A_372 = arith.addi %parallel_loop3A_193, %parallel_loop3A_371 : vector<16xi32>
        %parallel_loop3A_373 = tpu.vector_load_idx %arg7[%parallel_loop3A_372] : memref<2048xf32, #tpu.memory_space<vmem>>[vector<16xi32>], vector<16xf32>,
        %parallel_loop3A_374 = arith.constant 20 : i32
        %parallel_loop3A_375 = vector.broadcast %parallel_loop3A_374 : i32 to vector<16xi32>
        %parallel_loop3A_376 = arith.addi %parallel_loop3A_193, %parallel_loop3A_375 : vector<16xi32>
        %parallel_loop3A_377 = tpu.vector_load_idx %arg7[%parallel_loop3A_376] : memref<2048xf32, #tpu.memory_space<vmem>>[vector<16xi32>], vector<16xf32>,
        %parallel_loop3A_378 = arith.constant 12 : i32
        %parallel_loop3A_379 = arith.index_cast %parallel_loop3A_378 : i32 to index
        %parallel_loop3A_380 = arith.constant 0 : index
        %parallel_loop3A_381 = tpu.vector_load %arg8[%parallel_loop3A_379, %parallel_loop3A_380] {strides = array<i32>} : memref<60x16xf32, #tpu.memory_space<vmem>>, vector<16xf32>,
        %parallel_loop3A_382 = arith.mulf %parallel_loop3A_373, %parallel_loop3A_381 : vector<16xf32>
        %parallel_loop3A_383 = arith.addf %parallel_loop3A_345, %parallel_loop3A_382 : vector<16xf32>
        %parallel_loop3A_384 = arith.constant 42 : i32
        %parallel_loop3A_385 = arith.index_cast %parallel_loop3A_384 : i32 to index
        %parallel_loop3A_386 = arith.constant 0 : index
        %parallel_loop3A_387 = tpu.vector_load %arg8[%parallel_loop3A_385, %parallel_loop3A_386] {strides = array<i32>} : memref<60x16xf32, #tpu.memory_space<vmem>>, vector<16xf32>,
        %parallel_loop3A_388 = arith.mulf %parallel_loop3A_377, %parallel_loop3A_387 : vector<16xf32>
        %parallel_loop3A_389 = arith.addf %parallel_loop3A_383, %parallel_loop3A_388 : vector<16xf32>
        %parallel_loop3A_390 = arith.constant 13 : i32
        %parallel_loop3A_391 = arith.index_cast %parallel_loop3A_390 : i32 to index
        %parallel_loop3A_392 = arith.constant 0 : index
        %parallel_loop3A_393 = tpu.vector_load %arg8[%parallel_loop3A_391, %parallel_loop3A_392] {strides = array<i32>} : memref<60x16xf32, #tpu.memory_space<vmem>>, vector<16xf32>,
        %parallel_loop3A_394 = arith.mulf %parallel_loop3A_373, %parallel_loop3A_393 : vector<16xf32>
        %parallel_loop3A_395 = arith.addf %parallel_loop3A_357, %parallel_loop3A_394 : vector<16xf32>
        %parallel_loop3A_396 = arith.constant 43 : i32
        %parallel_loop3A_397 = arith.index_cast %parallel_loop3A_396 : i32 to index
        %parallel_loop3A_398 = arith.constant 0 : index
        %parallel_loop3A_399 = tpu.vector_load %arg8[%parallel_loop3A_397, %parallel_loop3A_398] {strides = array<i32>} : memref<60x16xf32, #tpu.memory_space<vmem>>, vector<16xf32>,
        %parallel_loop3A_400 = arith.mulf %parallel_loop3A_377, %parallel_loop3A_399 : vector<16xf32>
        %parallel_loop3A_401 = arith.addf %parallel_loop3A_395, %parallel_loop3A_400 : vector<16xf32>
        %parallel_loop3A_402 = arith.constant 14 : i32
        %parallel_loop3A_403 = arith.index_cast %parallel_loop3A_402 : i32 to index
        %parallel_loop3A_404 = arith.constant 0 : index
        %parallel_loop3A_405 = tpu.vector_load %arg8[%parallel_loop3A_403, %parallel_loop3A_404] {strides = array<i32>} : memref<60x16xf32, #tpu.memory_space<vmem>>, vector<16xf32>,
        %parallel_loop3A_406 = arith.mulf %parallel_loop3A_373, %parallel_loop3A_405 : vector<16xf32>
        %parallel_loop3A_407 = arith.addf %parallel_loop3A_369, %parallel_loop3A_406 : vector<16xf32>
        %parallel_loop3A_408 = arith.constant 44 : i32
        %parallel_loop3A_409 = arith.index_cast %parallel_loop3A_408 : i32 to index
        %parallel_loop3A_410 = arith.constant 0 : index
        %parallel_loop3A_411 = tpu.vector_load %arg8[%parallel_loop3A_409, %parallel_loop3A_410] {strides = array<i32>} : memref<60x16xf32, #tpu.memory_space<vmem>>, vector<16xf32>,
        %parallel_loop3A_412 = arith.mulf %parallel_loop3A_377, %parallel_loop3A_411 : vector<16xf32>
        %parallel_loop3A_413 = arith.addf %parallel_loop3A_407, %parallel_loop3A_412 : vector<16xf32>
        %parallel_loop3A_414 = arith.constant 5 : i32
        %parallel_loop3A_415 = vector.broadcast %parallel_loop3A_414 : i32 to vector<16xi32>
        %parallel_loop3A_416 = arith.addi %parallel_loop3A_193, %parallel_loop3A_415 : vector<16xi32>
        %parallel_loop3A_417 = tpu.vector_load_idx %arg7[%parallel_loop3A_416] : memref<2048xf32, #tpu.memory_space<vmem>>[vector<16xi32>], vector<16xf32>,
        %parallel_loop3A_418 = arith.constant 21 : i32
        %parallel_loop3A_419 = vector.broadcast %parallel_loop3A_418 : i32 to vector<16xi32>
        %parallel_loop3A_420 = arith.addi %parallel_loop3A_193, %parallel_loop3A_419 : vector<16xi32>
        %parallel_loop3A_421 = tpu.vector_load_idx %arg7[%parallel_loop3A_420] : memref<2048xf32, #tpu.memory_space<vmem>>[vector<16xi32>], vector<16xf32>,
        %parallel_loop3A_422 = arith.constant 15 : i32
        %parallel_loop3A_423 = arith.index_cast %parallel_loop3A_422 : i32 to index
        %parallel_loop3A_424 = arith.constant 0 : index
        %parallel_loop3A_425 = tpu.vector_load %arg8[%parallel_loop3A_423, %parallel_loop3A_424] {strides = array<i32>} : memref<60x16xf32, #tpu.memory_space<vmem>>, vector<16xf32>,
        %parallel_loop3A_426 = arith.mulf %parallel_loop3A_417, %parallel_loop3A_425 : vector<16xf32>
        %parallel_loop3A_427 = arith.addf %parallel_loop3A_389, %parallel_loop3A_426 : vector<16xf32>
        %parallel_loop3A_428 = arith.constant 45 : i32
        %parallel_loop3A_429 = arith.index_cast %parallel_loop3A_428 : i32 to index
        %parallel_loop3A_430 = arith.constant 0 : index
        %parallel_loop3A_431 = tpu.vector_load %arg8[%parallel_loop3A_429, %parallel_loop3A_430] {strides = array<i32>} : memref<60x16xf32, #tpu.memory_space<vmem>>, vector<16xf32>,
        %parallel_loop3A_432 = arith.mulf %parallel_loop3A_421, %parallel_loop3A_431 : vector<16xf32>
        %parallel_loop3A_433 = arith.addf %parallel_loop3A_427, %parallel_loop3A_432 : vector<16xf32>
        %parallel_loop3A_434 = arith.constant 16 : i32
        %parallel_loop3A_435 = arith.index_cast %parallel_loop3A_434 : i32 to index
        %parallel_loop3A_436 = arith.constant 0 : index
        %parallel_loop3A_437 = tpu.vector_load %arg8[%parallel_loop3A_435, %parallel_loop3A_436] {strides = array<i32>} : memref<60x16xf32, #tpu.memory_space<vmem>>, vector<16xf32>,
        %parallel_loop3A_438 = arith.mulf %parallel_loop3A_417, %parallel_loop3A_437 : vector<16xf32>
        %parallel_loop3A_439 = arith.addf %parallel_loop3A_401, %parallel_loop3A_438 : vector<16xf32>
        %parallel_loop3A_440 = arith.constant 46 : i32
        %parallel_loop3A_441 = arith.index_cast %parallel_loop3A_440 : i32 to index
        %parallel_loop3A_442 = arith.constant 0 : index
        %parallel_loop3A_443 = tpu.vector_load %arg8[%parallel_loop3A_441, %parallel_loop3A_442] {strides = array<i32>} : memref<60x16xf32, #tpu.memory_space<vmem>>, vector<16xf32>,
        %parallel_loop3A_444 = arith.mulf %parallel_loop3A_421, %parallel_loop3A_443 : vector<16xf32>
        %parallel_loop3A_445 = arith.addf %parallel_loop3A_439, %parallel_loop3A_444 : vector<16xf32>
        %parallel_loop3A_446 = arith.constant 17 : i32
        %parallel_loop3A_447 = arith.index_cast %parallel_loop3A_446 : i32 to index
        %parallel_loop3A_448 = arith.constant 0 : index
        %parallel_loop3A_449 = tpu.vector_load %arg8[%parallel_loop3A_447, %parallel_loop3A_448] {strides = array<i32>} : memref<60x16xf32, #tpu.memory_space<vmem>>, vector<16xf32>,
        %parallel_loop3A_450 = arith.mulf %parallel_loop3A_417, %parallel_loop3A_449 : vector<16xf32>
        %parallel_loop3A_451 = arith.addf %parallel_loop3A_413, %parallel_loop3A_450 : vector<16xf32>
        %parallel_loop3A_452 = arith.constant 47 : i32
        %parallel_loop3A_453 = arith.index_cast %parallel_loop3A_452 : i32 to index
        %parallel_loop3A_454 = arith.constant 0 : index
        %parallel_loop3A_455 = tpu.vector_load %arg8[%parallel_loop3A_453, %parallel_loop3A_454] {strides = array<i32>} : memref<60x16xf32, #tpu.memory_space<vmem>>, vector<16xf32>,
        %parallel_loop3A_456 = arith.mulf %parallel_loop3A_421, %parallel_loop3A_455 : vector<16xf32>
        %parallel_loop3A_457 = arith.addf %parallel_loop3A_451, %parallel_loop3A_456 : vector<16xf32>
        %parallel_loop3A_458 = arith.constant 6 : i32
        %parallel_loop3A_459 = vector.broadcast %parallel_loop3A_458 : i32 to vector<16xi32>
        %parallel_loop3A_460 = arith.addi %parallel_loop3A_193, %parallel_loop3A_459 : vector<16xi32>
        %parallel_loop3A_461 = tpu.vector_load_idx %arg7[%parallel_loop3A_460] : memref<2048xf32, #tpu.memory_space<vmem>>[vector<16xi32>], vector<16xf32>,
        %parallel_loop3A_462 = arith.constant 22 : i32
        %parallel_loop3A_463 = vector.broadcast %parallel_loop3A_462 : i32 to vector<16xi32>
        %parallel_loop3A_464 = arith.addi %parallel_loop3A_193, %parallel_loop3A_463 : vector<16xi32>
        %parallel_loop3A_465 = tpu.vector_load_idx %arg7[%parallel_loop3A_464] : memref<2048xf32, #tpu.memory_space<vmem>>[vector<16xi32>], vector<16xf32>,
        %parallel_loop3A_466 = arith.constant 18 : i32
        %parallel_loop3A_467 = arith.index_cast %parallel_loop3A_466 : i32 to index
        %parallel_loop3A_468 = arith.constant 0 : index
        %parallel_loop3A_469 = tpu.vector_load %arg8[%parallel_loop3A_467, %parallel_loop3A_468] {strides = array<i32>} : memref<60x16xf32, #tpu.memory_space<vmem>>, vector<16xf32>,
        %parallel_loop3A_470 = arith.mulf %parallel_loop3A_461, %parallel_loop3A_469 : vector<16xf32>
        %parallel_loop3A_471 = arith.addf %parallel_loop3A_433, %parallel_loop3A_470 : vector<16xf32>
        %parallel_loop3A_472 = arith.constant 48 : i32
        %parallel_loop3A_473 = arith.index_cast %parallel_loop3A_472 : i32 to index
        %parallel_loop3A_474 = arith.constant 0 : index
        %parallel_loop3A_475 = tpu.vector_load %arg8[%parallel_loop3A_473, %parallel_loop3A_474] {strides = array<i32>} : memref<60x16xf32, #tpu.memory_space<vmem>>, vector<16xf32>,
        %parallel_loop3A_476 = arith.mulf %parallel_loop3A_465, %parallel_loop3A_475 : vector<16xf32>
        %parallel_loop3A_477 = arith.addf %parallel_loop3A_471, %parallel_loop3A_476 : vector<16xf32>
        %parallel_loop3A_478 = arith.constant 19 : i32
        %parallel_loop3A_479 = arith.index_cast %parallel_loop3A_478 : i32 to index
        %parallel_loop3A_480 = arith.constant 0 : index
        %parallel_loop3A_481 = tpu.vector_load %arg8[%parallel_loop3A_479, %parallel_loop3A_480] {strides = array<i32>} : memref<60x16xf32, #tpu.memory_space<vmem>>, vector<16xf32>,
        %parallel_loop3A_482 = arith.mulf %parallel_loop3A_461, %parallel_loop3A_481 : vector<16xf32>
        %parallel_loop3A_483 = arith.addf %parallel_loop3A_445, %parallel_loop3A_482 : vector<16xf32>
        %parallel_loop3A_484 = arith.constant 49 : i32
        %parallel_loop3A_485 = arith.index_cast %parallel_loop3A_484 : i32 to index
        %parallel_loop3A_486 = arith.constant 0 : index
        %parallel_loop3A_487 = tpu.vector_load %arg8[%parallel_loop3A_485, %parallel_loop3A_486] {strides = array<i32>} : memref<60x16xf32, #tpu.memory_space<vmem>>, vector<16xf32>,
        %parallel_loop3A_488 = arith.mulf %parallel_loop3A_465, %parallel_loop3A_487 : vector<16xf32>
        %parallel_loop3A_489 = arith.addf %parallel_loop3A_483, %parallel_loop3A_488 : vector<16xf32>
        %parallel_loop3A_490 = arith.constant 20 : i32
        %parallel_loop3A_491 = arith.index_cast %parallel_loop3A_490 : i32 to index
        %parallel_loop3A_492 = arith.constant 0 : index
        %parallel_loop3A_493 = tpu.vector_load %arg8[%parallel_loop3A_491, %parallel_loop3A_492] {strides = array<i32>} : memref<60x16xf32, #tpu.memory_space<vmem>>, vector<16xf32>,
        %parallel_loop3A_494 = arith.mulf %parallel_loop3A_461, %parallel_loop3A_493 : vector<16xf32>
        %parallel_loop3A_495 = arith.addf %parallel_loop3A_457, %parallel_loop3A_494 : vector<16xf32>
        %parallel_loop3A_496 = arith.constant 50 : i32
        %parallel_loop3A_497 = arith.index_cast %parallel_loop3A_496 : i32 to index
        %parallel_loop3A_498 = arith.constant 0 : index
        %parallel_loop3A_499 = tpu.vector_load %arg8[%parallel_loop3A_497, %parallel_loop3A_498] {strides = array<i32>} : memref<60x16xf32, #tpu.memory_space<vmem>>, vector<16xf32>,
        %parallel_loop3A_500 = arith.mulf %parallel_loop3A_465, %parallel_loop3A_499 : vector<16xf32>
        %parallel_loop3A_501 = arith.addf %parallel_loop3A_495, %parallel_loop3A_500 : vector<16xf32>
        %parallel_loop3A_502 = arith.constant 7 : i32
        %parallel_loop3A_503 = vector.broadcast %parallel_loop3A_502 : i32 to vector<16xi32>
        %parallel_loop3A_504 = arith.addi %parallel_loop3A_193, %parallel_loop3A_503 : vector<16xi32>
        %parallel_loop3A_505 = tpu.vector_load_idx %arg7[%parallel_loop3A_504] : memref<2048xf32, #tpu.memory_space<vmem>>[vector<16xi32>], vector<16xf32>,
        %parallel_loop3A_506 = arith.constant 23 : i32
        %parallel_loop3A_507 = vector.broadcast %parallel_loop3A_506 : i32 to vector<16xi32>
        %parallel_loop3A_508 = arith.addi %parallel_loop3A_193, %parallel_loop3A_507 : vector<16xi32>
        %parallel_loop3A_509 = tpu.vector_load_idx %arg7[%parallel_loop3A_508] : memref<2048xf32, #tpu.memory_space<vmem>>[vector<16xi32>], vector<16xf32>,
        %parallel_loop3A_510 = arith.constant 21 : i32
        %parallel_loop3A_511 = arith.index_cast %parallel_loop3A_510 : i32 to index
        %parallel_loop3A_512 = arith.constant 0 : index
        %parallel_loop3A_513 = tpu.vector_load %arg8[%parallel_loop3A_511, %parallel_loop3A_512] {strides = array<i32>} : memref<60x16xf32, #tpu.memory_space<vmem>>, vector<16xf32>,
        %parallel_loop3A_514 = arith.mulf %parallel_loop3A_505, %parallel_loop3A_513 : vector<16xf32>
        %parallel_loop3A_515 = arith.addf %parallel_loop3A_477, %parallel_loop3A_514 : vector<16xf32>
        %parallel_loop3A_516 = arith.constant 51 : i32
        %parallel_loop3A_517 = arith.index_cast %parallel_loop3A_516 : i32 to index
        %parallel_loop3A_518 = arith.constant 0 : index
        %parallel_loop3A_519 = tpu.vector_load %arg8[%parallel_loop3A_517, %parallel_loop3A_518] {strides = array<i32>} : memref<60x16xf32, #tpu.memory_space<vmem>>, vector<16xf32>,
        %parallel_loop3A_520 = arith.mulf %parallel_loop3A_509, %parallel_loop3A_519 : vector<16xf32>
        %parallel_loop3A_521 = arith.addf %parallel_loop3A_515, %parallel_loop3A_520 : vector<16xf32>
        %parallel_loop3A_522 = arith.constant 22 : i32
        %parallel_loop3A_523 = arith.index_cast %parallel_loop3A_522 : i32 to index
        %parallel_loop3A_524 = arith.constant 0 : index
        %parallel_loop3A_525 = tpu.vector_load %arg8[%parallel_loop3A_523, %parallel_loop3A_524] {strides = array<i32>} : memref<60x16xf32, #tpu.memory_space<vmem>>, vector<16xf32>,
        %parallel_loop3A_526 = arith.mulf %parallel_loop3A_505, %parallel_loop3A_525 : vector<16xf32>
        %parallel_loop3A_527 = arith.addf %parallel_loop3A_489, %parallel_loop3A_526 : vector<16xf32>
        %parallel_loop3A_528 = arith.constant 52 : i32
        %parallel_loop3A_529 = arith.index_cast %parallel_loop3A_528 : i32 to index
        %parallel_loop3A_530 = arith.constant 0 : index
        %parallel_loop3A_531 = tpu.vector_load %arg8[%parallel_loop3A_529, %parallel_loop3A_530] {strides = array<i32>} : memref<60x16xf32, #tpu.memory_space<vmem>>, vector<16xf32>,
        %parallel_loop3A_532 = arith.mulf %parallel_loop3A_509, %parallel_loop3A_531 : vector<16xf32>
        %parallel_loop3A_533 = arith.addf %parallel_loop3A_527, %parallel_loop3A_532 : vector<16xf32>
        %parallel_loop3A_534 = arith.constant 23 : i32
        %parallel_loop3A_535 = arith.index_cast %parallel_loop3A_534 : i32 to index
        %parallel_loop3A_536 = arith.constant 0 : index
        %parallel_loop3A_537 = tpu.vector_load %arg8[%parallel_loop3A_535, %parallel_loop3A_536] {strides = array<i32>} : memref<60x16xf32, #tpu.memory_space<vmem>>, vector<16xf32>,
        %parallel_loop3A_538 = arith.mulf %parallel_loop3A_505, %parallel_loop3A_537 : vector<16xf32>
        %parallel_loop3A_539 = arith.addf %parallel_loop3A_501, %parallel_loop3A_538 : vector<16xf32>
        %parallel_loop3A_540 = arith.constant 53 : i32
        %parallel_loop3A_541 = arith.index_cast %parallel_loop3A_540 : i32 to index
        %parallel_loop3A_542 = arith.constant 0 : index
        %parallel_loop3A_543 = tpu.vector_load %arg8[%parallel_loop3A_541, %parallel_loop3A_542] {strides = array<i32>} : memref<60x16xf32, #tpu.memory_space<vmem>>, vector<16xf32>,
        %parallel_loop3A_544 = arith.mulf %parallel_loop3A_509, %parallel_loop3A_543 : vector<16xf32>
        %parallel_loop3A_545 = arith.addf %parallel_loop3A_539, %parallel_loop3A_544 : vector<16xf32>
        %parallel_loop3A_546 = arith.constant 8 : i32
        %parallel_loop3A_547 = vector.broadcast %parallel_loop3A_546 : i32 to vector<16xi32>
        %parallel_loop3A_548 = arith.addi %parallel_loop3A_193, %parallel_loop3A_547 : vector<16xi32>
        %parallel_loop3A_549 = tpu.vector_load_idx %arg7[%parallel_loop3A_548] : memref<2048xf32, #tpu.memory_space<vmem>>[vector<16xi32>], vector<16xf32>,
        %parallel_loop3A_550 = arith.constant 24 : i32
        %parallel_loop3A_551 = vector.broadcast %parallel_loop3A_550 : i32 to vector<16xi32>
        %parallel_loop3A_552 = arith.addi %parallel_loop3A_193, %parallel_loop3A_551 : vector<16xi32>
        %parallel_loop3A_553 = tpu.vector_load_idx %arg7[%parallel_loop3A_552] : memref<2048xf32, #tpu.memory_space<vmem>>[vector<16xi32>], vector<16xf32>,
        %parallel_loop3A_554 = arith.constant 24 : i32
        %parallel_loop3A_555 = arith.index_cast %parallel_loop3A_554 : i32 to index
        %parallel_loop3A_556 = arith.constant 0 : index
        %parallel_loop3A_557 = tpu.vector_load %arg8[%parallel_loop3A_555, %parallel_loop3A_556] {strides = array<i32>} : memref<60x16xf32, #tpu.memory_space<vmem>>, vector<16xf32>,
        %parallel_loop3A_558 = arith.mulf %parallel_loop3A_549, %parallel_loop3A_557 : vector<16xf32>
        %parallel_loop3A_559 = arith.addf %parallel_loop3A_521, %parallel_loop3A_558 : vector<16xf32>
        %parallel_loop3A_560 = arith.constant 54 : i32
        %parallel_loop3A_561 = arith.index_cast %parallel_loop3A_560 : i32 to index
        %parallel_loop3A_562 = arith.constant 0 : index
        %parallel_loop3A_563 = tpu.vector_load %arg8[%parallel_loop3A_561, %parallel_loop3A_562] {strides = array<i32>} : memref<60x16xf32, #tpu.memory_space<vmem>>, vector<16xf32>,
        %parallel_loop3A_564 = arith.mulf %parallel_loop3A_553, %parallel_loop3A_563 : vector<16xf32>
        %parallel_loop3A_565 = arith.addf %parallel_loop3A_559, %parallel_loop3A_564 : vector<16xf32>
        %parallel_loop3A_566 = arith.constant 25 : i32
        %parallel_loop3A_567 = arith.index_cast %parallel_loop3A_566 : i32 to index
        %parallel_loop3A_568 = arith.constant 0 : index
        %parallel_loop3A_569 = tpu.vector_load %arg8[%parallel_loop3A_567, %parallel_loop3A_568] {strides = array<i32>} : memref<60x16xf32, #tpu.memory_space<vmem>>, vector<16xf32>,
        %parallel_loop3A_570 = arith.mulf %parallel_loop3A_549, %parallel_loop3A_569 : vector<16xf32>
        %parallel_loop3A_571 = arith.addf %parallel_loop3A_533, %parallel_loop3A_570 : vector<16xf32>
        %parallel_loop3A_572 = arith.constant 55 : i32
        %parallel_loop3A_573 = arith.index_cast %parallel_loop3A_572 : i32 to index
        %parallel_loop3A_574 = arith.constant 0 : index
        %parallel_loop3A_575 = tpu.vector_load %arg8[%parallel_loop3A_573, %parallel_loop3A_574] {strides = array<i32>} : memref<60x16xf32, #tpu.memory_space<vmem>>, vector<16xf32>,
        %parallel_loop3A_576 = arith.mulf %parallel_loop3A_553, %parallel_loop3A_575 : vector<16xf32>
        %parallel_loop3A_577 = arith.addf %parallel_loop3A_571, %parallel_loop3A_576 : vector<16xf32>
        %parallel_loop3A_578 = arith.constant 26 : i32
        %parallel_loop3A_579 = arith.index_cast %parallel_loop3A_578 : i32 to index
        %parallel_loop3A_580 = arith.constant 0 : index
        %parallel_loop3A_581 = tpu.vector_load %arg8[%parallel_loop3A_579, %parallel_loop3A_580] {strides = array<i32>} : memref<60x16xf32, #tpu.memory_space<vmem>>, vector<16xf32>,
        %parallel_loop3A_582 = arith.mulf %parallel_loop3A_549, %parallel_loop3A_581 : vector<16xf32>
        %parallel_loop3A_583 = arith.addf %parallel_loop3A_545, %parallel_loop3A_582 : vector<16xf32>
        %parallel_loop3A_584 = arith.constant 56 : i32
        %parallel_loop3A_585 = arith.index_cast %parallel_loop3A_584 : i32 to index
        %parallel_loop3A_586 = arith.constant 0 : index
        %parallel_loop3A_587 = tpu.vector_load %arg8[%parallel_loop3A_585, %parallel_loop3A_586] {strides = array<i32>} : memref<60x16xf32, #tpu.memory_space<vmem>>, vector<16xf32>,
        %parallel_loop3A_588 = arith.mulf %parallel_loop3A_553, %parallel_loop3A_587 : vector<16xf32>
        %parallel_loop3A_589 = arith.addf %parallel_loop3A_583, %parallel_loop3A_588 : vector<16xf32>
        %parallel_loop3A_590 = arith.constant 9 : i32
        %parallel_loop3A_591 = vector.broadcast %parallel_loop3A_590 : i32 to vector<16xi32>
        %parallel_loop3A_592 = arith.addi %parallel_loop3A_193, %parallel_loop3A_591 : vector<16xi32>
        %parallel_loop3A_593 = tpu.vector_load_idx %arg7[%parallel_loop3A_592] : memref<2048xf32, #tpu.memory_space<vmem>>[vector<16xi32>], vector<16xf32>,
        %parallel_loop3A_594 = arith.constant 25 : i32
        %parallel_loop3A_595 = vector.broadcast %parallel_loop3A_594 : i32 to vector<16xi32>
        %parallel_loop3A_596 = arith.addi %parallel_loop3A_193, %parallel_loop3A_595 : vector<16xi32>
        %parallel_loop3A_597 = tpu.vector_load_idx %arg7[%parallel_loop3A_596] : memref<2048xf32, #tpu.memory_space<vmem>>[vector<16xi32>], vector<16xf32>,
        %parallel_loop3A_598 = arith.constant 27 : i32
        %parallel_loop3A_599 = arith.index_cast %parallel_loop3A_598 : i32 to index
        %parallel_loop3A_600 = arith.constant 0 : index
        %parallel_loop3A_601 = tpu.vector_load %arg8[%parallel_loop3A_599, %parallel_loop3A_600] {strides = array<i32>} : memref<60x16xf32, #tpu.memory_space<vmem>>, vector<16xf32>,
        %parallel_loop3A_602 = arith.mulf %parallel_loop3A_593, %parallel_loop3A_601 : vector<16xf32>
        %parallel_loop3A_603 = arith.addf %parallel_loop3A_565, %parallel_loop3A_602 : vector<16xf32>
        %parallel_loop3A_604 = arith.constant 57 : i32
        %parallel_loop3A_605 = arith.index_cast %parallel_loop3A_604 : i32 to index
        %parallel_loop3A_606 = arith.constant 0 : index
        %parallel_loop3A_607 = tpu.vector_load %arg8[%parallel_loop3A_605, %parallel_loop3A_606] {strides = array<i32>} : memref<60x16xf32, #tpu.memory_space<vmem>>, vector<16xf32>,
        %parallel_loop3A_608 = arith.mulf %parallel_loop3A_597, %parallel_loop3A_607 : vector<16xf32>
        %parallel_loop3A_609 = arith.addf %parallel_loop3A_603, %parallel_loop3A_608 : vector<16xf32>
        %parallel_loop3A_610 = arith.constant 28 : i32
        %parallel_loop3A_611 = arith.index_cast %parallel_loop3A_610 : i32 to index
        %parallel_loop3A_612 = arith.constant 0 : index
        %parallel_loop3A_613 = tpu.vector_load %arg8[%parallel_loop3A_611, %parallel_loop3A_612] {strides = array<i32>} : memref<60x16xf32, #tpu.memory_space<vmem>>, vector<16xf32>,
        %parallel_loop3A_614 = arith.mulf %parallel_loop3A_593, %parallel_loop3A_613 : vector<16xf32>
        %parallel_loop3A_615 = arith.addf %parallel_loop3A_577, %parallel_loop3A_614 : vector<16xf32>
        %parallel_loop3A_616 = arith.constant 58 : i32
        %parallel_loop3A_617 = arith.index_cast %parallel_loop3A_616 : i32 to index
        %parallel_loop3A_618 = arith.constant 0 : index
        %parallel_loop3A_619 = tpu.vector_load %arg8[%parallel_loop3A_617, %parallel_loop3A_618] {strides = array<i32>} : memref<60x16xf32, #tpu.memory_space<vmem>>, vector<16xf32>,
        %parallel_loop3A_620 = arith.mulf %parallel_loop3A_597, %parallel_loop3A_619 : vector<16xf32>
        %parallel_loop3A_621 = arith.addf %parallel_loop3A_615, %parallel_loop3A_620 : vector<16xf32>
        %parallel_loop3A_622 = arith.constant 29 : i32
        %parallel_loop3A_623 = arith.index_cast %parallel_loop3A_622 : i32 to index
        %parallel_loop3A_624 = arith.constant 0 : index
        %parallel_loop3A_625 = tpu.vector_load %arg8[%parallel_loop3A_623, %parallel_loop3A_624] {strides = array<i32>} : memref<60x16xf32, #tpu.memory_space<vmem>>, vector<16xf32>,
        %parallel_loop3A_626 = arith.mulf %parallel_loop3A_593, %parallel_loop3A_625 : vector<16xf32>
        %parallel_loop3A_627 = arith.addf %parallel_loop3A_589, %parallel_loop3A_626 : vector<16xf32>
        %parallel_loop3A_628 = arith.constant 59 : i32
        %parallel_loop3A_629 = arith.index_cast %parallel_loop3A_628 : i32 to index
        %parallel_loop3A_630 = arith.constant 0 : index
        %parallel_loop3A_631 = tpu.vector_load %arg8[%parallel_loop3A_629, %parallel_loop3A_630] {strides = array<i32>} : memref<60x16xf32, #tpu.memory_space<vmem>>, vector<16xf32>,
        %parallel_loop3A_632 = arith.mulf %parallel_loop3A_597, %parallel_loop3A_631 : vector<16xf32>
        %parallel_loop3A_633 = arith.addf %parallel_loop3A_627, %parallel_loop3A_632 : vector<16xf32>
        %parallel_loop3A_634 = arith.constant 3 : i32
        %parallel_loop3A_635 = vector.broadcast %parallel_loop3A_634 : i32 to vector<16xi32>
        %parallel_loop3A_636 = arith.muli %parallel_loop3A_190, %parallel_loop3A_635 : vector<16xi32>
        %parallel_loop3A_637 = arith.constant 0 : i32
        %parallel_loop3A_638 = vector.broadcast %parallel_loop3A_637 : i32 to vector<16xi32>
        %parallel_loop3A_639 = arith.addi %parallel_loop3A_636, %parallel_loop3A_638 : vector<16xi32>
        tpu.vector_store_idx %arg9[%parallel_loop3A_639], %parallel_loop3A_609 : memref<192xf32, #tpu.memory_space<vmem>>[vector<16xi32>], vector<16xf32>,
        %parallel_loop3A_640 = arith.constant 1 : i32
        %parallel_loop3A_641 = vector.broadcast %parallel_loop3A_640 : i32 to vector<16xi32>
        %parallel_loop3A_642 = arith.addi %parallel_loop3A_636, %parallel_loop3A_641 : vector<16xi32>
        tpu.vector_store_idx %arg9[%parallel_loop3A_642], %parallel_loop3A_621 : memref<192xf32, #tpu.memory_space<vmem>>[vector<16xi32>], vector<16xf32>,
        %parallel_loop3A_643 = arith.constant 2 : i32
        %parallel_loop3A_644 = vector.broadcast %parallel_loop3A_643 : i32 to vector<16xi32>
        %parallel_loop3A_645 = arith.addi %parallel_loop3A_636, %parallel_loop3A_644 : vector<16xi32>
        tpu.vector_store_idx %arg9[%parallel_loop3A_645], %parallel_loop3A_633 : memref<192xf32, #tpu.memory_space<vmem>>[vector<16xi32>], vector<16xf32>,
      } {sc.loop_unroll_factor = 1 : i64, sc.parallel_access}
      %mul3A_178 = arith.constant 512 : i32
      %mul3A_179 = arith.muli %add3A, %mul3A_178 : i32
      %mul3A_180 = arith.constant 64 : i32
      %mul3A_181 = arith.muli %add3A_131, %mul3A_180 : i32
      %add3A_182 = arith.addi %mul3A_179, %mul3A_181 : i32
      %mul3A_183 = arith.constant 3 : i32
      %mul3A_184 = arith.muli %add3A_182, %mul3A_183 : i32
      "tpu.region"() ({
        %run_scoped3A = tpu.sem_alloc : memref<!tpu.dma_semaphore, #tpu.memory_space<semaphore_mem>>
        %dma_start3A_186 = tpu.memref_slice %arg5[%mul3A_184] : memref<49152xf32, #tpu.memory_space<hbm>> -> memref<192xf32, #tpu.memory_space<hbm>>
        %dma_start3A_187 = tpu.memref_slice %arg5[%mul3A_184] : memref<49152xf32, #tpu.memory_space<hbm>> -> memref<192xf32, #tpu.memory_space<hbm>>
        tpu.enqueue_dma source(%arg9 : memref<192xf32, #tpu.memory_space<vmem>>) target(%dma_start3A_187 : memref<192xf32, #tpu.memory_space<hbm>>) target_semaphore(%run_scoped3A : memref<!tpu.dma_semaphore, #tpu.memory_space<semaphore_mem>>)
        %dma_wait3A_188 = tpu.memref_slice %arg5[%mul3A_184] : memref<49152xf32, #tpu.memory_space<hbm>> -> memref<192xf32, #tpu.memory_space<hbm>>
        %dma_wait3A_189 = tpu.memref_slice %arg5[%mul3A_184] : memref<49152xf32, #tpu.memory_space<hbm>> -> memref<192xf32, #tpu.memory_space<hbm>>
        tpu.wait_dma2 semaphore(%run_scoped3A : memref<!tpu.dma_semaphore, #tpu.memory_space<semaphore_mem>>) src(%arg9 : memref<192xf32, #tpu.memory_space<vmem>>) dst(%dma_wait3A_189 : memref<192xf32, #tpu.memory_space<hbm>>)
        tpu.yield
      }) : () -> ()
      %scan3A_185 = arith.constant 0 : i32
      scf.yield %scan3A_185 : i32
    }
    %scan3A_73 = arith.constant 4 : i32
    return
  }
}

module attributes {stable_mosaic.version = 14 : i64} {
  func.func @_tc_tail_body(%arg0: i32, %arg1: memref<2048x8xi32, #tpu.memory_space<vmem>>, %arg2: memref<2048x8xi32, #tpu.memory_space<vmem>>, %arg3: memref<10x3xf32, #tpu.memory_space<vmem>>, %arg4: memref<10x3xf32, #tpu.memory_space<vmem>>, %arg5: memref<2048x3xf32, #tpu.memory_space<vmem>>) attributes {dimension_semantics = [#tpu.dimension_semantics<arbitrary>], iteration_bounds = array<i64: 8>, scalar_prefetch = 0 : i64, scratch_operands = 0 : i64, tpu.core_type = #tpu.core_type<tc>, window_params = [{transform_indices = @transform_0, window_bounds = array<i64: 2048, 8>}, {transform_indices = @transform_1, window_bounds = array<i64: 2048, 8>}, {pipeline_mode = #tpu.pipeline_mode<synchronous>, transform_indices = @transform_2, window_bounds = array<i64: 10, 3>}, {pipeline_mode = #tpu.pipeline_mode<synchronous>, transform_indices = @transform_3, window_bounds = array<i64: 10, 3>}, {transform_indices = @transform_4, window_bounds = array<i64: 2048, 3>}]} {
    %get3A = arith.constant 0 : index
    %get3A_0 = arith.constant 0 : index
    %get3A_1 = vector.load %arg1[%get3A, %get3A_0] : memref<2048x8xi32, #tpu.memory_space<vmem>>, vector<2048x8xi32>
    %get3A_2 = arith.constant 0 : index
    %get3A_3 = arith.constant 0 : index
    %get3A_4 = vector.load %arg2[%get3A_2, %get3A_3] : memref<2048x8xi32, #tpu.memory_space<vmem>>, vector<2048x8xi32>
    %eq3A = arith.constant 0 : i32
    %eq3A_5 = vector.broadcast %eq3A : i32 to vector<2048x8xi32>
    %eq3A_6 = arith.cmpi eq, %get3A_1, %eq3A_5 : vector<2048x8xi32>
    %convert_element_type3A = arith.extui %eq3A_6 : vector<2048x8xi1> to vector<2048x8xi32>
    %convert_element_type3A_7 = arith.sitofp %convert_element_type3A : vector<2048x8xi32> to vector<2048x8xf32>
    %reduce_sum3A = arith.constant dense<0.000000e+00> : vector<2048xf32>
    %reduce_sum3A_8 = vector.multi_reduction <add>, %convert_element_type3A_7, %reduce_sum3A [1] : vector<2048x8xf32> to vector<2048xf32>
    %eq3A_9 = arith.constant 1 : i32
    %eq3A_10 = vector.broadcast %eq3A_9 : i32 to vector<2048x8xi32>
    %eq3A_11 = arith.cmpi eq, %get3A_1, %eq3A_10 : vector<2048x8xi32>
    %convert_element_type3A_12 = arith.extui %eq3A_11 : vector<2048x8xi1> to vector<2048x8xi32>
    %convert_element_type3A_13 = arith.sitofp %convert_element_type3A_12 : vector<2048x8xi32> to vector<2048x8xf32>
    %reduce_sum3A_14 = arith.constant dense<0.000000e+00> : vector<2048xf32>
    %reduce_sum3A_15 = vector.multi_reduction <add>, %convert_element_type3A_13, %reduce_sum3A_14 [1] : vector<2048x8xf32> to vector<2048xf32>
    %eq3A_16 = arith.constant 2 : i32
    %eq3A_17 = vector.broadcast %eq3A_16 : i32 to vector<2048x8xi32>
    %eq3A_18 = arith.cmpi eq, %get3A_1, %eq3A_17 : vector<2048x8xi32>
    %convert_element_type3A_19 = arith.extui %eq3A_18 : vector<2048x8xi1> to vector<2048x8xi32>
    %convert_element_type3A_20 = arith.sitofp %convert_element_type3A_19 : vector<2048x8xi32> to vector<2048x8xf32>
    %reduce_sum3A_21 = arith.constant dense<0.000000e+00> : vector<2048xf32>
    %reduce_sum3A_22 = vector.multi_reduction <add>, %convert_element_type3A_20, %reduce_sum3A_21 [1] : vector<2048x8xf32> to vector<2048xf32>
    %eq3A_23 = arith.constant 3 : i32
    %eq3A_24 = vector.broadcast %eq3A_23 : i32 to vector<2048x8xi32>
    %eq3A_25 = arith.cmpi eq, %get3A_1, %eq3A_24 : vector<2048x8xi32>
    %convert_element_type3A_26 = arith.extui %eq3A_25 : vector<2048x8xi1> to vector<2048x8xi32>
    %convert_element_type3A_27 = arith.sitofp %convert_element_type3A_26 : vector<2048x8xi32> to vector<2048x8xf32>
    %reduce_sum3A_28 = arith.constant dense<0.000000e+00> : vector<2048xf32>
    %reduce_sum3A_29 = vector.multi_reduction <add>, %convert_element_type3A_27, %reduce_sum3A_28 [1] : vector<2048x8xf32> to vector<2048xf32>
    %eq3A_30 = arith.constant 4 : i32
    %eq3A_31 = vector.broadcast %eq3A_30 : i32 to vector<2048x8xi32>
    %eq3A_32 = arith.cmpi eq, %get3A_1, %eq3A_31 : vector<2048x8xi32>
    %convert_element_type3A_33 = arith.extui %eq3A_32 : vector<2048x8xi1> to vector<2048x8xi32>
    %convert_element_type3A_34 = arith.sitofp %convert_element_type3A_33 : vector<2048x8xi32> to vector<2048x8xf32>
    %reduce_sum3A_35 = arith.constant dense<0.000000e+00> : vector<2048xf32>
    %reduce_sum3A_36 = vector.multi_reduction <add>, %convert_element_type3A_34, %reduce_sum3A_35 [1] : vector<2048x8xf32> to vector<2048xf32>
    %eq3A_37 = arith.constant 5 : i32
    %eq3A_38 = vector.broadcast %eq3A_37 : i32 to vector<2048x8xi32>
    %eq3A_39 = arith.cmpi eq, %get3A_1, %eq3A_38 : vector<2048x8xi32>
    %convert_element_type3A_40 = arith.extui %eq3A_39 : vector<2048x8xi1> to vector<2048x8xi32>
    %convert_element_type3A_41 = arith.sitofp %convert_element_type3A_40 : vector<2048x8xi32> to vector<2048x8xf32>
    %reduce_sum3A_42 = arith.constant dense<0.000000e+00> : vector<2048xf32>
    %reduce_sum3A_43 = vector.multi_reduction <add>, %convert_element_type3A_41, %reduce_sum3A_42 [1] : vector<2048x8xf32> to vector<2048xf32>
    %eq3A_44 = arith.constant 6 : i32
    %eq3A_45 = vector.broadcast %eq3A_44 : i32 to vector<2048x8xi32>
    %eq3A_46 = arith.cmpi eq, %get3A_1, %eq3A_45 : vector<2048x8xi32>
    %convert_element_type3A_47 = arith.extui %eq3A_46 : vector<2048x8xi1> to vector<2048x8xi32>
    %convert_element_type3A_48 = arith.sitofp %convert_element_type3A_47 : vector<2048x8xi32> to vector<2048x8xf32>
    %reduce_sum3A_49 = arith.constant dense<0.000000e+00> : vector<2048xf32>
    %reduce_sum3A_50 = vector.multi_reduction <add>, %convert_element_type3A_48, %reduce_sum3A_49 [1] : vector<2048x8xf32> to vector<2048xf32>
    %eq3A_51 = arith.constant 7 : i32
    %eq3A_52 = vector.broadcast %eq3A_51 : i32 to vector<2048x8xi32>
    %eq3A_53 = arith.cmpi eq, %get3A_1, %eq3A_52 : vector<2048x8xi32>
    %convert_element_type3A_54 = arith.extui %eq3A_53 : vector<2048x8xi1> to vector<2048x8xi32>
    %convert_element_type3A_55 = arith.sitofp %convert_element_type3A_54 : vector<2048x8xi32> to vector<2048x8xf32>
    %reduce_sum3A_56 = arith.constant dense<0.000000e+00> : vector<2048xf32>
    %reduce_sum3A_57 = vector.multi_reduction <add>, %convert_element_type3A_55, %reduce_sum3A_56 [1] : vector<2048x8xf32> to vector<2048xf32>
    %eq3A_58 = arith.constant 8 : i32
    %eq3A_59 = vector.broadcast %eq3A_58 : i32 to vector<2048x8xi32>
    %eq3A_60 = arith.cmpi eq, %get3A_1, %eq3A_59 : vector<2048x8xi32>
    %convert_element_type3A_61 = arith.extui %eq3A_60 : vector<2048x8xi1> to vector<2048x8xi32>
    %convert_element_type3A_62 = arith.sitofp %convert_element_type3A_61 : vector<2048x8xi32> to vector<2048x8xf32>
    %reduce_sum3A_63 = arith.constant dense<0.000000e+00> : vector<2048xf32>
    %reduce_sum3A_64 = vector.multi_reduction <add>, %convert_element_type3A_62, %reduce_sum3A_63 [1] : vector<2048x8xf32> to vector<2048xf32>
    %eq3A_65 = arith.constant 9 : i32
    %eq3A_66 = vector.broadcast %eq3A_65 : i32 to vector<2048x8xi32>
    %eq3A_67 = arith.cmpi eq, %get3A_1, %eq3A_66 : vector<2048x8xi32>
    %convert_element_type3A_68 = arith.extui %eq3A_67 : vector<2048x8xi1> to vector<2048x8xi32>
    %convert_element_type3A_69 = arith.sitofp %convert_element_type3A_68 : vector<2048x8xi32> to vector<2048x8xf32>
    %reduce_sum3A_70 = arith.constant dense<0.000000e+00> : vector<2048xf32>
    %reduce_sum3A_71 = vector.multi_reduction <add>, %convert_element_type3A_69, %reduce_sum3A_70 [1] : vector<2048x8xf32> to vector<2048xf32>
    %stack3A = vector.shape_cast %reduce_sum3A_8 : vector<2048xf32> to vector<2048x1xf32>
    %stack3A_72 = vector.shape_cast %reduce_sum3A_15 : vector<2048xf32> to vector<2048x1xf32>
    %stack3A_73 = vector.shape_cast %reduce_sum3A_22 : vector<2048xf32> to vector<2048x1xf32>
    %stack3A_74 = vector.shape_cast %reduce_sum3A_29 : vector<2048xf32> to vector<2048x1xf32>
    %stack3A_75 = vector.shape_cast %reduce_sum3A_36 : vector<2048xf32> to vector<2048x1xf32>
    %stack3A_76 = vector.shape_cast %reduce_sum3A_43 : vector<2048xf32> to vector<2048x1xf32>
    %stack3A_77 = vector.shape_cast %reduce_sum3A_50 : vector<2048xf32> to vector<2048x1xf32>
    %stack3A_78 = vector.shape_cast %reduce_sum3A_57 : vector<2048xf32> to vector<2048x1xf32>
    %stack3A_79 = vector.shape_cast %reduce_sum3A_64 : vector<2048xf32> to vector<2048x1xf32>
    %stack3A_80 = vector.shape_cast %reduce_sum3A_71 : vector<2048xf32> to vector<2048x1xf32>
    %stack3A_81 = tpu.concatenate %stack3A, %stack3A_72, %stack3A_73, %stack3A_74, %stack3A_75, %stack3A_76, %stack3A_77, %stack3A_78, %stack3A_79, %stack3A_80 in 1 : vector<2048x1xf32>, vector<2048x1xf32>, vector<2048x1xf32>, vector<2048x1xf32>, vector<2048x1xf32>, vector<2048x1xf32>, vector<2048x1xf32>, vector<2048x1xf32>, vector<2048x1xf32>, vector<2048x1xf32> -> vector<2048x10xf32>
    %eq3A_82 = arith.constant 0 : i32
    %eq3A_83 = vector.broadcast %eq3A_82 : i32 to vector<2048x8xi32>
    %eq3A_84 = arith.cmpi eq, %get3A_4, %eq3A_83 : vector<2048x8xi32>
    %convert_element_type3A_85 = arith.extui %eq3A_84 : vector<2048x8xi1> to vector<2048x8xi32>
    %convert_element_type3A_86 = arith.sitofp %convert_element_type3A_85 : vector<2048x8xi32> to vector<2048x8xf32>
    %reduce_sum3A_87 = arith.constant dense<0.000000e+00> : vector<2048xf32>
    %reduce_sum3A_88 = vector.multi_reduction <add>, %convert_element_type3A_86, %reduce_sum3A_87 [1] : vector<2048x8xf32> to vector<2048xf32>
    %eq3A_89 = arith.constant 1 : i32
    %eq3A_90 = vector.broadcast %eq3A_89 : i32 to vector<2048x8xi32>
    %eq3A_91 = arith.cmpi eq, %get3A_4, %eq3A_90 : vector<2048x8xi32>
    %convert_element_type3A_92 = arith.extui %eq3A_91 : vector<2048x8xi1> to vector<2048x8xi32>
    %convert_element_type3A_93 = arith.sitofp %convert_element_type3A_92 : vector<2048x8xi32> to vector<2048x8xf32>
    %reduce_sum3A_94 = arith.constant dense<0.000000e+00> : vector<2048xf32>
    %reduce_sum3A_95 = vector.multi_reduction <add>, %convert_element_type3A_93, %reduce_sum3A_94 [1] : vector<2048x8xf32> to vector<2048xf32>
    %eq3A_96 = arith.constant 2 : i32
    %eq3A_97 = vector.broadcast %eq3A_96 : i32 to vector<2048x8xi32>
    %eq3A_98 = arith.cmpi eq, %get3A_4, %eq3A_97 : vector<2048x8xi32>
    %convert_element_type3A_99 = arith.extui %eq3A_98 : vector<2048x8xi1> to vector<2048x8xi32>
    %convert_element_type3A_100 = arith.sitofp %convert_element_type3A_99 : vector<2048x8xi32> to vector<2048x8xf32>
    %reduce_sum3A_101 = arith.constant dense<0.000000e+00> : vector<2048xf32>
    %reduce_sum3A_102 = vector.multi_reduction <add>, %convert_element_type3A_100, %reduce_sum3A_101 [1] : vector<2048x8xf32> to vector<2048xf32>
    %eq3A_103 = arith.constant 3 : i32
    %eq3A_104 = vector.broadcast %eq3A_103 : i32 to vector<2048x8xi32>
    %eq3A_105 = arith.cmpi eq, %get3A_4, %eq3A_104 : vector<2048x8xi32>
    %convert_element_type3A_106 = arith.extui %eq3A_105 : vector<2048x8xi1> to vector<2048x8xi32>
    %convert_element_type3A_107 = arith.sitofp %convert_element_type3A_106 : vector<2048x8xi32> to vector<2048x8xf32>
    %reduce_sum3A_108 = arith.constant dense<0.000000e+00> : vector<2048xf32>
    %reduce_sum3A_109 = vector.multi_reduction <add>, %convert_element_type3A_107, %reduce_sum3A_108 [1] : vector<2048x8xf32> to vector<2048xf32>
    %eq3A_110 = arith.constant 4 : i32
    %eq3A_111 = vector.broadcast %eq3A_110 : i32 to vector<2048x8xi32>
    %eq3A_112 = arith.cmpi eq, %get3A_4, %eq3A_111 : vector<2048x8xi32>
    %convert_element_type3A_113 = arith.extui %eq3A_112 : vector<2048x8xi1> to vector<2048x8xi32>
    %convert_element_type3A_114 = arith.sitofp %convert_element_type3A_113 : vector<2048x8xi32> to vector<2048x8xf32>
    %reduce_sum3A_115 = arith.constant dense<0.000000e+00> : vector<2048xf32>
    %reduce_sum3A_116 = vector.multi_reduction <add>, %convert_element_type3A_114, %reduce_sum3A_115 [1] : vector<2048x8xf32> to vector<2048xf32>
    %eq3A_117 = arith.constant 5 : i32
    %eq3A_118 = vector.broadcast %eq3A_117 : i32 to vector<2048x8xi32>
    %eq3A_119 = arith.cmpi eq, %get3A_4, %eq3A_118 : vector<2048x8xi32>
    %convert_element_type3A_120 = arith.extui %eq3A_119 : vector<2048x8xi1> to vector<2048x8xi32>
    %convert_element_type3A_121 = arith.sitofp %convert_element_type3A_120 : vector<2048x8xi32> to vector<2048x8xf32>
    %reduce_sum3A_122 = arith.constant dense<0.000000e+00> : vector<2048xf32>
    %reduce_sum3A_123 = vector.multi_reduction <add>, %convert_element_type3A_121, %reduce_sum3A_122 [1] : vector<2048x8xf32> to vector<2048xf32>
    %eq3A_124 = arith.constant 6 : i32
    %eq3A_125 = vector.broadcast %eq3A_124 : i32 to vector<2048x8xi32>
    %eq3A_126 = arith.cmpi eq, %get3A_4, %eq3A_125 : vector<2048x8xi32>
    %convert_element_type3A_127 = arith.extui %eq3A_126 : vector<2048x8xi1> to vector<2048x8xi32>
    %convert_element_type3A_128 = arith.sitofp %convert_element_type3A_127 : vector<2048x8xi32> to vector<2048x8xf32>
    %reduce_sum3A_129 = arith.constant dense<0.000000e+00> : vector<2048xf32>
    %reduce_sum3A_130 = vector.multi_reduction <add>, %convert_element_type3A_128, %reduce_sum3A_129 [1] : vector<2048x8xf32> to vector<2048xf32>
    %eq3A_131 = arith.constant 7 : i32
    %eq3A_132 = vector.broadcast %eq3A_131 : i32 to vector<2048x8xi32>
    %eq3A_133 = arith.cmpi eq, %get3A_4, %eq3A_132 : vector<2048x8xi32>
    %convert_element_type3A_134 = arith.extui %eq3A_133 : vector<2048x8xi1> to vector<2048x8xi32>
    %convert_element_type3A_135 = arith.sitofp %convert_element_type3A_134 : vector<2048x8xi32> to vector<2048x8xf32>
    %reduce_sum3A_136 = arith.constant dense<0.000000e+00> : vector<2048xf32>
    %reduce_sum3A_137 = vector.multi_reduction <add>, %convert_element_type3A_135, %reduce_sum3A_136 [1] : vector<2048x8xf32> to vector<2048xf32>
    %eq3A_138 = arith.constant 8 : i32
    %eq3A_139 = vector.broadcast %eq3A_138 : i32 to vector<2048x8xi32>
    %eq3A_140 = arith.cmpi eq, %get3A_4, %eq3A_139 : vector<2048x8xi32>
    %convert_element_type3A_141 = arith.extui %eq3A_140 : vector<2048x8xi1> to vector<2048x8xi32>
    %convert_element_type3A_142 = arith.sitofp %convert_element_type3A_141 : vector<2048x8xi32> to vector<2048x8xf32>
    %reduce_sum3A_143 = arith.constant dense<0.000000e+00> : vector<2048xf32>
    %reduce_sum3A_144 = vector.multi_reduction <add>, %convert_element_type3A_142, %reduce_sum3A_143 [1] : vector<2048x8xf32> to vector<2048xf32>
    %eq3A_145 = arith.constant 9 : i32
    %eq3A_146 = vector.broadcast %eq3A_145 : i32 to vector<2048x8xi32>
    %eq3A_147 = arith.cmpi eq, %get3A_4, %eq3A_146 : vector<2048x8xi32>
    %convert_element_type3A_148 = arith.extui %eq3A_147 : vector<2048x8xi1> to vector<2048x8xi32>
    %convert_element_type3A_149 = arith.sitofp %convert_element_type3A_148 : vector<2048x8xi32> to vector<2048x8xf32>
    %reduce_sum3A_150 = arith.constant dense<0.000000e+00> : vector<2048xf32>
    %reduce_sum3A_151 = vector.multi_reduction <add>, %convert_element_type3A_149, %reduce_sum3A_150 [1] : vector<2048x8xf32> to vector<2048xf32>
    %stack3A_152 = vector.shape_cast %reduce_sum3A_88 : vector<2048xf32> to vector<2048x1xf32>
    %stack3A_153 = vector.shape_cast %reduce_sum3A_95 : vector<2048xf32> to vector<2048x1xf32>
    %stack3A_154 = vector.shape_cast %reduce_sum3A_102 : vector<2048xf32> to vector<2048x1xf32>
    %stack3A_155 = vector.shape_cast %reduce_sum3A_109 : vector<2048xf32> to vector<2048x1xf32>
    %stack3A_156 = vector.shape_cast %reduce_sum3A_116 : vector<2048xf32> to vector<2048x1xf32>
    %stack3A_157 = vector.shape_cast %reduce_sum3A_123 : vector<2048xf32> to vector<2048x1xf32>
    %stack3A_158 = vector.shape_cast %reduce_sum3A_130 : vector<2048xf32> to vector<2048x1xf32>
    %stack3A_159 = vector.shape_cast %reduce_sum3A_137 : vector<2048xf32> to vector<2048x1xf32>
    %stack3A_160 = vector.shape_cast %reduce_sum3A_144 : vector<2048xf32> to vector<2048x1xf32>
    %stack3A_161 = vector.shape_cast %reduce_sum3A_151 : vector<2048xf32> to vector<2048x1xf32>
    %stack3A_162 = tpu.concatenate %stack3A_152, %stack3A_153, %stack3A_154, %stack3A_155, %stack3A_156, %stack3A_157, %stack3A_158, %stack3A_159, %stack3A_160, %stack3A_161 in 1 : vector<2048x1xf32>, vector<2048x1xf32>, vector<2048x1xf32>, vector<2048x1xf32>, vector<2048x1xf32>, vector<2048x1xf32>, vector<2048x1xf32>, vector<2048x1xf32>, vector<2048x1xf32>, vector<2048x1xf32> -> vector<2048x10xf32>
    %get3A_163 = arith.constant 0 : index
    %get3A_164 = arith.constant 0 : index
    %get3A_165 = vector.load %arg3[%get3A_163, %get3A_164] : memref<10x3xf32, #tpu.memory_space<vmem>>, vector<10x3xf32>
    %dot_general3A = arith.constant dense<0.000000e+00> : vector<2048x3xf32>
    %dot_general3A_166 = tpu.matmul %stack3A_81, %get3A_165, %dot_general3A {dimension_numbers = #tpu.dot_dimension_numbers<[1], [0], [0], [1], [0, 0, 1, 1], [], []>, transpose_lhs_hint = false} : vector<2048x10xf32>, vector<10x3xf32>, vector<2048x3xf32> -> vector<2048x3xf32>
    %get3A_167 = arith.constant 0 : index
    %get3A_168 = arith.constant 0 : index
    %get3A_169 = vector.load %arg4[%get3A_167, %get3A_168] : memref<10x3xf32, #tpu.memory_space<vmem>>, vector<10x3xf32>
    %dot_general3A_170 = arith.constant dense<0.000000e+00> : vector<2048x3xf32>
    %dot_general3A_171 = tpu.matmul %stack3A_162, %get3A_169, %dot_general3A_170 {dimension_numbers = #tpu.dot_dimension_numbers<[1], [0], [0], [1], [0, 0, 1, 1], [], []>, transpose_lhs_hint = false} : vector<2048x10xf32>, vector<10x3xf32>, vector<2048x3xf32> -> vector<2048x3xf32>
    %add3A = arith.addf %dot_general3A_166, %dot_general3A_171 : vector<2048x3xf32>
    %mul3A = arith.constant 5.000000e-03 : f32
    %mul3A_172 = vector.broadcast %mul3A : f32 to vector<2048x3xf32>
    %mul3A_173 = arith.mulf %add3A, %mul3A_172 : vector<2048x3xf32>
    %swap3A = arith.constant 0 : index
    %swap3A_174 = arith.constant 0 : index
    %swap3A_175 = vector.load %arg5[%swap3A, %swap3A_174] : memref<2048x3xf32, #tpu.memory_space<vmem>>, vector<2048x3xf32>
    tpu.vector_store %arg5[%swap3A, %swap3A_174], %mul3A_173 {strides = array<i32>} : memref<2048x3xf32, #tpu.memory_space<vmem>>, vector<2048x3xf32>,
    return
  }
  func.func @transform_0(%arg0: i32) -> (i32, i32) {
    %c0_i32 = arith.constant 0 : i32
    %c0_i32_0 = arith.constant 0 : i32
    return %arg0, %c0_i32 : i32, i32
  }
  func.func @transform_1(%arg0: i32) -> (i32, i32) {
    %c0_i32 = arith.constant 0 : i32
    %c0_i32_0 = arith.constant 0 : i32
    return %arg0, %c0_i32 : i32, i32
  }
  func.func @transform_2(%arg0: i32) -> (i32, i32) {
    %c0_i32 = arith.constant 0 : i32
    %c0_i32_0 = arith.constant 0 : i32
    %c0_i32_1 = arith.constant 0 : i32
    return %c0_i32, %c0_i32_0 : i32, i32
  }
  func.func @transform_3(%arg0: i32) -> (i32, i32) {
    %c0_i32 = arith.constant 0 : i32
    %c0_i32_0 = arith.constant 0 : i32
    %c0_i32_1 = arith.constant 0 : i32
    return %c0_i32, %c0_i32_0 : i32, i32
  }
  func.func @transform_4(%arg0: i32) -> (i32, i32) {
    %c0_i32 = arith.constant 0 : i32
    %c0_i32_0 = arith.constant 0 : i32
    return %arg0, %c0_i32 : i32, i32
  }
}

</mosaic_0001>

<sc_bundles>
// kernel: kernel.4.cloned.1.call-start
scs
__scs_entry_jumppad:
0x0: {  	(pc) =	sbr.rel $0x88, $3  }
0x1: {  	(tag) =	ssettag $0x0;
	lr =	simm.s32 $0x1  }
0x2: {  	[smem:$0x3F9D] =	sst lr;
	_ =	strace $0xD0000000  }
0x3: {  	_ = 	snop  }
0x4: {  	_ = 	snop  }
0x5: {  	_ = 	snop  }
0x6: {  	_ = 	snop  }
0x7: {  	_ = 	snop  }
__scs_overlays_trampoline_lowered:
0x8: {  	[smem:$0x3FAC] =	sst s0  }
0x9: {  	[smem:$0x3FAD] =	sst s1  }
0xa: {  	[smem:$0x3FAE] =	sst s2  }
0xb: {  	[smem:$0x3FAF] =	sst s3  }
0xc: {  	[smem:$0x3FB0] =	sst s4  }
0xd: {  	[smem:$0x3FB1] =	sst s5  }
0xe: {  	[smem:$0x3FB2] =	sst s6  }
0xf: {  	[smem:$0x3FB3] =	sst s7  }
0x10: {  	[smem:$0x3FB4] =	sst s8  }
0x11: {  	[smem:$0x3FB5] =	sst s9;
	s0 =	simm.s32 @!p0 $0x0  }
0x12: {  	s1 =	sld [smem:$0x3F9B];
	s0 =	simm.s32 @p0 $0x1  }
0x13: {  	[smem:$0x3FB6] =	sst s0;
	s0 =	simm.s32 @!p1 $0x0  }
0x14: {  	s2 =	sld [smem:$0x3F9A];
	s0 =	simm.s32 @p1 $0x1  }
0x15: {  	[smem:$0x3FB7] =	sst s0;
	s0 =	simm.s32 @!p2 $0x0  }
0x16: {  	s3 =	sld [smem:$0x3FDB];
	s0 =	simm.s32 @p2 $0x1  }
0x17: {  	s4 =	simm.s32 $0x1BF5;
	[smem:$0x3FB9] =	sst s0  }
0x18: {  	s0 =	sld [smem:$0x3F9C];
	_ =	swait.ge [sflag:s4], $0x0  }
0x19: {  	s7 =	sld [smem:$0x3F9D]  }
0x1a: {  	s8 =	sadd.s32 $0xFFFFE003, lr  }
0x1b: {  	s9 =	sadd.s32 $0xFFFFFEF7, lr;
	s5 =	simm.s32 $0xFFFFFFFF;
	p2 =	slt.u32 s8, $0xFFFFF086  }
0x1c: {  	p1 =	slt.u32 s9, $0xF7A;
	s5 =	simm.s32 @!p2 $0x0  }
0x1d: {  	s5 =	simm.s32 @p1 $0x1;
	p0 =	seq.s32 s7, s2  }
0x1e: {  	s7 =	smul.u32 @!p0 $0xF7A, s2;
	p2 =	seq.s32 @!p0 s5, $0x0  }
0x1f: {  	s9 =	smul.u32 $0xF7A, s1;
	s8 =	simm.s32 @!p0 $0x1BF5;
	p2 =	por !p2, p0  }
0x20: {  	[sflag:s8] =	ssyncset.s32 @!p0 $0xFFFFF086;
	s6 =	sadd.s32 @!p0 s3, s7;
	s7 =	simm.s32 @!p0 $0x108  }
0x21: {  	s3 =	sadd.s32 s3, s9;
	s6 =	sadd.s32 @!p0 $0x88, s6;
	s7 =	simm.s32 @p2 $0x1082  }
0x22: {  	[simem:s7], [sflag:s8] =	dma.local @!p0 [hbm:s6], $0xF7A  }
0x23: {  	s9 =	sor.u32 $0xD0000000, s2;
	s6 =	simm.s32 $0x108;
	_ =	swait.ge @!p0 [sflag:s8], $0x0  }
0x24: {  	s3 =	sadd.s32 $0x88, s3;
	s6 =	simm.s32 @!p1 $0x1082;
	[sflag:s4] =	ssyncset.s32 $0xFFFFF086  }
0x25: {  	[simem:s6], [sflag:s4] =	dma.local [hbm:s3], $0xF7A  }
0x26: {  	[smem:$0x3F9D] =	sst s1;
	(tag) =	ssettag s2;
	_ =	strace s9  }
0x27: {  	s1 =	sld [smem:$0x3FAD]  }
0x28: {  	s2 =	sld [smem:$0x3FAE]  }
0x29: {  	s4 =	sld [smem:$0x3FB0]  }
0x2a: {  	p0 =	seq.s32 s5, $0x0;
	s5 =	sld [smem:$0x3FB1]  }
0x2b: {  	s6 =	sld [smem:$0x3FB2]  }
0x2c: {  	s7 =	sld [smem:$0x3FB3]  }
0x2d: {  	s3 =	simm.s32 $0x108;
	s8 =	sld [smem:$0x3FB4]  }
0x2e: {  	s3 =	simm.s32 @!p0 $0x1082;
	s9 =	sld [smem:$0x3FB5]  }
0x2f: {  	lr =	sadd.s32 s0, s3;
	s0 =	sld [smem:$0x3FAC]  }
0x30: {  	s3 =	sld [smem:$0x3FAF]  }
0x31: {  	[smem:$0x3FB8] =	sst s10  }
0x32: {  	s10 =	sld [smem:$0x3FB6];
	_ =	sdelay $0x3  }
0x33: {  	p0 =	seq.s32 s10, $0x1;
	s10 =	sld [smem:$0x3FB8];
	_ =	sdelay $0x3  }
0x34: {  	[smem:$0x3FB8] =	sst s10  }
0x35: {  	s10 =	sld [smem:$0x3FB7];
	_ =	sdelay $0x3  }
0x36: {  	p1 =	seq.s32 s10, $0x1;
	s10 =	sld [smem:$0x3FB8];
	_ =	sdelay $0x3  }
0x37: {  	[smem:$0x3FB8] =	sst s10  }
0x38: {  	s10 =	sld [smem:$0x3FB9]  }
0x39: {  	_ = 	snop;
	(pc) =	sbr.ind lr, $3  }
0x3a: {  	_ = 	snop  }
0x3b: {  	_ = 	snop  }
0x3c: {  	p2 =	seq.s32 s10, $0x1;
	s10 =	sld [smem:$0x3FB8]  }
0x3d: {  	_ =	shalt  }
0x3e: {  	_ =	shalt  }
0x3f: {  	_ =	shalt  }
0x40: {  	_ =	shalt  }
0x41: {  	_ =	shalt  }
0x42: {  	_ =	shalt  }
0x43: {  	_ =	shalt  }
0x44: {  	_ =	shalt  }
0x45: {  	_ =	shalt  }
0x46: {  	_ =	shalt  }
0x47: {  	_ =	shalt  }
0x48: {  	_ =	shalt  }
0x49: {  	_ =	shalt  }
0x4a: {  	_ =	shalt  }
0x4b: {  	_ =	shalt  }
0x4c: {  	_ =	shalt  }
0x4d: {  	_ =	shalt  }
0x4e: {  	_ =	shalt  }
0x4f: {  	_ =	shalt  }
0x50: {  	_ =	shalt  }
0x51: {  	_ =	shalt  }
0x52: {  	_ =	shalt  }
0x53: {  	_ =	shalt  }
0x54: {  	_ =	shalt  }
0x55: {  	_ =	shalt  }
0x56: {  	_ =	shalt  }
0x57: {  	_ =	shalt  }
0x58: {  	_ =	shalt  }
0x59: {  	_ =	shalt  }
0x5a: {  	_ =	shalt  }
0x5b: {  	_ =	shalt  }
0x5c: {  	_ =	shalt  }
0x5d: {  	_ =	shalt  }
0x5e: {  	_ =	shalt  }
0x5f: {  	_ =	shalt  }
0x60: {  	_ =	shalt  }
0x61: {  	_ =	shalt  }
0x62: {  	_ =	shalt  }
0x63: {  	_ =	shalt  }
0x64: {  	_ =	shalt  }
0x65: {  	_ =	shalt  }
0x66: {  	_ =	shalt  }
0x67: {  	_ =	shalt  }
0x68: {  	_ =	shalt  }
0x69: {  	_ =	shalt  }
0x6a: {  	_ =	shalt  }
0x6b: {  	_ =	shalt  }
0x6c: {  	_ =	shalt  }
0x6d: {  	_ =	shalt  }
0x6e: {  	_ =	shalt  }
0x6f: {  	_ =	shalt  }
0x70: {  	_ =	shalt  }
0x71: {  	_ =	shalt  }
0x72: {  	_ =	shalt  }
0x73: {  	_ =	shalt  }
0x74: {  	_ =	shalt  }
0x75: {  	_ =	shalt  }
0x76: {  	_ =	shalt  }
0x77: {  	_ =	shalt  }
0x78: {  	_ =	shalt  }
0x79: {  	_ =	shalt  }
0x7a: {  	_ =	shalt  }
0x7b: {  	_ =	shalt  }
0x7c: {  	_ =	shalt  }
0x7d: {  	_ =	shalt  }
0x7e: {  	_ =	shalt  }
0x7f: {  	_ =	shalt  }
0x80: {  	_ =	shalt  }
0x81: {  	_ =	shalt  }
0x82: {  	_ =	shalt  }
0x83: {  	_ =	shalt  }
0x84: {  	_ =	shalt  }
0x85: {  	_ =	shalt  }
0x86: {  	_ =	shalt  }
0x87: {  	_ =	shalt  }
.Lfunc_end0:
.L_simem_size_0:
called_computation_lowered:
.L_overlay_start_0:
0x88: {  	s2 =	sld [smem:$0x3FD9]  }
0x89: {  	s3 =	sld [smem:$0x3FFE];
	_ =	sdelay $0x1  }
0x8a: {  	s1 =	srdreg.scid  }
0x8b: {  	s0 =	sand.u32 $0x1, s1  }
0x8c: {  	s17 =	sshll.u32 s0, $0xA;
	s2 =	sadd.s32 s3, s2  }
0x8d: {  	s2 =	sadd.s32 s2, s17  }
0x8e: {  	[smem:$0x3FC4] =	sst s2  }
0x8f: {  	_ = 	snop  }
0x90: {  	s2 =	sld [smem:$0x3FD0];
	(tm) =	ssettm $0x1  }
0x91: {  	s18 =	sld [smem:$0x3FFB];
	_ =	sdelay $0x3  }
0x92: {  	_ =	strace s18  }
0x93: {  	s3 =	sld [smem:$0x3FFC];
	_ =	sdelay $0x3  }
0x94: {  	_ =	strace s3  }
0x95: {  	s3 =	sld [smem:$0x3FFD];
	_ =	sdelay $0x3  }
0x96: {  	_ =	strace s3  }
0x97: {  	_ =	strace $0x8FFFFFFF  }
0x98: {  	s19 =	sld [smem:$0x3FDB];
	_ =	sdelay $0x1  }
0x99: {  	s4 =	simm.s32 $_scs_section_size  }
0x9a: {  	s5 =	simm.s32 $_size__tile_overlayer_lowered;
	s6 =	simm.s32 $_tile_overlayer_lowered  }
0x9b: {  	s22 =	simm.s32 $0x1BFF;
	s21 =	sshll.u32 s6, $0x1;
	s3 =	sadd.s32 s4, s19  }
0x9c: {  	s7 =	simm.s32 $0x0;
	s20 =	sshll.u32 s5, $0x1;
	s5 =	sadd.s32 s21, s3  }
0x9d: {  	[timem:s7], [sflag:s22] =	dma.local [hbm:s5], s20  }
0x9e: {  	_ =	swait.ge [sflag:s22], s20  }
0x9f: {  	s4 =	ssub.s32 $0x0, s20;
	[sflag:s22] =	ssyncset.done $0x0  }
0xa0: {  	[sflag:s22] =	ssyncadd.s32 s4;
	_ =	sdelay $0x1  }
0xa1: {  	s23 =	simm.s32 $0x1B8B  }
0xa2: {  	_ =	swait.ge [sflag:s23], $0x1  }
0xa3: {  	[sflag:s23] =	ssyncset.done $0x0  }
0xa4: {  	s25 =	simm.s32 $0x1B8E;
	s24 =	sld [smem:$0x3FFE];
	[sflag:s23] =	ssyncadd.s32 $0xFFFFFFFF  }
0xa5: {  	s26 =	simm.s32 $execute0_lowered;
	[smem:$0x3FD2] =	sst s25  }
0xa6: {  	s5 =	sshll.u32 s26, $0x1;
	_ =	strace $0x80000046;
	[dreg:$0x1] =	wrdreg $0xFFFFFFFF  }
0xa7: {  	s28 =	simm.s32 $_size_execute0_lowered;
	s3 =	sadd.s32 s3, s5;
	[dreg:$0x0] =	wrdreg $0x0  }
0xa8: {  	s5 =	sshll.u32 s28, $0x1;
	[dreg:$0x2] =	wrdreg s3  }
0xa9: {  	[dreg:$0x3] =	wrdreg s5  }
0xaa: {  	[dreg:$0x4] =	wrdreg $0xC0  }
0xab: {  	_ =	task [dreg:s7], $0x5FFFF  }
0xac: {  	[dreg:$0x1] =	wrdreg $0xFFFFFFFF  }
0xad: {  	[dreg:$0x0] =	wrdreg $0x60  }
0xae: {  	[dreg:$0x2] =	wrdreg s24  }
0xaf: {  	[dreg:$0x3] =	wrdreg s2  }
0xb0: {  	[dreg:$0x4] =	wrdreg $0x9  }
0xb1: {  	_ =	task.clear_ibuf [dreg:s7], $0x5FFFF;
	_ =	strace $0x90000046  }
0xb2: {  	s29 =	simm.s32 $0x9;
	_ =	strace $0x80000048  }
0xb3: {  	_ =	swait.ge [sflag:s29], $0x1  }
0xb4: {  	[sflag:s29] =	ssyncadd.s32 $0xFFFFFFFF  }
0xb5: {  	_ =	strace $0x90000048  }
0xb6: {  	_ =	sfence  }
0xb7: {  	s30 =	sld [smem:$0x0];
	_ =	sdelay $0x2  }
0xb8: {  	s31 =	sshll.u32 s1, $0xD;
	s1 =	sshrl.u32 s1, $0x2  }
0xb9: {  	s3 =	sand.u32 $0x4000, s31;
	s1 =	sadd.s32 s1, s30  }
0xba: {  	s0 =	sor.u32 s3, s0;
	s1 =	sshll.u32 s1, $0x11  }
0xbb: {  	s0 =	sor.u32 s1, s0  }
0xbc: {  	s0 =	sadd.s32 $0x8F2B, s0  }
0xbd: {  	[sflag:s0] =	ssyncadd.remote.s32 $0x1  }
0xbe: {  	_ =	sfence.sel $0xFFFF  }
0xbf: {  	[dreg:$0x0] =	wrdreg $0xFFFFFFFF;
	(pc) =	sbr.abs _section_cstart, $3  }
0xc0: {  	[dreg:$0x1] =	wrdreg $0xFFFFFFFF  }
0xc1: {  	_ =	task.clear_ibuf [dreg:s7], $0x2FFFF;
	_ =	strace $0x9FFFFFFF  }
0xc2: {  	(tm) =	ssettm $0x7FFFFFFF  }
0xc3: {  	_ =	shalt  }
tec
execute0_lowered:
.L_overlay_start_1:
0x0: {  	(tag) =	ssettag $0x1  }
0x1: {  	s0 =	rddreg [dreg:$0x0]  }
0x2: {  	s1 =	rddreg [dreg:$0x1]  }
0x3: {  	s3 =	simm.s32 $0x0;
	s2 =	srdreg.scid;
	s5 =	stileid.u32  }
0x4: {  	s16 =	simm.s32 $0x5;
	s20 =	simm.s32 $0x1;
	s21 =	simm.s32 $0x2  }
0x5: {  	s22 =	simm.s32 $0x10000;
	s23 =	simm.s32 $0x12800;
	s24 =	simm.s32 $0x3  }
0x6: {  	s25 =	simm.s32 $0x4;
	s26 =	simm.s32 $0x0;
	[smem:$0x7FF] =	sst s3  }
0x7: {  	s2 =	sand.u32 $0x1, s2;
	s4 =	sadd.s32 $0x1600, s0;
	s6 =	sshll.u32 s5, $0xA  }
0x8: {  	s5 =	sadd.s32 $0x81600, s0;
	s0 =	sadd.s32 $0x101600, s0;
	s7 =	sshll.u32 s2, $0x9  }
0x9: {  	_ =	strace $0x80000047;
	s2 =	ssub.s32 $0x2, s2;
	s6 =	sor.u32 s7, s6  }
0xa: {  	[dreg:$0x3] =	wrdreg s0;
	s30 =	sshrl.u32 s2, $0x1;
	s9 =	sshll.u32 s6, $0x5  }
0xb: {  	s0 =	ssub.s32 s2, s30;
	s12 =	sor.u32 $0x80, s6;
	s13 =	sor.u32 $0xC0, s6  }
0xc: {  	s8 =	sadd.s32 s4, s9;
	s31 =	sor.u32 $0x800, s9;
	s9 =	sadd.s32 s5, s9  }
0xd: {  	v0 =	vimm.f32 $0.0e+00;
	v1 =	vimm.f32 $1.000000000e+00;
	s14 =	smax.u32 s0, $0x1;
	s10 =	sadd.s32 s4, s31;
	s11 =	sadd.s32 s5, s31  }
.LBB2_1:
0xe: {  	s0 =	rddreg [dreg:$0x3];
	s2 =	simm.s32 $0x10800  }
0xf: {  	[tilespmem:s2], [sflag:$0x5] =	stream.linear.gather [hbm4b:s0+s3], $0x1E00, $0x38;
	[tilespmem:$0x12900] =	vst v63  }
0x10: {  	_ =	swait.ge [sflag:s16], $0x1E00  }
0x11: {  	[sflag:s16] =	ssyncset.done $0x0  }
0x12: {  	[sflag:s16] =	ssyncadd.s32 $0xFFFFE200  }
0x13: {  	[tilespmem:s3], [sflag:$0x1] =	stream.linear.gather [hbm4b:s8+s3], $0x4000, $0x38;
	[tilespmem:$0x12900] =	vst v63  }
0x14: {  	s29 =	simm.s32 $0x4000  }
0x15: {  	[tilespmem:s29], [sflag:$0x2] =	stream.linear.gather [hbm4b:s9+s3], $0x4000, $0x38;
	[tilespmem:$0x12900] =	vst v63  }
0x16: {  	s30 =	simm.s32 $0x8000  }
0x17: {  	[tilespmem:s30], [sflag:$0x3] =	stream.linear.gather [hbm4b:s10+s3], $0x4000, $0x38;
	[tilespmem:$0x12900] =	vst v63  }
0x18: {  	s31 =	simm.s32 $0xC000;
	s28 =	simm.s32 $0x0  }
0x19: {  	[tilespmem:s31], [sflag:$0x4] =	stream.linear.gather [hbm4b:s11+s3], $0x4000, $0x38;
	[tilespmem:$0x12900] =	vst v63  }
.LBB2_2:
0x1a: {  	_ =	swait.ge [sflag:s20], $0x4000  }
0x1b: {  	[sflag:s20] =	ssyncset.done $0x0  }
0x1c: {  	[sflag:s20] =	ssyncadd.s32 $0xFFFFC000  }
0x1d: {  	_ =	swait.ge [sflag:s21], $0x4000  }
0x1e: {  	[sflag:s21] =	ssyncset.done $0x0  }
0x1f: {  	s0 =	simm.s32 $0x10040;
	[sflag:s21] =	ssyncadd.s32 $0xFFFFC000  }
0x20: {  	[tilespmem:s0+$0xFFFFFFC0] =	vst v0  }
0x21: {  	[tilespmem:s0+$0x30] =	vst v0  }
0x22: {  	[tilespmem:s0+$0x20] =	vst v0  }
0x23: {  	[tilespmem:s0+$0x10] =	vst v0  }
0x24: {  	[tilespmem:s0+$0x0] =	vst v0  }
0x25: {  	[tilespmem:s0+$0xFFFFFFF0] =	vst v0  }
0x26: {  	s2 =	simm.s32 $0x0;
	[tilespmem:s0+$0xFFFFFFE0] =	vst v0  }
.LBB2_3:
0x27: {  	s2 =	sadd.s32 $0x8, s2;
	[tilespmem:s0+$0xFFFFFFD0] =	vst v0;
	s0 =	sadd.s32 $0x80, s0  }
0x28: {  	[tilespmem:s0+$0xFFFFFFC0] =	vst v0;
	p0 =	slt.u32 s2, $0x78  }
0x29: {  	[tilespmem:s0+$0x30] =	vst v0  }
.Ltmp0:
0x2a: {  	[tilespmem:s0+$0x20] =	vst v0;
	(pc) =	sbr.rel @p0 .LBB2_3-.Ltmp0, $4  }
0x2b: {  	[tilespmem:s0+$0x10] =	vst v0  }
0x2c: {  	[tilespmem:s0+$0x0] =	vst v0  }
0x2d: {  	[tilespmem:s0+$0xFFFFFFF0] =	vst v0  }
0x2e: {  	[tilespmem:s0+$0xFFFFFFE0] =	vst v0  }
0x2f: {  	s29 =	simm.s32 $0x0  }
0x30: {  	s2 =	sand.u32 $0x3800, s29;
	s15 =	sand.u32 $0x380, s29  }
0x31: {  	[tilespmem:s0+$0xFFFFFFD0] =	vst v0;
	s30 =	sor.u32 s15, s2  }
0x32: {  	v3 =	vld [tilespmem:s30+$0x0]  }
0x33: {  	v4 =	vld [tilespmem:s30+$0x4000]  }
0x34: {  	v5 =	vld [tilespmem:s30+$0x10]  }
0x35: {  	v6 =	vld [tilespmem:s30+$0x4010]  }
0x36: {  	v7 =	vmov s29;
	v8 =	vld [tilespmem:s30+$0x20]  }
0x37: {  	v9 =	vadd.s32 s29, v3;
	v3 =	vor.u32 $0x10, v7;
	v7 =	vld [tilespmem:s30+$0x4020]  }
0x38: {  	v10 =	vld [tilespmem:s30+$0x30];
	v4 =	vadd.s32 v3, v4  }
0x39: {  	v11 =	vld [tilespmem:s30+$0x4030];
	v5 =	vadd.s32 s29, v5  }
0x3a: {  	v6 =	vadd.s32 v3, v6  }
0x3b: {  	v8 =	vadd.s32 s29, v8  }
0x3c: {  	v7 =	vadd.s32 v3, v7;
	[tilespmem:v9+s22+$0x0] =	vst.idx.add.f32.msk $0xffff, v1  }
0x3d: {  	v9 =	vadd.s32 s29, v10;
	[tilespmem:v4+s22+$0x0] =	vst.idx.add.f32.msk $0xffff, v1  }
0x3e: {  	v4 =	vadd.s32 v3, v11;
	[tilespmem:v5+s22+$0x0] =	vst.idx.add.f32.msk $0xffff, v1  }
0x3f: {  	[tilespmem:v6+s22+$0x0] =	vst.idx.add.f32.msk $0xffff, v1  }
0x40: {  	[tilespmem:v8+s22+$0x0] =	vst.idx.add.f32.msk $0xffff, v1  }
0x41: {  	[tilespmem:v7+s22+$0x0] =	vst.idx.add.f32.msk $0xffff, v1  }
0x42: {  	[tilespmem:v9+s22+$0x0] =	vst.idx.add.f32.msk $0xffff, v1  }
0x43: {  	[tilespmem:v4+s22+$0x0] =	vst.idx.add.f32.msk $0xffff, v1  }
0x44: {  	v4 =	vld [tilespmem:s30+$0x40]  }
0x45: {  	v5 =	vld [tilespmem:s30+$0x4040]  }
0x46: {  	v6 =	vld [tilespmem:s30+$0x50]  }
0x47: {  	v7 =	vld [tilespmem:s30+$0x4050]  }
0x48: {  	v8 =	vld [tilespmem:s30+$0x60]  }
0x49: {  	v9 =	vld [tilespmem:s30+$0x4060];
	v4 =	vadd.s32 s29, v4  }
0x4a: {  	v10 =	vld [tilespmem:s30+$0x70];
	v5 =	vadd.s32 v3, v5  }
0x4b: {  	v11 =	vld [tilespmem:s30+$0x4070];
	v6 =	vadd.s32 s29, v6  }
0x4c: {  	v7 =	vadd.s32 v3, v7  }
0x4d: {  	v8 =	vadd.s32 s29, v8  }
0x4e: {  	v9 =	vadd.s32 v3, v9;
	[tilespmem:v4+s22+$0x0] =	vst.idx.add.f32.msk $0xffff, v1  }
0x4f: {  	v4 =	vadd.s32 s29, v10;
	[tilespmem:v5+s22+$0x0] =	vst.idx.add.f32.msk $0xffff, v1  }
0x50: {  	v5 =	vadd.s32 v3, v11;
	[tilespmem:v6+s22+$0x0] =	vst.idx.add.f32.msk $0xffff, v1  }
0x51: {  	[tilespmem:v7+s22+$0x0] =	vst.idx.add.f32.msk $0xffff, v1  }
0x52: {  	[tilespmem:v8+s22+$0x0] =	vst.idx.add.f32.msk $0xffff, v1  }
0x53: {  	[tilespmem:v9+s22+$0x0] =	vst.idx.add.f32.msk $0xffff, v1  }
0x54: {  	[tilespmem:v4+s22+$0x0] =	vst.idx.add.f32.msk $0xffff, v1  }
0x55: {  	[tilespmem:v5+s22+$0x0] =	vst.idx.add.f32.msk $0xffff, v1  }
0x56: {  	v6 =	vld [tilespmem:s30+$0x400]  }
0x57: {  	v4 =	vld [tilespmem:s30+$0x430]  }
0x58: {  	v7 =	vld [tilespmem:s30+$0x4430]  }
0x59: {  	v8 =	vld [tilespmem:s30+$0x4400]  }
0x5a: {  	v5 =	vld [tilespmem:s30+$0x410]  }
0x5b: {  	s17 =	simm.s32 $0x20;
	s31 =	simm.s32 $0x80;
	s0 =	simm.s32 $0x100;
	v9 =	vld [tilespmem:s30+$0x4410]  }
.LBB2_5:
0x5c: {  	s18 =	sand.u32 $0x3800, s0  }
0x5d: {  	s19 =	sand.u32 $0x380, s31;
	v10 =	vld [tilespmem:s30+$0x420];
	s15 =	smov.u32 s17;
	s2 =	sadd.s32 $0x20, s17  }
0x5e: {  	p0 =	sne.s32 s17, $0x7E0;
	v11 =	vld [tilespmem:s30+$0x4420];
	s30 =	sor.u32 s19, s18;
	v7 =	vadd.s32 v3, v7  }
0x5f: {  	v12 =	vld [tilespmem:s30+$0x0];
	v8 =	vadd.s32 v3, v8  }
0x60: {  	v13 =	vld [tilespmem:s30+$0x4000]  }
0x61: {  	v14 =	vld [tilespmem:s30+$0x10];
	v9 =	vadd.s32 v3, v9  }
0x62: {  	v6 =	vadd.s32 s29, v6;
	v15 =	vld [tilespmem:s30+$0x4010]  }
0x63: {  	v16 =	vmov s15;
	v17 =	vld [tilespmem:s30+$0x20];
	v11 =	vadd.s32 v3, v11  }
0x64: {  	v3 =	vor.u32 $0x10, v16;
	v12 =	vadd.s32 s15, v12;
	v16 =	vld [tilespmem:s30+$0x4020]  }
0x65: {  	v13 =	vadd.s32 v3, v13;
	v18 =	vld [tilespmem:s30+$0x30]  }
0x66: {  	v14 =	vadd.s32 s15, v14;
	v19 =	vld [tilespmem:s30+$0x4030]  }
0x67: {  	v15 =	vadd.s32 v3, v15;
	[tilespmem:v6+s22+$0x0] =	vst.idx.add.f32.msk $0xffff, v1  }
0x68: {  	v6 =	vadd.s32 s15, v17;
	[tilespmem:v8+s22+$0x0] =	vst.idx.add.f32.msk $0xffff, v1  }
0x69: {  	v8 =	vadd.s32 v3, v16;
	[tilespmem:v12+s22+$0x0] =	vst.idx.add.f32.msk $0xffff, v1  }
0x6a: {  	v12 =	vadd.s32 s15, v18;
	[tilespmem:v13+s22+$0x0] =	vst.idx.add.f32.msk $0xffff, v1  }
0x6b: {  	v13 =	vadd.s32 v3, v19;
	[tilespmem:v14+s22+$0x0] =	vst.idx.add.f32.msk $0xffff, v1  }
0x6c: {  	[tilespmem:v15+s22+$0x0] =	vst.idx.add.f32.msk $0xffff, v1  }
0x6d: {  	[tilespmem:v6+s22+$0x0] =	vst.idx.add.f32.msk $0xffff, v1  }
0x6e: {  	[tilespmem:v8+s22+$0x0] =	vst.idx.add.f32.msk $0xffff, v1  }
0x6f: {  	[tilespmem:v12+s22+$0x0] =	vst.idx.add.f32.msk $0xffff, v1  }
0x70: {  	[tilespmem:v13+s22+$0x0] =	vst.idx.add.f32.msk $0xffff, v1  }
0x71: {  	v6 =	vld [tilespmem:s30+$0x4050]  }
0x72: {  	v8 =	vld [tilespmem:s30+$0x4070]  }
0x73: {  	v12 =	vld [tilespmem:s30+$0x4040]  }
0x74: {  	v5 =	vadd.s32 s29, v5;
	v13 =	vld [tilespmem:s30+$0x4060]  }
0x75: {  	v14 =	vld [tilespmem:s30+$0x40]  }
0x76: {  	v10 =	vadd.s32 s29, v10;
	v15 =	vld [tilespmem:s30+$0x50]  }
0x77: {  	v16 =	vld [tilespmem:s30+$0x70]  }
0x78: {  	v4 =	vadd.s32 s29, v4;
	s29 =	smov.u32 s15;
	v8 =	vadd.s32 v3, v8;
	v12 =	vadd.s32 v3, v12;
	v17 =	vld [tilespmem:s30+$0x60]  }
0x79: {  	v6 =	vadd.s32 v3, v6;
	v13 =	vadd.s32 v3, v13;
	[tilespmem:v5+s22+$0x0] =	vst.idx.add.f32.msk $0xffff, v1  }
0x7a: {  	v5 =	vadd.s32 s29, v14;
	[tilespmem:v9+s22+$0x0] =	vst.idx.add.f32.msk $0xffff, v1  }
0x7b: {  	[tilespmem:v10+s22+$0x0] =	vst.idx.add.f32.msk $0xffff, v1  }
0x7c: {  	v9 =	vadd.s32 s29, v15;
	[tilespmem:v11+s22+$0x0] =	vst.idx.add.f32.msk $0xffff, v1  }
0x7d: {  	[tilespmem:v4+s22+$0x0] =	vst.idx.add.f32.msk $0xffff, v1  }
0x7e: {  	v4 =	vadd.s32 s29, v17;
	[tilespmem:v7+s22+$0x0] =	vst.idx.add.f32.msk $0xffff, v1  }
0x7f: {  	[tilespmem:v5+s22+$0x0] =	vst.idx.add.f32.msk $0xffff, v1  }
0x80: {  	v5 =	vadd.s32 s29, v16;
	[tilespmem:v12+s22+$0x0] =	vst.idx.add.f32.msk $0xffff, v1  }
0x81: {  	[tilespmem:v9+s22+$0x0] =	vst.idx.add.f32.msk $0xffff, v1  }
0x82: {  	[tilespmem:v6+s22+$0x0] =	vst.idx.add.f32.msk $0xffff, v1  }
0x83: {  	[tilespmem:v4+s22+$0x0] =	vst.idx.add.f32.msk $0xffff, v1  }
0x84: {  	[tilespmem:v13+s22+$0x0] =	vst.idx.add.f32.msk $0xffff, v1  }
0x85: {  	[tilespmem:v5+s22+$0x0] =	vst.idx.add.f32.msk $0xffff, v1  }
0x86: {  	[tilespmem:v8+s22+$0x0] =	vst.idx.add.f32.msk $0xffff, v1  }
0x87: {  	v6 =	vld [tilespmem:s30+$0x400]  }
.Ltmp1:
0x88: {  	v4 =	vld [tilespmem:s30+$0x430];
	(pc) =	sbr.rel @p0 .LBB2_5-.Ltmp1, $4  }
0x89: {  	v7 =	vld [tilespmem:s30+$0x4430]  }
0x8a: {  	v8 =	vld [tilespmem:s30+$0x4400]  }
0x8b: {  	v5 =	vld [tilespmem:s30+$0x410]  }
0x8c: {  	s31 =	sadd.s32 $0x80, s31;
	s0 =	sadd.s32 $0x100, s0;
	s17 =	smov.u32 s2;
	v9 =	vld [tilespmem:s30+$0x4410]  }
0x8d: {  	v10 =	vld [tilespmem:s30+$0x420]  }
0x8e: {  	v11 =	vld [tilespmem:s30+$0x4420];
	v6 =	vadd.s32 s29, v6  }
0x8f: {  	v8 =	vadd.s32 v3, v8  }
0x90: {  	v5 =	vadd.s32 s29, v5  }
0x91: {  	v9 =	vadd.s32 v3, v9  }
0x92: {  	v10 =	vadd.s32 s29, v10  }
0x93: {  	v11 =	vadd.s32 v3, v11;
	[tilespmem:v6+s22+$0x0] =	vst.idx.add.f32.msk $0xffff, v1  }
0x94: {  	v4 =	vadd.s32 s29, v4;
	[tilespmem:v8+s22+$0x0] =	vst.idx.add.f32.msk $0xffff, v1  }
0x95: {  	v3 =	vadd.s32 v3, v7;
	[tilespmem:v5+s22+$0x0] =	vst.idx.add.f32.msk $0xffff, v1  }
0x96: {  	[tilespmem:v9+s22+$0x0] =	vst.idx.add.f32.msk $0xffff, v1  }
0x97: {  	p0 =	seq.s32 s28, $0x3;
	s29 =	sshll.u32 s28, $0x7;
	[tilespmem:v10+s22+$0x0] =	vst.idx.add.f32.msk $0xffff, v1  }
0x98: {  	s0 =	sadd.s32 @!p0 s29, s12;
	[tilespmem:v11+s22+$0x0] =	vst.idx.add.f32.msk $0xffff, v1  }
0x99: {  	s0 =	sshll.u32 @!p0 s0, $0x5;
	[tilespmem:v4+s22+$0x0] =	vst.idx.add.f32.msk $0xffff, v1  }
0x9a: {  	s15 =	simm.s32 @!p0 $0x0;
	s2 =	sadd.s32 @!p0 s4, s0;
	[tilespmem:v3+s22+$0x0] =	vst.idx.add.f32.msk $0xffff, v1  }
0x9b: {  	[tilespmem:s15], [sflag:$0x1] =	stream.linear.gather @!p0 [hbm4b:s2+s15], $0x4000, $0x38;
	[tilespmem:$0x12900] =	vst v63  }
0x9c: {  	s0 =	sadd.s32 @!p0 s5, s0;
	s2 =	simm.s32 @!p0 $0x4000  }
0x9d: {  	[tilespmem:s2], [sflag:$0x2] =	stream.linear.gather @!p0 [hbm4b:s0+s15], $0x4000, $0x38;
	[tilespmem:$0x12900] =	vst v63  }
0x9e: {  	v4 =	vld [tilespmem:$0x12480]  }
0x9f: {  	v3 =	vld [tilespmem:$0x11580]  }
0xa0: {  	v6 =	vld [tilespmem:$0x12300]  }
0xa1: {  	v5 =	vld [tilespmem:$0x12380]  }
0xa2: {  	v8 =	vld [tilespmem:$0x11400]  }
0xa3: {  	v7 =	vld [tilespmem:$0x11480]  }
0xa4: {  	v10 =	vld [tilespmem:$0x12180]  }
0xa5: {  	v9 =	vld [tilespmem:$0x12200]  }
0xa6: {  	v12 =	vld [tilespmem:$0x11280]  }
0xa7: {  	v11 =	vld [tilespmem:$0x11300]  }
0xa8: {  	v14 =	vld [tilespmem:$0x12000]  }
0xa9: {  	v13 =	vld [tilespmem:$0x12080]  }
0xaa: {  	v16 =	vld [tilespmem:$0x11100]  }
0xab: {  	v15 =	vld [tilespmem:$0x11180]  }
0xac: {  	v18 =	vld [tilespmem:$0x11E80]  }
0xad: {  	v17 =	vld [tilespmem:$0x11F00]  }
0xae: {  	v20 =	vld [tilespmem:$0x10F80]  }
0xaf: {  	v19 =	vld [tilespmem:$0x11000]  }
0xb0: {  	v22 =	vld [tilespmem:$0x11D00]  }
0xb1: {  	v21 =	vld [tilespmem:$0x11D80]  }
0xb2: {  	v24 =	vld [tilespmem:$0x10E00]  }
0xb3: {  	v23 =	vld [tilespmem:$0x10E80]  }
0xb4: {  	v27 =	vld [tilespmem:$0x11B80]  }
0xb5: {  	v25 =	vld [tilespmem:$0x11C00]  }
0xb6: {  	v29 =	vld [tilespmem:$0x10C80]  }
0xb7: {  	v28 =	vld [tilespmem:$0x10D00]  }
0xb8: {  	v32 =	vld [tilespmem:$0x11A00]  }
0xb9: {  	v31 =	vld [tilespmem:$0x11A80]  }
0xba: {  	v36 =	vld [tilespmem:$0x10B00]  }
0xbb: {  	v34 =	vld [tilespmem:$0x10B80]  }
0xbc: {  	v40 =	vld [tilespmem:$0x11880]  }
0xbd: {  	v38 =	vld [tilespmem:$0x11900]  }
0xbe: {  	s31 =	simm.s32 $0x0;
	v0 =	vlaneseq.u32;
	v43 =	vld [tilespmem:$0x10980]  }
0xbf: {  	v26 =	vor.u32 s31, v0;
	v42 =	vld [tilespmem:$0x10A00]  }
0xc0: {  	s30 =	simm.s32 $0x10;
	v30 =	vshll.u32 v26, $0x5;
	v44 =	vld [tilespmem:$0x11700]  }
.LBB2_7:
0xc1: {  	p1 =	sne.s32 s30, $0x30;
	v35 =	vor.u32 $0x10, v30;
	v45 =	vld [tilespmem:$0x11780]  }
0xc2: {  	v39 =	vor.u32 $0x1, v30;
	v46 =	vld [tilespmem:$0x10800]  }
0xc3: {  	v47 =	vld [tilespmem:$0x10880]  }
0xc4: {  	v49 =	vor.u32 $0x11, v30;
	v48 =	vld.idx.msk [tilespmem:v30+s22+$0x0], $0xffff  }
0xc5: {  	v33 =	vor.u32 $0x19, v30;
	v26 =	vmul.u32 $0x3, v26;
	v50 =	vld [tilespmem:$0x10900]  }
0xc6: {  	v52 =	vor.u32 $0x2, v30;
	v37 =	vor.u32 $0x18, v30;
	v51 =	vld.idx.msk [tilespmem:v35+s22+$0x0], $0xffff;
	v35 =	vor.u32 $0x9, v30  }
0xc7: {  	v54 =	vor.u32 $0x7, v30;
	v41 =	vor.u32 $0x17, v30;
	v53 =	vld.idx.msk [tilespmem:v39+s22+$0x0], $0xffff;
	v39 =	vor.u32 $0x8, v30  }
0xc8: {  	v56 =	vor.u32 $0x12, v30;
	v57 =	vor.u32 $0x6, v30;
	v58 =	vor.u32 $0x16, v30;
	v55 =	vld [tilespmem:$0x11800]  }
0xc9: {  	v59 =	vor.u32 $0x14, v30;
	v60 =	vor.u32 $0x5, v30;
	v61 =	vor.u32 $0x15, v30;
	v49 =	vld.idx.msk [tilespmem:v49+s22+$0x0], $0xffff  }
0xca: {  	v63 =	vor.u32 $0x3, v30;
	v2 =	vor.u32 $0x4, v30;
	v46 =	vmul.f32 v46, v48;
	v62 =	vld [tilespmem:$0x10A80]  }
0xcb: {  	v0 =	vor.u32 $0x13, v30;
	v30 =	vadd.s32 $0x1, v26;
	v47 =	vmul.f32 v47, v48;
	v52 =	vld.idx.msk [tilespmem:v52+s22+$0x0], $0xffff  }
0xcc: {  	v48 =	vmul.f32 v50, v48;
	v46 =	vadd.f32 $0.0e+00, v46;
	v44 =	vmul.f32 v44, v51;
	v50 =	vld [tilespmem:$0x11980]  }
0xcd: {  	v47 =	vadd.f32 $0.0e+00, v47;
	v45 =	vmul.f32 v45, v51;
	v43 =	vmul.f32 v43, v53;
	v56 =	vld.idx.msk [tilespmem:v56+s22+$0x0], $0xffff  }
0xce: {  	v44 =	vadd.f32 v44, v46;
	v46 =	vadd.f32 $0.0e+00, v48;
	v48 =	vmul.f32 v55, v51;
	v51 =	vld [tilespmem:$0x10C00]  }
0xcf: {  	v42 =	vmul.f32 v42, v53;
	v45 =	vadd.f32 v45, v47;
	v40 =	vmul.f32 v40, v49;
	v47 =	vld.idx.msk [tilespmem:v63+s22+$0x0], $0xffff  }
0xd0: {  	v46 =	vadd.f32 v48, v46;
	v43 =	vadd.f32 v43, v44;
	v44 =	vmul.f32 v62, v53;
	v48 =	vld [tilespmem:$0x11B00]  }
0xd1: {  	v38 =	vmul.f32 v38, v49;
	v42 =	vadd.f32 v42, v45;
	v36 =	vmul.f32 v36, v52;
	v0 =	vld.idx.msk [tilespmem:v0+s22+$0x0], $0xffff  }
0xd2: {  	v40 =	vadd.f32 v40, v43;
	v43 =	vadd.f32 v44, v46;
	v44 =	vmul.f32 v50, v49;
	v45 =	vld [tilespmem:$0x10D80]  }
0xd3: {  	v34 =	vmul.f32 v34, v52;
	v38 =	vadd.f32 v38, v42;
	v32 =	vmul.f32 v32, v56;
	v2 =	vld.idx.msk [tilespmem:v2+s22+$0x0], $0xffff  }
0xd4: {  	v42 =	vadd.f32 v44, v43;
	v36 =	vadd.f32 v36, v40;
	v40 =	vmul.f32 v51, v52;
	v43 =	vld [tilespmem:$0x11C80]  }
0xd5: {  	v31 =	vmul.f32 v31, v56;
	v34 =	vadd.f32 v34, v38;
	v29 =	vmul.f32 v29, v47;
	v38 =	vld.idx.msk [tilespmem:v59+s22+$0x0], $0xffff  }
0xd6: {  	v32 =	vadd.f32 v32, v36;
	v36 =	vadd.f32 v40, v42;
	v40 =	vmul.f32 v48, v56;
	v42 =	vld [tilespmem:$0x10F00]  }
0xd7: {  	v28 =	vmul.f32 v28, v47;
	v31 =	vadd.f32 v31, v34;
	v27 =	vmul.f32 v27, v0;
	v34 =	vld.idx.msk [tilespmem:v60+s22+$0x0], $0xffff  }
0xd8: {  	v36 =	vadd.f32 v40, v36;
	v29 =	vadd.f32 v29, v32;
	v32 =	vmul.f32 v45, v47;
	v40 =	vld [tilespmem:$0x11E00]  }
0xd9: {  	v25 =	vmul.f32 v25, v0;
	v28 =	vadd.f32 v28, v31;
	v24 =	vmul.f32 v24, v2;
	v31 =	vld.idx.msk [tilespmem:v61+s22+$0x0], $0xffff  }
0xda: {  	v27 =	vadd.f32 v27, v29;
	v29 =	vadd.f32 v32, v36;
	v0 =	vmul.f32 v43, v0;
	v32 =	vld [tilespmem:$0x11080]  }
0xdb: {  	v23 =	vmul.f32 v23, v2;
	v25 =	vadd.f32 v25, v28;
	v22 =	vmul.f32 v22, v38;
	v28 =	vld.idx.msk [tilespmem:v57+s22+$0x0], $0xffff  }
0xdc: {  	v0 =	vadd.f32 v0, v29;
	v24 =	vadd.f32 v24, v27;
	v2 =	vmul.f32 v42, v2;
	v27 =	vld [tilespmem:$0x11F80]  }
0xdd: {  	v21 =	vmul.f32 v21, v38;
	v23 =	vadd.f32 v23, v25;
	v20 =	vmul.f32 v20, v34;
	v25 =	vld.idx.msk [tilespmem:v58+s22+$0x0], $0xffff  }
0xde: {  	v22 =	vadd.f32 v22, v24;
	v0 =	vadd.f32 v2, v0;
	v2 =	vmul.f32 v40, v38;
	v24 =	vld [tilespmem:$0x11200]  }
0xdf: {  	v19 =	vmul.f32 v19, v34;
	v21 =	vadd.f32 v21, v23;
	v18 =	vmul.f32 v18, v31;
	v23 =	vld.idx.msk [tilespmem:v54+s22+$0x0], $0xffff  }
0xe0: {  	v0 =	vadd.f32 v2, v0;
	v2 =	vadd.f32 v20, v22;
	v20 =	vmul.f32 v32, v34;
	v22 =	vld [tilespmem:$0x12100]  }
0xe1: {  	v17 =	vmul.f32 v17, v31;
	v19 =	vadd.f32 v19, v21;
	v16 =	vmul.f32 v16, v28;
	v21 =	vld.idx.msk [tilespmem:v41+s22+$0x0], $0xffff  }
0xe2: {  	v2 =	vadd.f32 v18, v2;
	v0 =	vadd.f32 v20, v0;
	v18 =	vmul.f32 v27, v31;
	v20 =	vld [tilespmem:$0x11380]  }
0xe3: {  	v15 =	vmul.f32 v15, v28;
	v17 =	vadd.f32 v17, v19;
	v14 =	vmul.f32 v14, v25;
	v19 =	vld.idx.msk [tilespmem:v39+s22+$0x0], $0xffff  }
0xe4: {  	v0 =	vadd.f32 v18, v0;
	v2 =	vadd.f32 v16, v2;
	v16 =	vmul.f32 v24, v28;
	v18 =	vld [tilespmem:$0x12280]  }
0xe5: {  	v13 =	vmul.f32 v13, v25;
	v15 =	vadd.f32 v15, v17;
	v12 =	vmul.f32 v12, v23;
	v17 =	vld.idx.msk [tilespmem:v37+s22+$0x0], $0xffff  }
0xe6: {  	v2 =	vadd.f32 v14, v2;
	v0 =	vadd.f32 v16, v0;
	v14 =	vmul.f32 v22, v25;
	v16 =	vld [tilespmem:$0x11500]  }
0xe7: {  	v11 =	vmul.f32 v11, v23;
	v13 =	vadd.f32 v13, v15;
	v10 =	vmul.f32 v10, v21;
	v15 =	vld.idx.msk [tilespmem:v35+s22+$0x0], $0xffff  }
0xe8: {  	v0 =	vadd.f32 v14, v0;
	v2 =	vadd.f32 v12, v2;
	v12 =	vmul.f32 v20, v23;
	v14 =	vld [tilespmem:$0x12400]  }
0xe9: {  	v9 =	vmul.f32 v9, v21;
	v11 =	vadd.f32 v11, v13;
	v8 =	vmul.f32 v8, v19;
	v13 =	vld.idx.msk [tilespmem:v33+s22+$0x0], $0xffff  }
0xea: {  	v2 =	vadd.f32 v10, v2;
	v0 =	vadd.f32 v12, v0;
	v10 =	vmul.f32 v18, v21;
	v12 =	vld [tilespmem:$0x11600]  }
0xeb: {  	v7 =	vmul.f32 v7, v19;
	v9 =	vadd.f32 v9, v11;
	v6 =	vmul.f32 v6, v17;
	v11 =	vld [tilespmem:$0x11680]  }
0xec: {  	v0 =	vadd.f32 v10, v0;
	v2 =	vadd.f32 v8, v2;
	v8 =	vmul.f32 v16, v19;
	v10 =	vld [tilespmem:$0x12500]  }
0xed: {  	v5 =	vmul.f32 v5, v17;
	v7 =	vadd.f32 v7, v9;
	v9 =	vmul.f32 v3, v15;
	v16 =	vld [tilespmem:$0x12580]  }
0xee: {  	v2 =	vadd.f32 v6, v2;
	v0 =	vadd.f32 v8, v0;
	v8 =	vmul.f32 v14, v17;
	v18 =	vld [tilespmem:$0x12480]  }
0xef: {  	v7 =	vadd.f32 v5, v7;
	v4 =	vmul.f32 v4, v13;
	v3 =	vld [tilespmem:$0x11580];
	v12 =	vmul.f32 v12, v15  }
0xf0: {  	v0 =	vadd.f32 v8, v0;
	v2 =	vadd.f32 v9, v2;
	v6 =	vld [tilespmem:$0x12300];
	v9 =	vmul.f32 v11, v15  }
0xf1: {  	v14 =	vadd.s32 $0x2, v26;
	v5 =	vld [tilespmem:$0x12380];
	v11 =	vadd.f32 v12, v7;
	v10 =	vmul.f32 v10, v13  }
0xf2: {  	v2 =	vadd.f32 v4, v2;
	v8 =	vld [tilespmem:$0x11400];
	v0 =	vadd.f32 v9, v0;
	v9 =	vmul.f32 v16, v13  }
0xf3: {  	v7 =	vld [tilespmem:$0x11480];
	v11 =	vadd.f32 v10, v11;
	v4 =	vmov v18  }
0xf4: {  	v10 =	vld [tilespmem:$0x12180];
	v0 =	vadd.f32 v9, v0;
	[tilespmem:v26+s23+$0x0] =	vst.idx.msk $0xffff, v2  }
0xf5: {  	v9 =	vld [tilespmem:$0x12200];
	[tilespmem:v30+s23+$0x0] =	vst.idx.msk $0xffff, v11  }
0xf6: {  	v12 =	vld [tilespmem:$0x11280];
	[tilespmem:v14+s23+$0x0] =	vst.idx.msk $0xffff, v0  }
0xf7: {  	v11 =	vld [tilespmem:$0x11300]  }
0xf8: {  	v14 =	vld [tilespmem:$0x12000]  }
0xf9: {  	v13 =	vld [tilespmem:$0x12080]  }
0xfa: {  	v16 =	vld [tilespmem:$0x11100]  }
0xfb: {  	v15 =	vld [tilespmem:$0x11180]  }
0xfc: {  	v18 =	vld [tilespmem:$0x11E80]  }
0xfd: {  	v17 =	vld [tilespmem:$0x11F00]  }
0xfe: {  	v20 =	vld [tilespmem:$0x10F80]  }
0xff: {  	v19 =	vld [tilespmem:$0x11000]  }
0x100: {  	v22 =	vld [tilespmem:$0x11D00]  }
0x101: {  	v21 =	vld [tilespmem:$0x11D80]  }
0x102: {  	v24 =	vld [tilespmem:$0x10E00]  }
0x103: {  	v23 =	vld [tilespmem:$0x10E80]  }
0x104: {  	v27 =	vld [tilespmem:$0x11B80]  }
0x105: {  	v25 =	vld [tilespmem:$0x11C00]  }
0x106: {  	v29 =	vld [tilespmem:$0x10C80]  }
0x107: {  	v28 =	vld [tilespmem:$0x10D00]  }
0x108: {  	v32 =	vld [tilespmem:$0x11A00]  }
0x109: {  	v31 =	vld [tilespmem:$0x11A80]  }
0x10a: {  	v36 =	vld [tilespmem:$0x10B00]  }
0x10b: {  	v34 =	vld [tilespmem:$0x10B80]  }
.Ltmp2:
0x10c: {  	v40 =	vld [tilespmem:$0x11880];
	(pc) =	sbr.rel @p1 .LBB2_7-.Ltmp2, $4  }
0x10d: {  	v0 =	vlaneseq.u32;
	v38 =	vld [tilespmem:$0x11900]  }
0x10e: {  	v26 =	vor.u32 s30, v0;
	v43 =	vld [tilespmem:$0x10980]  }
0x10f: {  	v30 =	vshll.u32 v26, $0x5;
	v42 =	vld [tilespmem:$0x10A00]  }
0x110: {  	s30 =	sadd.s32 $0x10, s30;
	v44 =	vld [tilespmem:$0x11700]  }
0x111: {  	_ = 	snop  }
0x112: {  	v2 =	vld [tilespmem:$0x11780]  }
0x113: {  	v0 =	vor.u32 $0x10, v30;
	v37 =	vld [tilespmem:$0x10800]  }
0x114: {  	v39 =	vor.u32 $0x1, v30;
	v41 =	vld [tilespmem:$0x10880]  }
0x115: {  	v45 =	vld.idx.msk [tilespmem:v30+s22+$0x0], $0xffff  }
0x116: {  	v46 =	vor.u32 $0x11, v30;
	v47 =	vld [tilespmem:$0x10900];
	v33 =	vor.u32 $0x19, v30;
	v26 =	vmul.u32 $0x3, v26  }
0x117: {  	v48 =	vor.u32 $0x2, v30;
	v49 =	vor.u32 $0x18, v30;
	v35 =	vor.u32 $0x9, v30;
	v53 =	vld [tilespmem:$0x11800]  }
0x118: {  	v50 =	vor.u32 $0x7, v30;
	v51 =	vor.u32 $0x17, v30;
	v52 =	vor.u32 $0x8, v30;
	v0 =	vld.idx.msk [tilespmem:v0+s22+$0x0], $0xffff  }
0x119: {  	v54 =	vor.u32 $0x12, v30;
	v55 =	vor.u32 $0x6, v30;
	v56 =	vor.u32 $0x16, v30;
	v39 =	vld.idx.msk [tilespmem:v39+s22+$0x0], $0xffff  }
0x11a: {  	v57 =	vor.u32 $0x14, v30;
	v58 =	vor.u32 $0x5, v30;
	v60 =	vld [tilespmem:$0x10A80];
	v61 =	vor.u32 $0x3, v30  }
0x11b: {  	v59 =	vor.u32 $0x15, v30;
	v62 =	vor.u32 $0x4, v30;
	v46 =	vld.idx.msk [tilespmem:v46+s22+$0x0], $0xffff;
	v37 =	vmul.f32 v37, v45  }
0x11c: {  	v63 =	vor.u32 $0x13, v30;
	v41 =	vmul.f32 v41, v45;
	v48 =	vld.idx.msk [tilespmem:v48+s22+$0x0], $0xffff;
	v45 =	vmul.f32 v47, v45  }
0x11d: {  	v47 =	vld [tilespmem:$0x11980];
	v37 =	vadd.f32 $0.0e+00, v37;
	v44 =	vmul.f32 v44, v0;
	v2 =	vmul.f32 v2, v0  }
0x11e: {  	v54 =	vld.idx.msk [tilespmem:v54+s22+$0x0], $0xffff;
	v41 =	vadd.f32 $0.0e+00, v41;
	v43 =	vmul.f32 v43, v39;
	v0 =	vmul.f32 v53, v0  }
0x11f: {  	v53 =	vmul.f32 v42, v39;
	v42 =	vld.idx.msk [tilespmem:v61+s22+$0x0], $0xffff;
	v37 =	vadd.f32 v44, v37;
	v44 =	vadd.f32 $0.0e+00, v45  }
0x120: {  	v30 =	vadd.s32 $0x1, v26;
	v40 =	vmul.f32 v40, v46;
	v45 =	vld [tilespmem:$0x10C00];
	v2 =	vadd.f32 v2, v41  }
0x121: {  	v39 =	vmul.f32 v60, v39;
	v60 =	vld [tilespmem:$0x10D80];
	v0 =	vadd.f32 v0, v44;
	v37 =	vadd.f32 v43, v37  }
0x122: {  	v38 =	vmul.f32 v38, v46;
	v36 =	vmul.f32 v36, v48;
	v43 =	vld [tilespmem:$0x11B00];
	v2 =	vadd.f32 v53, v2  }
0x123: {  	v41 =	vld.idx.msk [tilespmem:v63+s22+$0x0], $0xffff;
	v53 =	vmul.f32 v47, v46;
	v37 =	vadd.f32 v40, v37;
	v0 =	vadd.f32 v39, v0  }
0x124: {  	v32 =	vmul.f32 v32, v54;
	v34 =	vmul.f32 v34, v48;
	v61 =	vld.idx.msk [tilespmem:v62+s22+$0x0], $0xffff;
	v2 =	vadd.f32 v38, v2  }
0x125: {  	v63 =	vld [tilespmem:$0x11C80];
	v62 =	vmul.f32 v45, v48;
	v0 =	vadd.f32 v53, v0;
	v36 =	vadd.f32 v36, v37  }
0x126: {  	v31 =	vmul.f32 v31, v54;
	v44 =	vld.idx.msk [tilespmem:v57+s22+$0x0], $0xffff;
	v29 =	vmul.f32 v29, v42;
	v2 =	vadd.f32 v34, v2  }
0x127: {  	v46 =	vld [tilespmem:$0x10F00];
	v45 =	vmul.f32 v43, v54;
	v32 =	vadd.f32 v32, v36;
	v0 =	vadd.f32 v62, v0  }
0x128: {  	v47 =	vld.idx.msk [tilespmem:v58+s22+$0x0], $0xffff;
	v28 =	vmul.f32 v28, v42;
	v27 =	vmul.f32 v27, v41;
	v2 =	vadd.f32 v31, v2  }
0x129: {  	v58 =	vld [tilespmem:$0x11080];
	v48 =	vmul.f32 v60, v42;
	v0 =	vadd.f32 v45, v0;
	v29 =	vadd.f32 v29, v32  }
0x12a: {  	v24 =	vmul.f32 v24, v61;
	v25 =	vmul.f32 v25, v41;
	v53 =	vld [tilespmem:$0x11E00];
	v2 =	vadd.f32 v28, v2  }
0x12b: {  	v38 =	vld [tilespmem:$0x12100];
	v57 =	vmul.f32 v63, v41;
	v27 =	vadd.f32 v27, v29;
	v0 =	vadd.f32 v48, v0  }
0x12c: {  	v23 =	vmul.f32 v23, v61;
	v54 =	vld.idx.msk [tilespmem:v59+s22+$0x0], $0xffff;
	v22 =	vmul.f32 v22, v44;
	v2 =	vadd.f32 v25, v2  }
0x12d: {  	v59 =	vld.idx.msk [tilespmem:v55+s22+$0x0], $0xffff;
	v60 =	vmul.f32 v46, v61;
	v0 =	vadd.f32 v57, v0;
	v24 =	vadd.f32 v24, v27  }
0x12e: {  	v61 =	vld [tilespmem:$0x11F80];
	v21 =	vmul.f32 v21, v44;
	v20 =	vmul.f32 v20, v47;
	v2 =	vadd.f32 v23, v2  }
0x12f: {  	v34 =	vld [tilespmem:$0x11200];
	v63 =	vmul.f32 v53, v44;
	v22 =	vadd.f32 v22, v24;
	v0 =	vadd.f32 v60, v0  }
0x130: {  	v19 =	vmul.f32 v19, v47;
	v37 =	vmul.f32 v58, v47;
	v62 =	vld.idx.msk [tilespmem:v56+s22+$0x0], $0xffff;
	v2 =	vadd.f32 v21, v2  }
0x131: {  	v36 =	vld.idx.msk [tilespmem:v50+s22+$0x0], $0xffff;
	v18 =	vmul.f32 v18, v54;
	v0 =	vadd.f32 v63, v0;
	v20 =	vadd.f32 v20, v22  }
0x132: {  	v39 =	vld.idx.msk [tilespmem:v51+s22+$0x0], $0xffff;
	v17 =	vmul.f32 v17, v54;
	v16 =	vmul.f32 v16, v59;
	v2 =	vadd.f32 v19, v2  }
0x133: {  	v51 =	vld.idx.msk [tilespmem:v33+s22+$0x0], $0xffff;
	v40 =	vmul.f32 v61, v54;
	v18 =	vadd.f32 v18, v20;
	v0 =	vadd.f32 v37, v0  }
0x134: {  	v41 =	vld [tilespmem:$0x11380];
	v15 =	vmul.f32 v15, v59;
	v43 =	vmul.f32 v34, v59;
	v2 =	vadd.f32 v17, v2  }
0x135: {  	v42 =	vld.idx.msk [tilespmem:v52+s22+$0x0], $0xffff;
	v14 =	vmul.f32 v14, v62;
	v0 =	vadd.f32 v40, v0;
	v16 =	vadd.f32 v16, v18  }
0x136: {  	v44 =	vld [tilespmem:$0x12280];
	v13 =	vmul.f32 v13, v62;
	v12 =	vmul.f32 v12, v36;
	v2 =	vadd.f32 v15, v2  }
0x137: {  	v47 =	vld [tilespmem:$0x11500];
	v46 =	vmul.f32 v38, v62;
	v14 =	vadd.f32 v14, v16;
	v0 =	vadd.f32 v43, v0  }
0x138: {  	v10 =	vmul.f32 v10, v39;
	v45 =	vld.idx.msk [tilespmem:v49+s22+$0x0], $0xffff;
	v11 =	vmul.f32 v11, v36;
	v2 =	vadd.f32 v13, v2  }
0x139: {  	v50 =	vld [tilespmem:$0x12400];
	v49 =	vmul.f32 v41, v36;
	v0 =	vadd.f32 v46, v0;
	v12 =	vadd.f32 v12, v14  }
0x13a: {  	v9 =	vmul.f32 v9, v39;
	v8 =	vmul.f32 v8, v42;
	v48 =	vld.idx.msk [tilespmem:v35+s22+$0x0], $0xffff;
	v2 =	vadd.f32 v11, v2  }
0x13b: {  	v53 =	vld [tilespmem:$0x11600];
	v52 =	vmul.f32 v44, v39;
	v10 =	vadd.f32 v10, v12;
	v0 =	vadd.f32 v49, v0  }
0x13c: {  	v7 =	vmul.f32 v7, v42;
	v54 =	vld [tilespmem:$0x11680];
	v55 =	vmul.f32 v47, v42;
	v2 =	vadd.f32 v9, v2  }
0x13d: {  	v56 =	vld [tilespmem:$0x12500];
	v6 =	vmul.f32 v6, v45;
	v0 =	vadd.f32 v52, v0;
	v8 =	vadd.f32 v8, v10  }
0x13e: {  	v57 =	vld [tilespmem:$0x12580];
	v5 =	vmul.f32 v5, v45;
	v58 =	vmul.f32 v50, v45;
	v2 =	vadd.f32 v7, v2  }
0x13f: {  	v3 =	vmul.f32 v3, v48;
	v6 =	vadd.f32 v6, v8;
	v0 =	vadd.f32 v55, v0  }
0x140: {  	v4 =	vmul.f32 v4, v51;
	v59 =	vmul.f32 v53, v48;
	v2 =	vadd.f32 v5, v2  }
0x141: {  	v60 =	vmul.f32 v54, v48;
	v0 =	vadd.f32 v58, v0;
	v3 =	vadd.f32 v3, v6  }
0x142: {  	v61 =	vmul.f32 v56, v51;
	v62 =	vadd.s32 $0x2, v26;
	v2 =	vadd.f32 v59, v2  }
0x143: {  	s0 =	sadd.s32 s6, s29;
	v63 =	vmul.f32 v57, v51;
	v3 =	vadd.f32 v4, v3;
	v0 =	vadd.f32 v60, v0  }
0x144: {  	s0 =	smul.u32 $0x3, s0;
	v2 =	vadd.f32 v61, v2  }
0x145: {  	v0 =	vadd.f32 v63, v0;
	[tilespmem:v26+s23+$0x0] =	vst.idx.msk $0xffff, v3  }
0x146: {  	s0 =	sshrl.u32 s0, $0x3;
	[tilespmem:v30+s23+$0x0] =	vst.idx.msk $0xffff, v2  }
0x147: {  	s0 =	sadd.s32 s1, s0;
	[tilespmem:v62+s23+$0x0] =	vst.idx.msk $0xffff, v0  }
0x148: {  	[hbm4b:s0+s3] =	stream.linear.scatter [tilespmem:s23], [sflag:$0x5], $0xC0, $0x38;
	[tilespmem:$0x12900] =	vst v63  }
0x149: {  	_ =	swait.ge [sflag:s16], $0xC0  }
0x14a: {  	[sflag:s16] =	ssyncset.done $0x0  }
0x14b: {  	[sflag:s16] =	ssyncadd.s32 $0xFFFFFF40  }
0x14c: {  	_ =	swait.ge [sflag:s24], $0x4000  }
0x14d: {  	[sflag:s24] =	ssyncset.done $0x0  }
0x14e: {  	[sflag:s24] =	ssyncadd.s32 $0xFFFFC000  }
0x14f: {  	_ =	swait.ge [sflag:s25], $0x4000  }
0x150: {  	[sflag:s25] =	ssyncset.done $0x0  }
0x151: {  	v0 =	vimm.f32 $0.0e+00;
	s0 =	simm.s32 $0x10040;
	[sflag:s25] =	ssyncadd.s32 $0xFFFFC000  }
0x152: {  	[tilespmem:s0+$0xFFFFFFC0] =	vst v0  }
0x153: {  	[tilespmem:s0+$0x30] =	vst v0  }
0x154: {  	[tilespmem:s0+$0x20] =	vst v0  }
0x155: {  	[tilespmem:s0+$0x10] =	vst v0  }
0x156: {  	[tilespmem:s0+$0x0] =	vst v0  }
0x157: {  	[tilespmem:s0+$0xFFFFFFF0] =	vst v0  }
0x158: {  	s2 =	simm.s32 $0x0;
	[tilespmem:s0+$0xFFFFFFE0] =	vst v0  }
.LBB2_9:
0x159: {  	s2 =	sadd.s32 $0x8, s2;
	[tilespmem:s0+$0xFFFFFFD0] =	vst v0;
	s0 =	sadd.s32 $0x80, s0  }
0x15a: {  	[tilespmem:s0+$0xFFFFFFC0] =	vst v0;
	p1 =	slt.u32 s2, $0x78  }
0x15b: {  	[tilespmem:s0+$0x30] =	vst v0  }
.Ltmp3:
0x15c: {  	[tilespmem:s0+$0x20] =	vst v0;
	(pc) =	sbr.rel @p1 .LBB2_9-.Ltmp3, $4  }
0x15d: {  	[tilespmem:s0+$0x10] =	vst v0  }
0x15e: {  	[tilespmem:s0+$0x0] =	vst v0  }
0x15f: {  	[tilespmem:s0+$0xFFFFFFF0] =	vst v0  }
0x160: {  	[tilespmem:s0+$0xFFFFFFE0] =	vst v0  }
0x161: {  	s30 =	simm.s32 $0x0  }
0x162: {  	s2 =	sand.u32 $0x3800, s30;
	s15 =	sand.u32 $0x380, s30  }
0x163: {  	[tilespmem:s0+$0xFFFFFFD0] =	vst v0;
	s31 =	sor.u32 s15, s2  }
0x164: {  	v0 =	vld [tilespmem:s31+$0x8000]  }
0x165: {  	v2 =	vld [tilespmem:s31+$0xC000]  }
0x166: {  	v4 =	vld [tilespmem:s31+$0x8010]  }
0x167: {  	v5 =	vld [tilespmem:s31+$0xC010]  }
0x168: {  	v3 =	vmov s30;
	v6 =	vld [tilespmem:s31+$0x8020]  }
0x169: {  	v3 =	vor.u32 $0x10, v3;
	v7 =	vld [tilespmem:s31+$0xC020];
	v0 =	vadd.s32 s30, v0  }
0x16a: {  	v8 =	vld [tilespmem:s31+$0x8030];
	v2 =	vadd.s32 v3, v2  }
0x16b: {  	v9 =	vld [tilespmem:s31+$0xC030];
	v4 =	vadd.s32 s30, v4  }
0x16c: {  	v5 =	vadd.s32 v3, v5  }
0x16d: {  	v6 =	vadd.s32 s30, v6  }
0x16e: {  	v7 =	vadd.s32 v3, v7;
	[tilespmem:v0+s22+$0x0] =	vst.idx.add.f32.msk $0xffff, v1  }
0x16f: {  	v0 =	vadd.s32 s30, v8;
	[tilespmem:v2+s22+$0x0] =	vst.idx.add.f32.msk $0xffff, v1  }
0x170: {  	v2 =	vadd.s32 v3, v9;
	[tilespmem:v4+s22+$0x0] =	vst.idx.add.f32.msk $0xffff, v1  }
0x171: {  	[tilespmem:v5+s22+$0x0] =	vst.idx.add.f32.msk $0xffff, v1  }
0x172: {  	[tilespmem:v6+s22+$0x0] =	vst.idx.add.f32.msk $0xffff, v1  }
0x173: {  	[tilespmem:v7+s22+$0x0] =	vst.idx.add.f32.msk $0xffff, v1  }
0x174: {  	[tilespmem:v0+s22+$0x0] =	vst.idx.add.f32.msk $0xffff, v1  }
0x175: {  	[tilespmem:v2+s22+$0x0] =	vst.idx.add.f32.msk $0xffff, v1  }
0x176: {  	v0 =	vld [tilespmem:s31+$0x8040]  }
0x177: {  	v2 =	vld [tilespmem:s31+$0xC040]  }
0x178: {  	v4 =	vld [tilespmem:s31+$0x8050]  }
0x179: {  	v5 =	vld [tilespmem:s31+$0xC050]  }
0x17a: {  	v6 =	vld [tilespmem:s31+$0x8060]  }
0x17b: {  	v7 =	vld [tilespmem:s31+$0xC060];
	v0 =	vadd.s32 s30, v0  }
0x17c: {  	v8 =	vld [tilespmem:s31+$0x8070];
	v2 =	vadd.s32 v3, v2  }
0x17d: {  	v9 =	vld [tilespmem:s31+$0xC070];
	v4 =	vadd.s32 s30, v4  }
0x17e: {  	v5 =	vadd.s32 v3, v5  }
0x17f: {  	v6 =	vadd.s32 s30, v6  }
0x180: {  	v7 =	vadd.s32 v3, v7;
	[tilespmem:v0+s22+$0x0] =	vst.idx.add.f32.msk $0xffff, v1  }
0x181: {  	v0 =	vadd.s32 s30, v8;
	[tilespmem:v2+s22+$0x0] =	vst.idx.add.f32.msk $0xffff, v1  }
0x182: {  	v2 =	vadd.s32 v3, v9;
	[tilespmem:v4+s22+$0x0] =	vst.idx.add.f32.msk $0xffff, v1  }
0x183: {  	[tilespmem:v5+s22+$0x0] =	vst.idx.add.f32.msk $0xffff, v1  }
0x184: {  	[tilespmem:v6+s22+$0x0] =	vst.idx.add.f32.msk $0xffff, v1  }
0x185: {  	[tilespmem:v7+s22+$0x0] =	vst.idx.add.f32.msk $0xffff, v1  }
0x186: {  	[tilespmem:v0+s22+$0x0] =	vst.idx.add.f32.msk $0xffff, v1  }
0x187: {  	[tilespmem:v2+s22+$0x0] =	vst.idx.add.f32.msk $0xffff, v1  }
0x188: {  	v6 =	vld [tilespmem:s31+$0x8400]  }
0x189: {  	v4 =	vld [tilespmem:s31+$0x8430]  }
0x18a: {  	v7 =	vld [tilespmem:s31+$0xC430]  }
0x18b: {  	v8 =	vld [tilespmem:s31+$0xC400]  }
0x18c: {  	v5 =	vld [tilespmem:s31+$0x8410]  }
0x18d: {  	s0 =	simm.s32 $0x80;
	s15 =	simm.s32 $0x20;
	s2 =	simm.s32 $0x100;
	v9 =	vld [tilespmem:s31+$0xC410]  }
.LBB2_11:
0x18e: {  	s19 =	sand.u32 $0x3800, s2  }
0x18f: {  	s7 =	sand.u32 $0x380, s0;
	v0 =	vld [tilespmem:s31+$0x8420];
	s17 =	smov.u32 s15;
	s18 =	sadd.s32 $0x20, s15  }
0x190: {  	p1 =	sne.s32 s15, $0x7E0;
	v2 =	vld [tilespmem:s31+$0xC420];
	s31 =	sor.u32 s7, s19;
	v7 =	vadd.s32 v3, v7  }
0x191: {  	v10 =	vld [tilespmem:s31+$0x8000];
	v8 =	vadd.s32 v3, v8  }
0x192: {  	v11 =	vld [tilespmem:s31+$0xC000]  }
0x193: {  	v12 =	vld [tilespmem:s31+$0x8010];
	v9 =	vadd.s32 v3, v9  }
0x194: {  	v6 =	vadd.s32 s30, v6;
	v13 =	vld [tilespmem:s31+$0xC010]  }
0x195: {  	v14 =	vmov s17;
	v15 =	vld [tilespmem:s31+$0x8020];
	v2 =	vadd.s32 v3, v2  }
0x196: {  	v3 =	vor.u32 $0x10, v14;
	v10 =	vadd.s32 s17, v10;
	v14 =	vld [tilespmem:s31+$0xC020]  }
0x197: {  	v11 =	vadd.s32 v3, v11;
	v16 =	vld [tilespmem:s31+$0x8030]  }
0x198: {  	v12 =	vadd.s32 s17, v12;
	v17 =	vld [tilespmem:s31+$0xC030]  }
0x199: {  	v13 =	vadd.s32 v3, v13;
	[tilespmem:v6+s22+$0x0] =	vst.idx.add.f32.msk $0xffff, v1  }
0x19a: {  	v6 =	vadd.s32 s17, v15;
	[tilespmem:v8+s22+$0x0] =	vst.idx.add.f32.msk $0xffff, v1  }
0x19b: {  	v8 =	vadd.s32 v3, v14;
	[tilespmem:v10+s22+$0x0] =	vst.idx.add.f32.msk $0xffff, v1  }
0x19c: {  	v10 =	vadd.s32 s17, v16;
	[tilespmem:v11+s22+$0x0] =	vst.idx.add.f32.msk $0xffff, v1  }
0x19d: {  	v11 =	vadd.s32 v3, v17;
	[tilespmem:v12+s22+$0x0] =	vst.idx.add.f32.msk $0xffff, v1  }
0x19e: {  	[tilespmem:v13+s22+$0x0] =	vst.idx.add.f32.msk $0xffff, v1  }
0x19f: {  	[tilespmem:v6+s22+$0x0] =	vst.idx.add.f32.msk $0xffff, v1  }
0x1a0: {  	[tilespmem:v8+s22+$0x0] =	vst.idx.add.f32.msk $0xffff, v1  }
0x1a1: {  	[tilespmem:v10+s22+$0x0] =	vst.idx.add.f32.msk $0xffff, v1  }
0x1a2: {  	[tilespmem:v11+s22+$0x0] =	vst.idx.add.f32.msk $0xffff, v1  }
0x1a3: {  	v6 =	vld [tilespmem:s31+$0xC050]  }
0x1a4: {  	v8 =	vld [tilespmem:s31+$0xC070]  }
0x1a5: {  	v10 =	vld [tilespmem:s31+$0xC040]  }
0x1a6: {  	v5 =	vadd.s32 s30, v5;
	v11 =	vld [tilespmem:s31+$0xC060]  }
0x1a7: {  	v12 =	vld [tilespmem:s31+$0x8040]  }
0x1a8: {  	v0 =	vadd.s32 s30, v0;
	v13 =	vld [tilespmem:s31+$0x8050]  }
0x1a9: {  	v14 =	vld [tilespmem:s31+$0x8070]  }
0x1aa: {  	v4 =	vadd.s32 s30, v4;
	s30 =	smov.u32 s17;
	v8 =	vadd.s32 v3, v8;
	v10 =	vadd.s32 v3, v10;
	v15 =	vld [tilespmem:s31+$0x8060]  }
0x1ab: {  	v6 =	vadd.s32 v3, v6;
	v11 =	vadd.s32 v3, v11;
	[tilespmem:v5+s22+$0x0] =	vst.idx.add.f32.msk $0xffff, v1  }
0x1ac: {  	v5 =	vadd.s32 s30, v12;
	[tilespmem:v9+s22+$0x0] =	vst.idx.add.f32.msk $0xffff, v1  }
0x1ad: {  	[tilespmem:v0+s22+$0x0] =	vst.idx.add.f32.msk $0xffff, v1  }
0x1ae: {  	v0 =	vadd.s32 s30, v13;
	[tilespmem:v2+s22+$0x0] =	vst.idx.add.f32.msk $0xffff, v1  }
0x1af: {  	[tilespmem:v4+s22+$0x0] =	vst.idx.add.f32.msk $0xffff, v1  }
0x1b0: {  	v2 =	vadd.s32 s30, v15;
	[tilespmem:v7+s22+$0x0] =	vst.idx.add.f32.msk $0xffff, v1  }
0x1b1: {  	[tilespmem:v5+s22+$0x0] =	vst.idx.add.f32.msk $0xffff, v1  }
0x1b2: {  	v4 =	vadd.s32 s30, v14;
	[tilespmem:v10+s22+$0x0] =	vst.idx.add.f32.msk $0xffff, v1  }
0x1b3: {  	[tilespmem:v0+s22+$0x0] =	vst.idx.add.f32.msk $0xffff, v1  }
0x1b4: {  	[tilespmem:v6+s22+$0x0] =	vst.idx.add.f32.msk $0xffff, v1  }
0x1b5: {  	[tilespmem:v2+s22+$0x0] =	vst.idx.add.f32.msk $0xffff, v1  }
0x1b6: {  	[tilespmem:v11+s22+$0x0] =	vst.idx.add.f32.msk $0xffff, v1  }
0x1b7: {  	[tilespmem:v4+s22+$0x0] =	vst.idx.add.f32.msk $0xffff, v1  }
0x1b8: {  	[tilespmem:v8+s22+$0x0] =	vst.idx.add.f32.msk $0xffff, v1  }
0x1b9: {  	v6 =	vld [tilespmem:s31+$0x8400]  }
.Ltmp4:
0x1ba: {  	v4 =	vld [tilespmem:s31+$0x8430];
	(pc) =	sbr.rel @p1 .LBB2_11-.Ltmp4, $4  }
0x1bb: {  	v7 =	vld [tilespmem:s31+$0xC430]  }
0x1bc: {  	v8 =	vld [tilespmem:s31+$0xC400]  }
0x1bd: {  	v5 =	vld [tilespmem:s31+$0x8410]  }
0x1be: {  	s0 =	sadd.s32 $0x80, s0;
	s2 =	sadd.s32 $0x100, s2;
	s15 =	smov.u32 s18;
	v9 =	vld [tilespmem:s31+$0xC410]  }
0x1bf: {  	v0 =	vld [tilespmem:s31+$0x8420]  }
0x1c0: {  	v2 =	vld [tilespmem:s31+$0xC420];
	v6 =	vadd.s32 s30, v6  }
0x1c1: {  	v8 =	vadd.s32 v3, v8  }
0x1c2: {  	v5 =	vadd.s32 s30, v5  }
0x1c3: {  	v9 =	vadd.s32 v3, v9  }
0x1c4: {  	v0 =	vadd.s32 s30, v0  }
0x1c5: {  	v2 =	vadd.s32 v3, v2;
	[tilespmem:v6+s22+$0x0] =	vst.idx.add.f32.msk $0xffff, v1  }
0x1c6: {  	v4 =	vadd.s32 s30, v4;
	[tilespmem:v8+s22+$0x0] =	vst.idx.add.f32.msk $0xffff, v1  }
0x1c7: {  	v3 =	vadd.s32 v3, v7;
	[tilespmem:v5+s22+$0x0] =	vst.idx.add.f32.msk $0xffff, v1  }
0x1c8: {  	[tilespmem:v9+s22+$0x0] =	vst.idx.add.f32.msk $0xffff, v1  }
0x1c9: {  	[tilespmem:v0+s22+$0x0] =	vst.idx.add.f32.msk $0xffff, v1  }
0x1ca: {  	s0 =	sadd.s32 @!p0 s29, s13;
	[tilespmem:v2+s22+$0x0] =	vst.idx.add.f32.msk $0xffff, v1  }
0x1cb: {  	s0 =	sshll.u32 @!p0 s0, $0x5;
	[tilespmem:v4+s22+$0x0] =	vst.idx.add.f32.msk $0xffff, v1  }
0x1cc: {  	s7 =	simm.s32 @!p0 $0x0;
	s15 =	simm.s32 @!p0 $0x8000;
	s2 =	sadd.s32 @!p0 s4, s0;
	[tilespmem:v3+s22+$0x0] =	vst.idx.add.f32.msk $0xffff, v1  }
0x1cd: {  	[tilespmem:s15], [sflag:$0x3] =	stream.linear.gather @!p0 [hbm4b:s2+s7], $0x4000, $0x38;
	[tilespmem:$0x12900] =	vst v63  }
0x1ce: {  	s0 =	sadd.s32 @!p0 s5, s0;
	s2 =	simm.s32 @!p0 $0xC000  }
0x1cf: {  	[tilespmem:s2], [sflag:$0x4] =	stream.linear.gather @!p0 [hbm4b:s0+s7], $0x4000, $0x38;
	[tilespmem:$0x12900] =	vst v63  }
0x1d0: {  	v4 =	vld [tilespmem:$0x12480]  }
0x1d1: {  	v3 =	vld [tilespmem:$0x11580]  }
0x1d2: {  	v6 =	vld [tilespmem:$0x12300]  }
0x1d3: {  	v5 =	vld [tilespmem:$0x12380]  }
0x1d4: {  	v8 =	vld [tilespmem:$0x11400]  }
0x1d5: {  	v7 =	vld [tilespmem:$0x11480]  }
0x1d6: {  	v10 =	vld [tilespmem:$0x12180]  }
0x1d7: {  	v9 =	vld [tilespmem:$0x12200]  }
0x1d8: {  	v12 =	vld [tilespmem:$0x11280]  }
0x1d9: {  	v11 =	vld [tilespmem:$0x11300]  }
0x1da: {  	v14 =	vld [tilespmem:$0x12000]  }
0x1db: {  	v13 =	vld [tilespmem:$0x12080]  }
0x1dc: {  	v16 =	vld [tilespmem:$0x11100]  }
0x1dd: {  	v15 =	vld [tilespmem:$0x11180]  }
0x1de: {  	v18 =	vld [tilespmem:$0x11E80]  }
0x1df: {  	v17 =	vld [tilespmem:$0x11F00]  }
0x1e0: {  	v20 =	vld [tilespmem:$0x10F80]  }
0x1e1: {  	v19 =	vld [tilespmem:$0x11000]  }
0x1e2: {  	v22 =	vld [tilespmem:$0x11D00]  }
0x1e3: {  	v21 =	vld [tilespmem:$0x11D80]  }
0x1e4: {  	v24 =	vld [tilespmem:$0x10E00]  }
0x1e5: {  	v23 =	vld [tilespmem:$0x10E80]  }
0x1e6: {  	v27 =	vld [tilespmem:$0x11B80]  }
0x1e7: {  	v25 =	vld [tilespmem:$0x11C00]  }
0x1e8: {  	v29 =	vld [tilespmem:$0x10C80]  }
0x1e9: {  	v28 =	vld [tilespmem:$0x10D00]  }
0x1ea: {  	v32 =	vld [tilespmem:$0x11A00]  }
0x1eb: {  	v31 =	vld [tilespmem:$0x11A80]  }
0x1ec: {  	v36 =	vld [tilespmem:$0x10B00]  }
0x1ed: {  	v34 =	vld [tilespmem:$0x10B80]  }
0x1ee: {  	v40 =	vld [tilespmem:$0x11880]  }
0x1ef: {  	v38 =	vld [tilespmem:$0x11900]  }
0x1f0: {  	s31 =	simm.s32 $0x0;
	v0 =	vlaneseq.u32;
	v43 =	vld [tilespmem:$0x10980]  }
0x1f1: {  	v26 =	vor.u32 s31, v0;
	v42 =	vld [tilespmem:$0x10A00]  }
0x1f2: {  	s29 =	sor.u32 $0x40, s29;
	s30 =	simm.s32 $0x10;
	v30 =	vshll.u32 v26, $0x5;
	v44 =	vld [tilespmem:$0x11700]  }
.LBB2_13:
0x1f3: {  	p0 =	sne.s32 s30, $0x30;
	v0 =	vor.u32 $0x10, v30;
	v2 =	vld [tilespmem:$0x11780]  }
0x1f4: {  	v39 =	vor.u32 $0x1, v30;
	v45 =	vld [tilespmem:$0x10800]  }
0x1f5: {  	v46 =	vld [tilespmem:$0x10880]  }
0x1f6: {  	v48 =	vor.u32 $0x11, v30;
	v47 =	vld.idx.msk [tilespmem:v30+s22+$0x0], $0xffff  }
0x1f7: {  	v33 =	vor.u32 $0x19, v30;
	v26 =	vmul.u32 $0x3, v26;
	v49 =	vld [tilespmem:$0x10900]  }
0x1f8: {  	v50 =	vor.u32 $0x2, v30;
	v37 =	vor.u32 $0x18, v30;
	v35 =	vor.u32 $0x9, v30;
	v0 =	vld.idx.msk [tilespmem:v0+s22+$0x0], $0xffff  }
0x1f9: {  	v52 =	vor.u32 $0x7, v30;
	v41 =	vor.u32 $0x17, v30;
	v51 =	vld.idx.msk [tilespmem:v39+s22+$0x0], $0xffff;
	v39 =	vor.u32 $0x8, v30  }
0x1fa: {  	v54 =	vor.u32 $0x12, v30;
	v55 =	vor.u32 $0x6, v30;
	v56 =	vor.u32 $0x16, v30;
	v53 =	vld [tilespmem:$0x11800]  }
0x1fb: {  	v57 =	vor.u32 $0x14, v30;
	v58 =	vor.u32 $0x5, v30;
	v59 =	vor.u32 $0x15, v30;
	v48 =	vld.idx.msk [tilespmem:v48+s22+$0x0], $0xffff  }
0x1fc: {  	v61 =	vor.u32 $0x3, v30;
	v62 =	vor.u32 $0x4, v30;
	v45 =	vmul.f32 v45, v47;
	v60 =	vld [tilespmem:$0x10A80]  }
0x1fd: {  	v63 =	vor.u32 $0x13, v30;
	v30 =	vadd.s32 $0x1, v26;
	v46 =	vmul.f32 v46, v47;
	v50 =	vld.idx.msk [tilespmem:v50+s22+$0x0], $0xffff  }
0x1fe: {  	v47 =	vmul.f32 v49, v47;
	v45 =	vadd.f32 $0.0e+00, v45;
	v44 =	vmul.f32 v44, v0;
	v49 =	vld [tilespmem:$0x11980]  }
0x1ff: {  	v46 =	vadd.f32 $0.0e+00, v46;
	v2 =	vmul.f32 v2, v0;
	v43 =	vmul.f32 v43, v51;
	v54 =	vld.idx.msk [tilespmem:v54+s22+$0x0], $0xffff  }
0x200: {  	v44 =	vadd.f32 v44, v45;
	v45 =	vadd.f32 $0.0e+00, v47;
	v0 =	vmul.f32 v53, v0;
	v47 =	vld [tilespmem:$0x10C00]  }
0x201: {  	v42 =	vmul.f32 v42, v51;
	v2 =	vadd.f32 v2, v46;
	v40 =	vmul.f32 v40, v48;
	v46 =	vld.idx.msk [tilespmem:v61+s22+$0x0], $0xffff  }
0x202: {  	v0 =	vadd.f32 v0, v45;
	v43 =	vadd.f32 v43, v44;
	v44 =	vmul.f32 v60, v51;
	v45 =	vld [tilespmem:$0x11B00]  }
0x203: {  	v38 =	vmul.f32 v38, v48;
	v2 =	vadd.f32 v42, v2;
	v36 =	vmul.f32 v36, v50;
	v42 =	vld.idx.msk [tilespmem:v63+s22+$0x0], $0xffff  }
0x204: {  	v40 =	vadd.f32 v40, v43;
	v0 =	vadd.f32 v44, v0;
	v43 =	vmul.f32 v49, v48;
	v44 =	vld [tilespmem:$0x10D80]  }
0x205: {  	v34 =	vmul.f32 v34, v50;
	v2 =	vadd.f32 v38, v2;
	v32 =	vmul.f32 v32, v54;
	v38 =	vld.idx.msk [tilespmem:v62+s22+$0x0], $0xffff  }
0x206: {  	v0 =	vadd.f32 v43, v0;
	v36 =	vadd.f32 v36, v40;
	v40 =	vmul.f32 v47, v50;
	v43 =	vld [tilespmem:$0x11C80]  }
0x207: {  	v31 =	vmul.f32 v31, v54;
	v2 =	vadd.f32 v34, v2;
	v29 =	vmul.f32 v29, v46;
	v34 =	vld.idx.msk [tilespmem:v57+s22+$0x0], $0xffff  }
0x208: {  	v32 =	vadd.f32 v32, v36;
	v0 =	vadd.f32 v40, v0;
	v36 =	vmul.f32 v45, v54;
	v40 =	vld [tilespmem:$0x10F00]  }
0x209: {  	v28 =	vmul.f32 v28, v46;
	v2 =	vadd.f32 v31, v2;
	v27 =	vmul.f32 v27, v42;
	v31 =	vld.idx.msk [tilespmem:v58+s22+$0x0], $0xffff  }
0x20a: {  	v0 =	vadd.f32 v36, v0;
	v29 =	vadd.f32 v29, v32;
	v32 =	vmul.f32 v44, v46;
	v36 =	vld [tilespmem:$0x11E00]  }
0x20b: {  	v25 =	vmul.f32 v25, v42;
	v2 =	vadd.f32 v28, v2;
	v24 =	vmul.f32 v24, v38;
	v28 =	vld.idx.msk [tilespmem:v59+s22+$0x0], $0xffff  }
0x20c: {  	v27 =	vadd.f32 v27, v29;
	v0 =	vadd.f32 v32, v0;
	v29 =	vmul.f32 v43, v42;
	v32 =	vld [tilespmem:$0x11080]  }
0x20d: {  	v23 =	vmul.f32 v23, v38;
	v2 =	vadd.f32 v25, v2;
	v22 =	vmul.f32 v22, v34;
	v25 =	vld.idx.msk [tilespmem:v55+s22+$0x0], $0xffff  }
0x20e: {  	v0 =	vadd.f32 v29, v0;
	v24 =	vadd.f32 v24, v27;
	v27 =	vmul.f32 v40, v38;
	v29 =	vld [tilespmem:$0x11F80]  }
0x20f: {  	v21 =	vmul.f32 v21, v34;
	v2 =	vadd.f32 v23, v2;
	v20 =	vmul.f32 v20, v31;
	v23 =	vld.idx.msk [tilespmem:v56+s22+$0x0], $0xffff  }
0x210: {  	v22 =	vadd.f32 v22, v24;
	v0 =	vadd.f32 v27, v0;
	v24 =	vmul.f32 v36, v34;
	v27 =	vld [tilespmem:$0x11200]  }
0x211: {  	v19 =	vmul.f32 v19, v31;
	v2 =	vadd.f32 v21, v2;
	v18 =	vmul.f32 v18, v28;
	v21 =	vld.idx.msk [tilespmem:v52+s22+$0x0], $0xffff  }
0x212: {  	v0 =	vadd.f32 v24, v0;
	v20 =	vadd.f32 v20, v22;
	v22 =	vmul.f32 v32, v31;
	v24 =	vld [tilespmem:$0x12100]  }
0x213: {  	v17 =	vmul.f32 v17, v28;
	v2 =	vadd.f32 v19, v2;
	v16 =	vmul.f32 v16, v25;
	v19 =	vld.idx.msk [tilespmem:v41+s22+$0x0], $0xffff  }
0x214: {  	v18 =	vadd.f32 v18, v20;
	v0 =	vadd.f32 v22, v0;
	v20 =	vmul.f32 v29, v28;
	v22 =	vld [tilespmem:$0x11380]  }
0x215: {  	v15 =	vmul.f32 v15, v25;
	v2 =	vadd.f32 v17, v2;
	v14 =	vmul.f32 v14, v23;
	v17 =	vld.idx.msk [tilespmem:v39+s22+$0x0], $0xffff  }
0x216: {  	v0 =	vadd.f32 v20, v0;
	v16 =	vadd.f32 v16, v18;
	v18 =	vmul.f32 v27, v25;
	v20 =	vld [tilespmem:$0x12280]  }
0x217: {  	v13 =	vmul.f32 v13, v23;
	v2 =	vadd.f32 v15, v2;
	v12 =	vmul.f32 v12, v21;
	v15 =	vld.idx.msk [tilespmem:v37+s22+$0x0], $0xffff  }
0x218: {  	v14 =	vadd.f32 v14, v16;
	v0 =	vadd.f32 v18, v0;
	v16 =	vmul.f32 v24, v23;
	v18 =	vld [tilespmem:$0x11500]  }
0x219: {  	v11 =	vmul.f32 v11, v21;
	v2 =	vadd.f32 v13, v2;
	v10 =	vmul.f32 v10, v19;
	v13 =	vld.idx.msk [tilespmem:v35+s22+$0x0], $0xffff  }
0x21a: {  	v0 =	vadd.f32 v16, v0;
	v12 =	vadd.f32 v12, v14;
	v14 =	vmul.f32 v22, v21;
	v16 =	vld [tilespmem:$0x12400]  }
0x21b: {  	v9 =	vmul.f32 v9, v19;
	v2 =	vadd.f32 v11, v2;
	v8 =	vmul.f32 v8, v17;
	v11 =	vld.idx.msk [tilespmem:v33+s22+$0x0], $0xffff  }
0x21c: {  	v10 =	vadd.f32 v10, v12;
	v0 =	vadd.f32 v14, v0;
	v12 =	vmul.f32 v20, v19;
	v14 =	vld [tilespmem:$0x11600]  }
0x21d: {  	v7 =	vmul.f32 v7, v17;
	v2 =	vadd.f32 v9, v2;
	v6 =	vmul.f32 v6, v15;
	v9 =	vld [tilespmem:$0x11680]  }
0x21e: {  	v0 =	vadd.f32 v12, v0;
	v8 =	vadd.f32 v8, v10;
	v10 =	vmul.f32 v18, v17;
	v12 =	vld [tilespmem:$0x12500]  }
0x21f: {  	v5 =	vmul.f32 v5, v15;
	v2 =	vadd.f32 v7, v2;
	v7 =	vmul.f32 v3, v13;
	v17 =	vld [tilespmem:$0x12580]  }
0x220: {  	v8 =	vadd.f32 v6, v8;
	v0 =	vadd.f32 v10, v0;
	v10 =	vmul.f32 v16, v15;
	v18 =	vld [tilespmem:$0x12480]  }
0x221: {  	v2 =	vadd.f32 v5, v2;
	v4 =	vmul.f32 v4, v11;
	v3 =	vld [tilespmem:$0x11580];
	v14 =	vmul.f32 v14, v13  }
0x222: {  	v0 =	vadd.f32 v10, v0;
	v7 =	vadd.f32 v7, v8;
	v6 =	vld [tilespmem:$0x12300];
	v9 =	vmul.f32 v9, v13  }
0x223: {  	v13 =	vadd.s32 $0x2, v26;
	v5 =	vld [tilespmem:$0x12380];
	v2 =	vadd.f32 v14, v2;
	v10 =	vmul.f32 v12, v11  }
0x224: {  	v12 =	vadd.f32 v4, v7;
	v8 =	vld [tilespmem:$0x11400];
	v0 =	vadd.f32 v9, v0;
	v9 =	vmul.f32 v17, v11  }
0x225: {  	v7 =	vld [tilespmem:$0x11480];
	v2 =	vadd.f32 v10, v2;
	v4 =	vmov v18  }
0x226: {  	v10 =	vld [tilespmem:$0x12180];
	v0 =	vadd.f32 v9, v0;
	[tilespmem:v26+s23+$0x0] =	vst.idx.msk $0xffff, v12  }
0x227: {  	v9 =	vld [tilespmem:$0x12200];
	[tilespmem:v30+s23+$0x0] =	vst.idx.msk $0xffff, v2  }
0x228: {  	v12 =	vld [tilespmem:$0x11280];
	[tilespmem:v13+s23+$0x0] =	vst.idx.msk $0xffff, v0  }
0x229: {  	v11 =	vld [tilespmem:$0x11300]  }
0x22a: {  	v14 =	vld [tilespmem:$0x12000]  }
0x22b: {  	v13 =	vld [tilespmem:$0x12080]  }
0x22c: {  	v16 =	vld [tilespmem:$0x11100]  }
0x22d: {  	v15 =	vld [tilespmem:$0x11180]  }
0x22e: {  	v18 =	vld [tilespmem:$0x11E80]  }
0x22f: {  	v17 =	vld [tilespmem:$0x11F00]  }
0x230: {  	v20 =	vld [tilespmem:$0x10F80]  }
0x231: {  	v19 =	vld [tilespmem:$0x11000]  }
0x232: {  	v22 =	vld [tilespmem:$0x11D00]  }
0x233: {  	v21 =	vld [tilespmem:$0x11D80]  }
0x234: {  	v24 =	vld [tilespmem:$0x10E00]  }
0x235: {  	v23 =	vld [tilespmem:$0x10E80]  }
0x236: {  	v27 =	vld [tilespmem:$0x11B80]  }
0x237: {  	v25 =	vld [tilespmem:$0x11C00]  }
0x238: {  	v29 =	vld [tilespmem:$0x10C80]  }
0x239: {  	v28 =	vld [tilespmem:$0x10D00]  }
0x23a: {  	v32 =	vld [tilespmem:$0x11A00]  }
0x23b: {  	v31 =	vld [tilespmem:$0x11A80]  }
0x23c: {  	v36 =	vld [tilespmem:$0x10B00]  }
0x23d: {  	v34 =	vld [tilespmem:$0x10B80]  }
.Ltmp5:
0x23e: {  	v40 =	vld [tilespmem:$0x11880];
	(pc) =	sbr.rel @p0 .LBB2_13-.Ltmp5, $4  }
0x23f: {  	v0 =	vlaneseq.u32;
	v38 =	vld [tilespmem:$0x11900]  }
0x240: {  	v26 =	vor.u32 s30, v0;
	v43 =	vld [tilespmem:$0x10980]  }
0x241: {  	v30 =	vshll.u32 v26, $0x5;
	v42 =	vld [tilespmem:$0x10A00]  }
0x242: {  	s30 =	sadd.s32 $0x10, s30;
	v44 =	vld [tilespmem:$0x11700]  }
0x243: {  	_ = 	snop  }
0x244: {  	v2 =	vld [tilespmem:$0x11780]  }
0x245: {  	v0 =	vor.u32 $0x10, v30;
	v37 =	vld [tilespmem:$0x10800]  }
0x246: {  	v39 =	vor.u32 $0x1, v30;
	v41 =	vld [tilespmem:$0x10880]  }
0x247: {  	v45 =	vld.idx.msk [tilespmem:v30+s22+$0x0], $0xffff  }
0x248: {  	v46 =	vor.u32 $0x11, v30;
	v47 =	vld [tilespmem:$0x10900];
	v33 =	vor.u32 $0x19, v30;
	v26 =	vmul.u32 $0x3, v26  }
0x249: {  	v48 =	vor.u32 $0x2, v30;
	v49 =	vor.u32 $0x18, v30;
	v35 =	vor.u32 $0x9, v30;
	v53 =	vld [tilespmem:$0x11800]  }
0x24a: {  	v50 =	vor.u32 $0x7, v30;
	v51 =	vor.u32 $0x17, v30;
	v52 =	vor.u32 $0x8, v30;
	v0 =	vld.idx.msk [tilespmem:v0+s22+$0x0], $0xffff  }
0x24b: {  	v54 =	vor.u32 $0x12, v30;
	v55 =	vor.u32 $0x6, v30;
	v56 =	vor.u32 $0x16, v30;
	v39 =	vld.idx.msk [tilespmem:v39+s22+$0x0], $0xffff  }
0x24c: {  	v57 =	vor.u32 $0x14, v30;
	v58 =	vor.u32 $0x5, v30;
	v60 =	vld [tilespmem:$0x10A80];
	v61 =	vor.u32 $0x3, v30  }
0x24d: {  	v59 =	vor.u32 $0x15, v30;
	v62 =	vor.u32 $0x4, v30;
	v46 =	vld.idx.msk [tilespmem:v46+s22+$0x0], $0xffff;
	v37 =	vmul.f32 v37, v45  }
0x24e: {  	v63 =	vor.u32 $0x13, v30;
	v41 =	vmul.f32 v41, v45;
	v48 =	vld.idx.msk [tilespmem:v48+s22+$0x0], $0xffff;
	v45 =	vmul.f32 v47, v45  }
0x24f: {  	v47 =	vld [tilespmem:$0x11980];
	v37 =	vadd.f32 $0.0e+00, v37;
	v44 =	vmul.f32 v44, v0;
	v2 =	vmul.f32 v2, v0  }
0x250: {  	v54 =	vld.idx.msk [tilespmem:v54+s22+$0x0], $0xffff;
	v41 =	vadd.f32 $0.0e+00, v41;
	v43 =	vmul.f32 v43, v39;
	v0 =	vmul.f32 v53, v0  }
0x251: {  	v53 =	vmul.f32 v42, v39;
	v42 =	vld.idx.msk [tilespmem:v61+s22+$0x0], $0xffff;
	v37 =	vadd.f32 v44, v37;
	v44 =	vadd.f32 $0.0e+00, v45  }
0x252: {  	v30 =	vadd.s32 $0x1, v26;
	v40 =	vmul.f32 v40, v46;
	v45 =	vld [tilespmem:$0x10C00];
	v2 =	vadd.f32 v2, v41  }
0x253: {  	v39 =	vmul.f32 v60, v39;
	v60 =	vld [tilespmem:$0x10D80];
	v0 =	vadd.f32 v0, v44;
	v37 =	vadd.f32 v43, v37  }
0x254: {  	v38 =	vmul.f32 v38, v46;
	v36 =	vmul.f32 v36, v48;
	v43 =	vld [tilespmem:$0x11B00];
	v2 =	vadd.f32 v53, v2  }
0x255: {  	v41 =	vld.idx.msk [tilespmem:v63+s22+$0x0], $0xffff;
	v53 =	vmul.f32 v47, v46;
	v37 =	vadd.f32 v40, v37;
	v0 =	vadd.f32 v39, v0  }
0x256: {  	v32 =	vmul.f32 v32, v54;
	v34 =	vmul.f32 v34, v48;
	v61 =	vld.idx.msk [tilespmem:v62+s22+$0x0], $0xffff;
	v2 =	vadd.f32 v38, v2  }
0x257: {  	v63 =	vld [tilespmem:$0x11C80];
	v62 =	vmul.f32 v45, v48;
	v0 =	vadd.f32 v53, v0;
	v36 =	vadd.f32 v36, v37  }
0x258: {  	v31 =	vmul.f32 v31, v54;
	v44 =	vld.idx.msk [tilespmem:v57+s22+$0x0], $0xffff;
	v29 =	vmul.f32 v29, v42;
	v2 =	vadd.f32 v34, v2  }
0x259: {  	v46 =	vld [tilespmem:$0x10F00];
	v45 =	vmul.f32 v43, v54;
	v32 =	vadd.f32 v32, v36;
	v0 =	vadd.f32 v62, v0  }
0x25a: {  	v47 =	vld.idx.msk [tilespmem:v58+s22+$0x0], $0xffff;
	v28 =	vmul.f32 v28, v42;
	v27 =	vmul.f32 v27, v41;
	v2 =	vadd.f32 v31, v2  }
0x25b: {  	v58 =	vld [tilespmem:$0x11080];
	v48 =	vmul.f32 v60, v42;
	v0 =	vadd.f32 v45, v0;
	v29 =	vadd.f32 v29, v32  }
0x25c: {  	v24 =	vmul.f32 v24, v61;
	v25 =	vmul.f32 v25, v41;
	v53 =	vld [tilespmem:$0x11E00];
	v2 =	vadd.f32 v28, v2  }
0x25d: {  	v38 =	vld [tilespmem:$0x12100];
	v57 =	vmul.f32 v63, v41;
	v27 =	vadd.f32 v27, v29;
	v0 =	vadd.f32 v48, v0  }
0x25e: {  	v23 =	vmul.f32 v23, v61;
	v54 =	vld.idx.msk [tilespmem:v59+s22+$0x0], $0xffff;
	v22 =	vmul.f32 v22, v44;
	v2 =	vadd.f32 v25, v2  }
0x25f: {  	v59 =	vld.idx.msk [tilespmem:v55+s22+$0x0], $0xffff;
	v60 =	vmul.f32 v46, v61;
	v0 =	vadd.f32 v57, v0;
	v24 =	vadd.f32 v24, v27  }
0x260: {  	v61 =	vld [tilespmem:$0x11F80];
	v21 =	vmul.f32 v21, v44;
	v20 =	vmul.f32 v20, v47;
	v2 =	vadd.f32 v23, v2  }
0x261: {  	v34 =	vld [tilespmem:$0x11200];
	v63 =	vmul.f32 v53, v44;
	v22 =	vadd.f32 v22, v24;
	v0 =	vadd.f32 v60, v0  }
0x262: {  	v19 =	vmul.f32 v19, v47;
	v37 =	vmul.f32 v58, v47;
	v62 =	vld.idx.msk [tilespmem:v56+s22+$0x0], $0xffff;
	v2 =	vadd.f32 v21, v2  }
0x263: {  	v36 =	vld.idx.msk [tilespmem:v50+s22+$0x0], $0xffff;
	v18 =	vmul.f32 v18, v54;
	v0 =	vadd.f32 v63, v0;
	v20 =	vadd.f32 v20, v22  }
0x264: {  	v39 =	vld.idx.msk [tilespmem:v51+s22+$0x0], $0xffff;
	v17 =	vmul.f32 v17, v54;
	v16 =	vmul.f32 v16, v59;
	v2 =	vadd.f32 v19, v2  }
0x265: {  	v51 =	vld.idx.msk [tilespmem:v33+s22+$0x0], $0xffff;
	v40 =	vmul.f32 v61, v54;
	v18 =	vadd.f32 v18, v20;
	v0 =	vadd.f32 v37, v0  }
0x266: {  	v41 =	vld [tilespmem:$0x11380];
	v15 =	vmul.f32 v15, v59;
	v43 =	vmul.f32 v34, v59;
	v2 =	vadd.f32 v17, v2  }
0x267: {  	v42 =	vld.idx.msk [tilespmem:v52+s22+$0x0], $0xffff;
	v14 =	vmul.f32 v14, v62;
	v0 =	vadd.f32 v40, v0;
	v16 =	vadd.f32 v16, v18  }
0x268: {  	v44 =	vld [tilespmem:$0x12280];
	v13 =	vmul.f32 v13, v62;
	v12 =	vmul.f32 v12, v36;
	v2 =	vadd.f32 v15, v2  }
0x269: {  	v47 =	vld [tilespmem:$0x11500];
	v46 =	vmul.f32 v38, v62;
	v14 =	vadd.f32 v14, v16;
	v0 =	vadd.f32 v43, v0  }
0x26a: {  	v10 =	vmul.f32 v10, v39;
	v45 =	vld.idx.msk [tilespmem:v49+s22+$0x0], $0xffff;
	v11 =	vmul.f32 v11, v36;
	v2 =	vadd.f32 v13, v2  }
0x26b: {  	v50 =	vld [tilespmem:$0x12400];
	v49 =	vmul.f32 v41, v36;
	v0 =	vadd.f32 v46, v0;
	v12 =	vadd.f32 v12, v14  }
0x26c: {  	v9 =	vmul.f32 v9, v39;
	v8 =	vmul.f32 v8, v42;
	v48 =	vld.idx.msk [tilespmem:v35+s22+$0x0], $0xffff;
	v2 =	vadd.f32 v11, v2  }
0x26d: {  	v53 =	vld [tilespmem:$0x11600];
	v52 =	vmul.f32 v44, v39;
	v10 =	vadd.f32 v10, v12;
	v0 =	vadd.f32 v49, v0  }
0x26e: {  	v7 =	vmul.f32 v7, v42;
	v54 =	vld [tilespmem:$0x11680];
	v55 =	vmul.f32 v47, v42;
	v2 =	vadd.f32 v9, v2  }
0x26f: {  	v56 =	vld [tilespmem:$0x12500];
	v6 =	vmul.f32 v6, v45;
	v0 =	vadd.f32 v52, v0;
	v8 =	vadd.f32 v8, v10  }
0x270: {  	v57 =	vld [tilespmem:$0x12580];
	v5 =	vmul.f32 v5, v45;
	v58 =	vmul.f32 v50, v45;
	v2 =	vadd.f32 v7, v2  }
0x271: {  	v3 =	vmul.f32 v3, v48;
	v6 =	vadd.f32 v6, v8;
	v0 =	vadd.f32 v55, v0  }
0x272: {  	v4 =	vmul.f32 v4, v51;
	v59 =	vmul.f32 v53, v48;
	v2 =	vadd.f32 v5, v2  }
0x273: {  	v60 =	vmul.f32 v54, v48;
	v0 =	vadd.f32 v58, v0;
	v3 =	vadd.f32 v3, v6  }
0x274: {  	v61 =	vmul.f32 v56, v51;
	v62 =	vadd.s32 $0x2, v26;
	v2 =	vadd.f32 v59, v2  }
0x275: {  	s0 =	sadd.s32 s6, s29;
	v63 =	vmul.f32 v57, v51;
	v3 =	vadd.f32 v4, v3;
	v0 =	vadd.f32 v60, v0  }
0x276: {  	s0 =	smul.u32 $0x3, s0;
	v2 =	vadd.f32 v61, v2  }
0x277: {  	s28 =	sadd.s32 $0x1, s28;
	v0 =	vadd.f32 v63, v0;
	[tilespmem:v26+s23+$0x0] =	vst.idx.msk $0xffff, v3  }
0x278: {  	p0 =	sne.s32 s28, $0x4;
	s0 =	sshrl.u32 s0, $0x3;
	[tilespmem:v30+s23+$0x0] =	vst.idx.msk $0xffff, v2  }
.Ltmp6:
0x279: {  	s0 =	sadd.s32 s1, s0;
	[tilespmem:v62+s23+$0x0] =	vst.idx.msk $0xffff, v0;
	(pc) =	sbr.rel @p0 .LBB2_2-.Ltmp6, $4  }
0x27a: {  	[hbm4b:s0+s3] =	stream.linear.scatter [tilespmem:s23], [sflag:$0x5], $0xC0, $0x38;
	[tilespmem:$0x12900] =	vst v63  }
0x27b: {  	_ =	swait.ge [sflag:s16], $0xC0  }
0x27c: {  	[sflag:s16] =	ssyncset.done $0x0  }
0x27d: {  	v0 =	vimm.f32 $0.0e+00;
	[sflag:s16] =	ssyncadd.s32 $0xFFFFFF40  }
0x27e: {  	s26 =	sadd.s32 $0x1, s26  }
0x27f: {  	p0 =	sne.s32 s26, s14  }
.Ltmp7:
0x280: {  	_ = 	snop;
	(pc) =	sbr.rel @p0 .LBB2_1-.Ltmp7, $1  }
0x281: {  	_ =	sdelay $0x3  }
0x282: {  	_ =	sfence.sel $0x180000  }
0x283: {  	[bflag:$0x0] =	sbarrier.arrive $0xFFFF  }
0x284: {  	_ =	strace $0x90000047  }
0x285: {  	s0 =	stileid.u32;
	[bflag:$0x2] =	sbarrier.arrive $0xFFFF  }
0x286: {  	p0 =	sne.s32 s0, $0x0;
	s0 =	rddreg [dreg:$0x2]  }
0x287: {  	s0 =	sadd.s32 @!p0 $0x100000, s0  }
0x288: {  	[sflag:s0] =	ssyncadd.tile.s32 @!p0 $0x1;
	_ =	shalt  }
.Lfunc_end2:
_tile_overlayer_lowered:
.L_overlay_start_2:
0x289: {  	(tag) =	ssettag $0x2  }
0x28a: {  	s0 =	rddreg [dreg:$0x0];
	s2 =	stileid.u32  }
0x28b: {  	s1 =	rddreg [dreg:$0x1];
	p0 =	sne.s32 s2, $0x0  }
0x28c: {  	s3 =	rddreg [dreg:$0x2];
	[bflag:$0x3] =	sbarrier.arrive $0xFFFF;
	s2 =	simm.s32 @!p0 $0x1C05  }
0x28d: {  	[timem:s3], [sflag:s2] =	dma.local @!p0 [hbm:s0], s1  }
0x28e: {  	s0 =	simm.s32 @!p0 $0x5  }
0x28f: {  	_ =	swait.ge @!p0 [sflag:s0], s1  }
0x290: {  	s1 =	ssub.s32 @!p0 $0x0, s1;
	[sflag:s0] =	ssyncset.done @!p0 $0x0  }
0x291: {  	[sflag:s0] =	ssyncadd.s32 @!p0 s1  }
0x292: {  	[bflag:$0x3] =	sbarrier.arrive $0xFFFF  }
0x293: {  	_ =	shalt  }

</sc_bundles>
